<compile_context>
chip_gen: v7x
topology: tpu7x:2x2x1
jax: 0.10.2.dev20260603
libtpu: 0.0.44.dev20260713+nightly
codegen_flags: <defaults>
</compile_context>

<pallas_src>
import functools

import jax
import jax.numpy as jnp
from jax import lax
from jax.experimental import pallas as pl
from jax.experimental.pallas import tpu as pltpu, tpu_sc as plsc

D = 16
V = 100000
B = 16384
NC = 2
NS = 16
DH = D // NC
B_PER_T = B // NS
LB = B_PER_T // 128
L = 16

_mesh = plsc.VectorSubcoreMesh(core_axis_name="c", subcore_axis_name="s")


@functools.partial(
    pl.kernel,
    mesh=_mesh,
    out_type=jax.ShapeDtypeStruct((B * D // 128, 128), jnp.float32),
    scratch_types=[
        pltpu.VMEM((B_PER_T,), jnp.int32),
        pltpu.VMEM((DH * B_PER_T,), jnp.int32),
        pltpu.VMEM((LB, DH, 128), jnp.float32),
        pltpu.VMEM_SHARED((DH * V,), jnp.float32),
        pltpu.SemaphoreType.DMA,
        pltpu.SemaphoreType.DMA,
    ],
    compiler_params=pltpu.CompilerParams(
        use_tc_tiling_on_sc=False,
        disable_bounds_checks=True,
        disable_semaphore_checks=True,
        skip_device_barrier=True,
    ),
)
def _gather_kernel(idx_hbm, table_t_hbm, out_hbm, idx_v, gidx_v, buf_v,
                   tbl_sp, ssem, gsem):
    cid = lax.axis_index("c")
    sid = lax.axis_index("s")
    row = cid * DH + sid // 2
    half = (sid % 2) * (V // 2)
    stage = pltpu.async_copy(
        table_t_hbm.at[row, pl.ds(half, V // 2)],
        tbl_sp.at[pl.ds((sid // 2) * V + half, V // 2)],
        ssem,
    )
    pltpu.sync_copy(idx_hbm.at[pl.ds(sid * B_PER_T, B_PER_T)], idx_v)

    def body(c, _):
        iv = idx_v[pl.ds(c * L, L)]
        for dd in range(DH):
            gidx_v[pl.ds(dd * B_PER_T + c * L, L)] = iv + dd * V
        return 0

    lax.fori_loop(0, B_PER_T // L, body, 0)
    stage.wait()
    plsc.subcore_barrier()
    copies = [
        pltpu.async_copy(
            tbl_sp.at[gidx_v.at[pl.ds(dd * B_PER_T + lb * 128, 128)]],
            buf_v.at[lb, dd],
            gsem,
        )
        for dd in range(DH)
        for lb in range(LB)
    ]
    for c in copies:
        c.wait()
    outs = []
    for lb in range(LB):
        bb = cid * 128 + sid * LB + lb
        outs.append(
            pltpu.async_copy(
                buf_v.at[lb],
                out_hbm.at[pl.ds(bb * DH, DH), :],
                ssem,
            )
        )
    for o in outs:
        o.wait()


def kernel(task_id, table):
    out2048 = _gather_kernel(task_id.astype(jnp.int32), table.T)
    return (
        out2048.reshape(NC, B // 128, DH, 128)
        .transpose(1, 3, 0, 2)
        .reshape(B, D)
    )

# --- scband reference (transcript-rebuilt; emitter-appended) ---
"""Pipeline reference for scband-task-embedding-50302656971378 (READ-ONLY COPY).

The authoritative reference and input builder live on the scoring server;
editing this copy changes nothing except your own understanding.
"""

import jax, jax.numpy as jnp
import numpy as np

NUM_TASKS = 100000
EMBED_DIM = 16
BATCH = 16384

def setup_inputs(seed: int = 0) -> dict:
    key = jax.random.key(seed)
    k_idx, k_tbl = jax.random.split(key)
    task_id = jax.random.randint(k_idx, (BATCH,), 0, NUM_TASKS, dtype=jnp.int64 if jax.config.jax_enable_x64 else jnp.int32)
    table = jax.random.normal(k_tbl, (NUM_TASKS, EMBED_DIM), dtype=jnp.float32)
    return {"task_id": task_id, "table": table}

def reference(task_id, table):
    # nn.Embedding forward: gather rows of the table by index
    return jnp.take(table, task_id, axis=0)

if __name__ == "__main__":
    import jax
    _d = setup_inputs()
    print(jax.jit(kernel)(*tuple(_d.values())))

</pallas_src>

<mosaic_0001>
#map = affine_map<(d0, d1) -> (0)>
#map1 = affine_map<(d0, d1) -> (0, 0)>
module attributes {stable_mosaic.version = 14 : i64} {
  func.func @_gather_kernel(%arg0: i32, %arg1: i32, %arg2: memref<16384xi32, #tpu.memory_space<hbm>>, %arg3: memref<16x100000xf32, #tpu.memory_space<hbm>>, %arg4: memref<2048x128xf32, #tpu.memory_space<hbm>>, %arg5: memref<1024xi32, #tpu.memory_space<vmem>>, %arg6: memref<8192xi32, #tpu.memory_space<vmem>>, %arg7: memref<8x8x128xf32, #tpu.memory_space<vmem>>, %arg8: memref<800000xf32, #tpu.memory_space<vmem_shared>>, %arg9: memref<!tpu.dma_semaphore, #tpu.memory_space<semaphore_mem>>, %arg10: memref<!tpu.dma_semaphore, #tpu.memory_space<semaphore_mem>>) attributes {dimension_semantics = [#tpu.dimension_semantics<core_parallel>, #tpu.dimension_semantics<subcore_parallel>], iteration_bounds = array<i64: 2, 16>, scalar_prefetch = 0 : i64, scratch_operands = 6 : i64, tpu.core_type = #tpu.core_type<sc_vector_subcore>, window_params = [{transform_indices = #map}, {transform_indices = #map1}, {transform_indices = #map1}]} {
    %mul3A = arith.constant 8 : i32
    %mul3A_0 = arith.muli %arg0, %mul3A : i32
    %jit3A = arith.constant 2 : i32
    %div3A = arith.divsi %arg1, %jit3A : i32
    %sign3A = arith.constant 0 : i32
    %sign3A_1 = arith.cmpi sgt, %arg1, %sign3A : i32
    %sign3A_2 = arith.extui %sign3A_1 : i1 to i32
    %sign3A_3 = arith.constant 0 : i32
    %sign3A_4 = arith.cmpi slt, %arg1, %sign3A_3 : i32
    %sign3A_5 = arith.extui %sign3A_4 : i1 to i32
    %sign3A_6 = arith.subi %sign3A_2, %sign3A_5 : i32
    %sign3A_7 = arith.constant 0 : i32
    %sign3A_8 = arith.cmpi sgt, %jit3A, %sign3A_7 : i32
    %sign3A_9 = arith.extui %sign3A_8 : i1 to i32
    %sign3A_10 = arith.constant 0 : i32
    %sign3A_11 = arith.cmpi slt, %jit3A, %sign3A_10 : i32
    %sign3A_12 = arith.extui %sign3A_11 : i1 to i32
    %sign3A_13 = arith.subi %sign3A_9, %sign3A_12 : i32
    %ne3A = arith.cmpi ne, %sign3A_6, %sign3A_13 : i32
    %rem3A = arith.remsi %arg1, %jit3A : i32
    %ne3A_14 = arith.constant 0 : i32
    %ne3A_15 = arith.cmpi ne, %rem3A, %ne3A_14 : i32
    %and3A = arith.andi %ne3A, %ne3A_15 : i1
    %sub3A = arith.constant 1 : i32
    %sub3A_16 = arith.subi %div3A, %sub3A : i32
    %select_n3A = arith.select %and3A, %sub3A_16, %div3A : i32
    %add3A = arith.addi %mul3A_0, %select_n3A : i32
    %jit3A_17 = arith.constant 2 : i32
    %eq3A = arith.constant 0 : i32
    %eq3A_18 = arith.cmpi eq, %jit3A_17, %eq3A : i32
    %jit3A_19 = arith.constant 1 : i32
    %select_n3A_20 = arith.select %eq3A_18, %jit3A_19, %jit3A_17 : i32
    %rem3A_21 = arith.remsi %arg1, %select_n3A_20 : i32
    %ne3A_22 = arith.constant 0 : i32
    %ne3A_23 = arith.cmpi ne, %rem3A_21, %ne3A_22 : i32
    %lt3A = arith.constant 0 : i32
    %lt3A_24 = arith.cmpi slt, %rem3A_21, %lt3A : i32
    %lt3A_25 = arith.constant 0 : i32
    %lt3A_26 = arith.cmpi slt, %select_n3A_20, %lt3A_25 : i32
    %ne3A_27 = arith.xori %lt3A_24, %lt3A_26 : i1
    %and3A_28 = arith.andi %ne3A_27, %ne3A_23 : i1
    %add3A_29 = arith.addi %rem3A_21, %select_n3A_20 : i32
    %select_n3A_30 = arith.select %and3A_28, %add3A_29, %rem3A_21 : i32
    %mul3A_31 = arith.constant 50000 : i32
    %mul3A_32 = arith.muli %select_n3A_30, %mul3A_31 : i32
    %jit3A_33 = arith.constant 2 : i32
    %div3A_34 = arith.divsi %arg1, %jit3A_33 : i32
    %sign3A_35 = arith.constant 0 : i32
    %sign3A_36 = arith.cmpi sgt, %arg1, %sign3A_35 : i32
    %sign3A_37 = arith.extui %sign3A_36 : i1 to i32
    %sign3A_38 = arith.constant 0 : i32
    %sign3A_39 = arith.cmpi slt, %arg1, %sign3A_38 : i32
    %sign3A_40 = arith.extui %sign3A_39 : i1 to i32
    %sign3A_41 = arith.subi %sign3A_37, %sign3A_40 : i32
    %sign3A_42 = arith.constant 0 : i32
    %sign3A_43 = arith.cmpi sgt, %jit3A_33, %sign3A_42 : i32
    %sign3A_44 = arith.extui %sign3A_43 : i1 to i32
    %sign3A_45 = arith.constant 0 : i32
    %sign3A_46 = arith.cmpi slt, %jit3A_33, %sign3A_45 : i32
    %sign3A_47 = arith.extui %sign3A_46 : i1 to i32
    %sign3A_48 = arith.subi %sign3A_44, %sign3A_47 : i32
    %ne3A_49 = arith.cmpi ne, %sign3A_41, %sign3A_48 : i32
    %rem3A_50 = arith.remsi %arg1, %jit3A_33 : i32
    %ne3A_51 = arith.constant 0 : i32
    %ne3A_52 = arith.cmpi ne, %rem3A_50, %ne3A_51 : i32
    %and3A_53 = arith.andi %ne3A_49, %ne3A_52 : i1
    %sub3A_54 = arith.constant 1 : i32
    %sub3A_55 = arith.subi %div3A_34, %sub3A_54 : i32
    %select_n3A_56 = arith.select %and3A_53, %sub3A_55, %div3A_34 : i32
    %mul3A_57 = arith.constant 100000 : i32
    %mul3A_58 = arith.muli %select_n3A_56, %mul3A_57 : i32
    %add3A_59 = arith.addi %mul3A_58, %mul3A_32 : i32
    %dma_start3A = tpu.memref_slice %arg8[%add3A_59] : memref<800000xf32, #tpu.memory_space<vmem_shared>> -> memref<50000xf32, #tpu.memory_space<vmem_shared>>
    %dma_start3A_60 = tpu.memref_slice %arg3[%add3A, %mul3A_32] : memref<16x100000xf32, #tpu.memory_space<hbm>> -> memref<1x50000xf32, #tpu.memory_space<hbm>>
    %dma_start3A_61 = tpu.memref_squeeze %dma_start3A_60 : memref<1x50000xf32, #tpu.memory_space<hbm>> -> memref<50000xf32, #tpu.memory_space<hbm>>
    tpu.enqueue_dma source(%dma_start3A_61 : memref<50000xf32, #tpu.memory_space<hbm>>) target(%dma_start3A : memref<50000xf32, #tpu.memory_space<vmem_shared>>) target_semaphore(%arg9 : memref<!tpu.dma_semaphore, #tpu.memory_space<semaphore_mem>>)
    %mul3A_62 = arith.constant 1024 : i32
    %mul3A_63 = arith.muli %arg1, %mul3A_62 : i32
    "tpu.region"() ({
      %run_scoped3A = tpu.sem_alloc : memref<!tpu.dma_semaphore, #tpu.memory_space<semaphore_mem>>
      %dma_start3A_1504 = tpu.memref_slice %arg2[%mul3A_63] : memref<16384xi32, #tpu.memory_space<hbm>> -> memref<1024xi32, #tpu.memory_space<hbm>>
      %dma_start3A_1505 = tpu.memref_slice %arg2[%mul3A_63] : memref<16384xi32, #tpu.memory_space<hbm>> -> memref<1024xi32, #tpu.memory_space<hbm>>
      tpu.enqueue_dma source(%dma_start3A_1505 : memref<1024xi32, #tpu.memory_space<hbm>>) target(%arg5 : memref<1024xi32, #tpu.memory_space<vmem>>) target_semaphore(%run_scoped3A : memref<!tpu.dma_semaphore, #tpu.memory_space<semaphore_mem>>)
      %dma_wait3A_1506 = tpu.memref_slice %arg2[%mul3A_63] : memref<16384xi32, #tpu.memory_space<hbm>> -> memref<1024xi32, #tpu.memory_space<hbm>>
      %dma_wait3A_1507 = tpu.memref_slice %arg2[%mul3A_63] : memref<16384xi32, #tpu.memory_space<hbm>> -> memref<1024xi32, #tpu.memory_space<hbm>>
      tpu.wait_dma2 semaphore(%run_scoped3A : memref<!tpu.dma_semaphore, #tpu.memory_space<semaphore_mem>>) src(%dma_wait3A_1507 : memref<1024xi32, #tpu.memory_space<hbm>>) dst(%arg5 : memref<1024xi32, #tpu.memory_space<vmem>>)
      tpu.yield
    }) : () -> ()
    %scan3A = arith.constant 0 : i32
    %scan3A_64 = arith.constant 0 : i32
    %scan3A_65 = arith.constant 64 : i32
    %scan3A_66 = arith.addi %scan3A_64, %scan3A_65 : i32
    %scan3A_67 = arith.constant 1 : i32
    %scan3A_68 = scf.for %scan3A_1504 = %scan3A_64 to %scan3A_66 step %scan3A_67 iter_args(%scan3A_1505 = %scan3A) -> (i32)  : i32 {
      %mul3A_1506 = arith.constant 16 : i32
      %mul3A_1507 = arith.muli %scan3A_1504, %mul3A_1506 : i32
      %get3A = arith.index_cast %mul3A_1507 : i32 to index
      %get3A_1508 = tpu.vector_load %arg5[%get3A] {strides = array<i32>} : memref<1024xi32, #tpu.memory_space<vmem>>, vector<16xi32>,
      %get3A_1509 = vector.shape_cast %get3A_1508 : vector<16xi32> to vector<16xi32>
      %add3A_1510 = arith.constant 0 : i32
      %add3A_1511 = vector.broadcast %add3A_1510 : i32 to vector<16xi32>
      %add3A_1512 = arith.addi %get3A_1509, %add3A_1511 : vector<16xi32>
      %mul3A_1513 = arith.constant 16 : i32
      %mul3A_1514 = arith.muli %scan3A_1504, %mul3A_1513 : i32
      %add3A_1515 = arith.constant 0 : i32
      %add3A_1516 = arith.addi %add3A_1515, %mul3A_1514 : i32
      %swap3A = arith.index_cast %add3A_1516 : i32 to index
      %swap3A_1517 = tpu.vector_load %arg6[%swap3A] {strides = array<i32>} : memref<8192xi32, #tpu.memory_space<vmem>>, vector<16xi32>,
      %swap3A_1518 = vector.shape_cast %swap3A_1517 : vector<16xi32> to vector<16xi32>
      %swap3A_1519 = vector.shape_cast %add3A_1512 : vector<16xi32> to vector<16xi32>
      tpu.vector_store %arg6[%swap3A], %swap3A_1519 {strides = array<i32>} : memref<8192xi32, #tpu.memory_space<vmem>>, vector<16xi32>,
      %add3A_1520 = arith.constant 100000 : i32
      %add3A_1521 = vector.broadcast %add3A_1520 : i32 to vector<16xi32>
      %add3A_1522 = arith.addi %get3A_1509, %add3A_1521 : vector<16xi32>
      %mul3A_1523 = arith.constant 16 : i32
      %mul3A_1524 = arith.muli %scan3A_1504, %mul3A_1523 : i32
      %add3A_1525 = arith.constant 1024 : i32
      %add3A_1526 = arith.addi %add3A_1525, %mul3A_1524 : i32
      %swap3A_1527 = arith.index_cast %add3A_1526 : i32 to index
      %swap3A_1528 = tpu.vector_load %arg6[%swap3A_1527] {strides = array<i32>} : memref<8192xi32, #tpu.memory_space<vmem>>, vector<16xi32>,
      %swap3A_1529 = vector.shape_cast %swap3A_1528 : vector<16xi32> to vector<16xi32>
      %swap3A_1530 = vector.shape_cast %add3A_1522 : vector<16xi32> to vector<16xi32>
      tpu.vector_store %arg6[%swap3A_1527], %swap3A_1530 {strides = array<i32>} : memref<8192xi32, #tpu.memory_space<vmem>>, vector<16xi32>,
      %add3A_1531 = arith.constant 200000 : i32
      %add3A_1532 = vector.broadcast %add3A_1531 : i32 to vector<16xi32>
      %add3A_1533 = arith.addi %get3A_1509, %add3A_1532 : vector<16xi32>
      %mul3A_1534 = arith.constant 16 : i32
      %mul3A_1535 = arith.muli %scan3A_1504, %mul3A_1534 : i32
      %add3A_1536 = arith.constant 2048 : i32
      %add3A_1537 = arith.addi %add3A_1536, %mul3A_1535 : i32
      %swap3A_1538 = arith.index_cast %add3A_1537 : i32 to index
      %swap3A_1539 = tpu.vector_load %arg6[%swap3A_1538] {strides = array<i32>} : memref<8192xi32, #tpu.memory_space<vmem>>, vector<16xi32>,
      %swap3A_1540 = vector.shape_cast %swap3A_1539 : vector<16xi32> to vector<16xi32>
      %swap3A_1541 = vector.shape_cast %add3A_1533 : vector<16xi32> to vector<16xi32>
      tpu.vector_store %arg6[%swap3A_1538], %swap3A_1541 {strides = array<i32>} : memref<8192xi32, #tpu.memory_space<vmem>>, vector<16xi32>,
      %add3A_1542 = arith.constant 300000 : i32
      %add3A_1543 = vector.broadcast %add3A_1542 : i32 to vector<16xi32>
      %add3A_1544 = arith.addi %get3A_1509, %add3A_1543 : vector<16xi32>
      %mul3A_1545 = arith.constant 16 : i32
      %mul3A_1546 = arith.muli %scan3A_1504, %mul3A_1545 : i32
      %add3A_1547 = arith.constant 3072 : i32
      %add3A_1548 = arith.addi %add3A_1547, %mul3A_1546 : i32
      %swap3A_1549 = arith.index_cast %add3A_1548 : i32 to index
      %swap3A_1550 = tpu.vector_load %arg6[%swap3A_1549] {strides = array<i32>} : memref<8192xi32, #tpu.memory_space<vmem>>, vector<16xi32>,
      %swap3A_1551 = vector.shape_cast %swap3A_1550 : vector<16xi32> to vector<16xi32>
      %swap3A_1552 = vector.shape_cast %add3A_1544 : vector<16xi32> to vector<16xi32>
      tpu.vector_store %arg6[%swap3A_1549], %swap3A_1552 {strides = array<i32>} : memref<8192xi32, #tpu.memory_space<vmem>>, vector<16xi32>,
      %add3A_1553 = arith.constant 400000 : i32
      %add3A_1554 = vector.broadcast %add3A_1553 : i32 to vector<16xi32>
      %add3A_1555 = arith.addi %get3A_1509, %add3A_1554 : vector<16xi32>
      %mul3A_1556 = arith.constant 16 : i32
      %mul3A_1557 = arith.muli %scan3A_1504, %mul3A_1556 : i32
      %add3A_1558 = arith.constant 4096 : i32
      %add3A_1559 = arith.addi %add3A_1558, %mul3A_1557 : i32
      %swap3A_1560 = arith.index_cast %add3A_1559 : i32 to index
      %swap3A_1561 = tpu.vector_load %arg6[%swap3A_1560] {strides = array<i32>} : memref<8192xi32, #tpu.memory_space<vmem>>, vector<16xi32>,
      %swap3A_1562 = vector.shape_cast %swap3A_1561 : vector<16xi32> to vector<16xi32>
      %swap3A_1563 = vector.shape_cast %add3A_1555 : vector<16xi32> to vector<16xi32>
      tpu.vector_store %arg6[%swap3A_1560], %swap3A_1563 {strides = array<i32>} : memref<8192xi32, #tpu.memory_space<vmem>>, vector<16xi32>,
      %add3A_1564 = arith.constant 500000 : i32
      %add3A_1565 = vector.broadcast %add3A_1564 : i32 to vector<16xi32>
      %add3A_1566 = arith.addi %get3A_1509, %add3A_1565 : vector<16xi32>
      %mul3A_1567 = arith.constant 16 : i32
      %mul3A_1568 = arith.muli %scan3A_1504, %mul3A_1567 : i32
      %add3A_1569 = arith.constant 5120 : i32
      %add3A_1570 = arith.addi %add3A_1569, %mul3A_1568 : i32
      %swap3A_1571 = arith.index_cast %add3A_1570 : i32 to index
      %swap3A_1572 = tpu.vector_load %arg6[%swap3A_1571] {strides = array<i32>} : memref<8192xi32, #tpu.memory_space<vmem>>, vector<16xi32>,
      %swap3A_1573 = vector.shape_cast %swap3A_1572 : vector<16xi32> to vector<16xi32>
      %swap3A_1574 = vector.shape_cast %add3A_1566 : vector<16xi32> to vector<16xi32>
      tpu.vector_store %arg6[%swap3A_1571], %swap3A_1574 {strides = array<i32>} : memref<8192xi32, #tpu.memory_space<vmem>>, vector<16xi32>,
      %add3A_1575 = arith.constant 600000 : i32
      %add3A_1576 = vector.broadcast %add3A_1575 : i32 to vector<16xi32>
      %add3A_1577 = arith.addi %get3A_1509, %add3A_1576 : vector<16xi32>
      %mul3A_1578 = arith.constant 16 : i32
      %mul3A_1579 = arith.muli %scan3A_1504, %mul3A_1578 : i32
      %add3A_1580 = arith.constant 6144 : i32
      %add3A_1581 = arith.addi %add3A_1580, %mul3A_1579 : i32
      %swap3A_1582 = arith.index_cast %add3A_1581 : i32 to index
      %swap3A_1583 = tpu.vector_load %arg6[%swap3A_1582] {strides = array<i32>} : memref<8192xi32, #tpu.memory_space<vmem>>, vector<16xi32>,
      %swap3A_1584 = vector.shape_cast %swap3A_1583 : vector<16xi32> to vector<16xi32>
      %swap3A_1585 = vector.shape_cast %add3A_1577 : vector<16xi32> to vector<16xi32>
      tpu.vector_store %arg6[%swap3A_1582], %swap3A_1585 {strides = array<i32>} : memref<8192xi32, #tpu.memory_space<vmem>>, vector<16xi32>,
      %add3A_1586 = arith.constant 700000 : i32
      %add3A_1587 = vector.broadcast %add3A_1586 : i32 to vector<16xi32>
      %add3A_1588 = arith.addi %get3A_1509, %add3A_1587 : vector<16xi32>
      %mul3A_1589 = arith.constant 16 : i32
      %mul3A_1590 = arith.muli %scan3A_1504, %mul3A_1589 : i32
      %add3A_1591 = arith.constant 7168 : i32
      %add3A_1592 = arith.addi %add3A_1591, %mul3A_1590 : i32
      %swap3A_1593 = arith.index_cast %add3A_1592 : i32 to index
      %swap3A_1594 = tpu.vector_load %arg6[%swap3A_1593] {strides = array<i32>} : memref<8192xi32, #tpu.memory_space<vmem>>, vector<16xi32>,
      %swap3A_1595 = vector.shape_cast %swap3A_1594 : vector<16xi32> to vector<16xi32>
      %swap3A_1596 = vector.shape_cast %add3A_1588 : vector<16xi32> to vector<16xi32>
      tpu.vector_store %arg6[%swap3A_1593], %swap3A_1596 {strides = array<i32>} : memref<8192xi32, #tpu.memory_space<vmem>>, vector<16xi32>,
      %scan3A_1597 = arith.constant 0 : i32
      scf.yield %scan3A_1597 : i32
    }
    %scan3A_69 = arith.constant 64 : i32
    %dma_wait3A = tpu.memref_slice %arg8[%add3A_59] : memref<800000xf32, #tpu.memory_space<vmem_shared>> -> memref<50000xf32, #tpu.memory_space<vmem_shared>>
    %dma_wait3A_70 = tpu.memref_slice %arg3[%add3A, %mul3A_32] : memref<16x100000xf32, #tpu.memory_space<hbm>> -> memref<1x50000xf32, #tpu.memory_space<hbm>>
    %dma_wait3A_71 = tpu.memref_squeeze %dma_wait3A_70 : memref<1x50000xf32, #tpu.memory_space<hbm>> -> memref<50000xf32, #tpu.memory_space<hbm>>
    tpu.wait_dma2 semaphore(%arg9 : memref<!tpu.dma_semaphore, #tpu.memory_space<semaphore_mem>>) src(%dma_wait3A_71 : memref<50000xf32, #tpu.memory_space<hbm>>) dst(%dma_wait3A : memref<50000xf32, #tpu.memory_space<vmem_shared>>)
    %barrier3A = arith.constant 0 : index
    tpu.barrier barrier_id(%barrier3A)
    %dma_start3A_72 = arith.constant 0 : i32
    %dma_start3A_73 = arith.constant 0 : i32
    %dma_start3A_74 = arith.constant 0 : i32
    %dma_start3A_75 = tpu.memref_slice %arg7[%dma_start3A_72, %dma_start3A_73, %dma_start3A_74] : memref<8x8x128xf32, #tpu.memory_space<vmem>> -> memref<1x1x128xf32, #tpu.memory_space<vmem>>
    %dma_start3A_76 = tpu.memref_squeeze %dma_start3A_75 : memref<1x1x128xf32, #tpu.memory_space<vmem>> -> memref<128xf32, #tpu.memory_space<vmem>>
    %dma_start3A_77 = arith.constant 0 : i32
    %dma_start3A_78 = tpu.memref_slice %arg6[%dma_start3A_77] : memref<8192xi32, #tpu.memory_space<vmem>> -> memref<128xi32, #tpu.memory_space<vmem>>
    %dma_start3A_79 = arith.constant 0 : i32
    %dma_start3A_80 = tpu.memref_slice %arg8[%dma_start3A_79] : memref<800000xf32, #tpu.memory_space<vmem_shared>> -> memref<800000xf32, #tpu.memory_space<vmem_shared>>
    tpu.enqueue_indirect_dma source(%dma_start3A_80 : memref<800000xf32, #tpu.memory_space<vmem_shared>>) target(%dma_start3A_76 : memref<128xf32, #tpu.memory_space<vmem>>) offsets(%dma_start3A_78 : memref<128xi32, #tpu.memory_space<vmem>>) semaphore(%arg10 : memref<!tpu.dma_semaphore, #tpu.memory_space<semaphore_mem>>)
    %dma_start3A_81 = arith.constant 1 : i32
    %dma_start3A_82 = arith.constant 0 : i32
    %dma_start3A_83 = arith.constant 0 : i32
    %dma_start3A_84 = tpu.memref_slice %arg7[%dma_start3A_81, %dma_start3A_82, %dma_start3A_83] : memref<8x8x128xf32, #tpu.memory_space<vmem>> -> memref<1x1x128xf32, #tpu.memory_space<vmem>>
    %dma_start3A_85 = tpu.memref_squeeze %dma_start3A_84 : memref<1x1x128xf32, #tpu.memory_space<vmem>> -> memref<128xf32, #tpu.memory_space<vmem>>
    %dma_start3A_86 = arith.constant 128 : i32
    %dma_start3A_87 = tpu.memref_slice %arg6[%dma_start3A_86] : memref<8192xi32, #tpu.memory_space<vmem>> -> memref<128xi32, #tpu.memory_space<vmem>>
    %dma_start3A_88 = arith.constant 0 : i32
    %dma_start3A_89 = tpu.memref_slice %arg8[%dma_start3A_88] : memref<800000xf32, #tpu.memory_space<vmem_shared>> -> memref<800000xf32, #tpu.memory_space<vmem_shared>>
    tpu.enqueue_indirect_dma source(%dma_start3A_89 : memref<800000xf32, #tpu.memory_space<vmem_shared>>) target(%dma_start3A_85 : memref<128xf32, #tpu.memory_space<vmem>>) offsets(%dma_start3A_87 : memref<128xi32, #tpu.memory_space<vmem>>) semaphore(%arg10 : memref<!tpu.dma_semaphore, #tpu.memory_space<semaphore_mem>>)
    %dma_start3A_90 = arith.constant 2 : i32
    %dma_start3A_91 = arith.constant 0 : i32
    %dma_start3A_92 = arith.constant 0 : i32
    %dma_start3A_93 = tpu.memref_slice %arg7[%dma_start3A_90, %dma_start3A_91, %dma_start3A_92] : memref<8x8x128xf32, #tpu.memory_space<vmem>> -> memref<1x1x128xf32, #tpu.memory_space<vmem>>
    %dma_start3A_94 = tpu.memref_squeeze %dma_start3A_93 : memref<1x1x128xf32, #tpu.memory_space<vmem>> -> memref<128xf32, #tpu.memory_space<vmem>>
    %dma_start3A_95 = arith.constant 256 : i32
    %dma_start3A_96 = tpu.memref_slice %arg6[%dma_start3A_95] : memref<8192xi32, #tpu.memory_space<vmem>> -> memref<128xi32, #tpu.memory_space<vmem>>
    %dma_start3A_97 = arith.constant 0 : i32
    %dma_start3A_98 = tpu.memref_slice %arg8[%dma_start3A_97] : memref<800000xf32, #tpu.memory_space<vmem_shared>> -> memref<800000xf32, #tpu.memory_space<vmem_shared>>
    tpu.enqueue_indirect_dma source(%dma_start3A_98 : memref<800000xf32, #tpu.memory_space<vmem_shared>>) target(%dma_start3A_94 : memref<128xf32, #tpu.memory_space<vmem>>) offsets(%dma_start3A_96 : memref<128xi32, #tpu.memory_space<vmem>>) semaphore(%arg10 : memref<!tpu.dma_semaphore, #tpu.memory_space<semaphore_mem>>)
    %dma_start3A_99 = arith.constant 3 : i32
    %dma_start3A_100 = arith.constant 0 : i32
    %dma_start3A_101 = arith.constant 0 : i32
    %dma_start3A_102 = tpu.memref_slice %arg7[%dma_start3A_99, %dma_start3A_100, %dma_start3A_101] : memref<8x8x128xf32, #tpu.memory_space<vmem>> -> memref<1x1x128xf32, #tpu.memory_space<vmem>>
    %dma_start3A_103 = tpu.memref_squeeze %dma_start3A_102 : memref<1x1x128xf32, #tpu.memory_space<vmem>> -> memref<128xf32, #tpu.memory_space<vmem>>
    %dma_start3A_104 = arith.constant 384 : i32
    %dma_start3A_105 = tpu.memref_slice %arg6[%dma_start3A_104] : memref<8192xi32, #tpu.memory_space<vmem>> -> memref<128xi32, #tpu.memory_space<vmem>>
    %dma_start3A_106 = arith.constant 0 : i32
    %dma_start3A_107 = tpu.memref_slice %arg8[%dma_start3A_106] : memref<800000xf32, #tpu.memory_space<vmem_shared>> -> memref<800000xf32, #tpu.memory_space<vmem_shared>>
    tpu.enqueue_indirect_dma source(%dma_start3A_107 : memref<800000xf32, #tpu.memory_space<vmem_shared>>) target(%dma_start3A_103 : memref<128xf32, #tpu.memory_space<vmem>>) offsets(%dma_start3A_105 : memref<128xi32, #tpu.memory_space<vmem>>) semaphore(%arg10 : memref<!tpu.dma_semaphore, #tpu.memory_space<semaphore_mem>>)
    %dma_start3A_108 = arith.constant 4 : i32
    %dma_start3A_109 = arith.constant 0 : i32
    %dma_start3A_110 = arith.constant 0 : i32
    %dma_start3A_111 = tpu.memref_slice %arg7[%dma_start3A_108, %dma_start3A_109, %dma_start3A_110] : memref<8x8x128xf32, #tpu.memory_space<vmem>> -> memref<1x1x128xf32, #tpu.memory_space<vmem>>
    %dma_start3A_112 = tpu.memref_squeeze %dma_start3A_111 : memref<1x1x128xf32, #tpu.memory_space<vmem>> -> memref<128xf32, #tpu.memory_space<vmem>>
    %dma_start3A_113 = arith.constant 512 : i32
    %dma_start3A_114 = tpu.memref_slice %arg6[%dma_start3A_113] : memref<8192xi32, #tpu.memory_space<vmem>> -> memref<128xi32, #tpu.memory_space<vmem>>
    %dma_start3A_115 = arith.constant 0 : i32
    %dma_start3A_116 = tpu.memref_slice %arg8[%dma_start3A_115] : memref<800000xf32, #tpu.memory_space<vmem_shared>> -> memref<800000xf32, #tpu.memory_space<vmem_shared>>
    tpu.enqueue_indirect_dma source(%dma_start3A_116 : memref<800000xf32, #tpu.memory_space<vmem_shared>>) target(%dma_start3A_112 : memref<128xf32, #tpu.memory_space<vmem>>) offsets(%dma_start3A_114 : memref<128xi32, #tpu.memory_space<vmem>>) semaphore(%arg10 : memref<!tpu.dma_semaphore, #tpu.memory_space<semaphore_mem>>)
    %dma_start3A_117 = arith.constant 5 : i32
    %dma_start3A_118 = arith.constant 0 : i32
    %dma_start3A_119 = arith.constant 0 : i32
    %dma_start3A_120 = tpu.memref_slice %arg7[%dma_start3A_117, %dma_start3A_118, %dma_start3A_119] : memref<8x8x128xf32, #tpu.memory_space<vmem>> -> memref<1x1x128xf32, #tpu.memory_space<vmem>>
    %dma_start3A_121 = tpu.memref_squeeze %dma_start3A_120 : memref<1x1x128xf32, #tpu.memory_space<vmem>> -> memref<128xf32, #tpu.memory_space<vmem>>
    %dma_start3A_122 = arith.constant 640 : i32
    %dma_start3A_123 = tpu.memref_slice %arg6[%dma_start3A_122] : memref<8192xi32, #tpu.memory_space<vmem>> -> memref<128xi32, #tpu.memory_space<vmem>>
    %dma_start3A_124 = arith.constant 0 : i32
    %dma_start3A_125 = tpu.memref_slice %arg8[%dma_start3A_124] : memref<800000xf32, #tpu.memory_space<vmem_shared>> -> memref<800000xf32, #tpu.memory_space<vmem_shared>>
    tpu.enqueue_indirect_dma source(%dma_start3A_125 : memref<800000xf32, #tpu.memory_space<vmem_shared>>) target(%dma_start3A_121 : memref<128xf32, #tpu.memory_space<vmem>>) offsets(%dma_start3A_123 : memref<128xi32, #tpu.memory_space<vmem>>) semaphore(%arg10 : memref<!tpu.dma_semaphore, #tpu.memory_space<semaphore_mem>>)
    %dma_start3A_126 = arith.constant 6 : i32
    %dma_start3A_127 = arith.constant 0 : i32
    %dma_start3A_128 = arith.constant 0 : i32
    %dma_start3A_129 = tpu.memref_slice %arg7[%dma_start3A_126, %dma_start3A_127, %dma_start3A_128] : memref<8x8x128xf32, #tpu.memory_space<vmem>> -> memref<1x1x128xf32, #tpu.memory_space<vmem>>
    %dma_start3A_130 = tpu.memref_squeeze %dma_start3A_129 : memref<1x1x128xf32, #tpu.memory_space<vmem>> -> memref<128xf32, #tpu.memory_space<vmem>>
    %dma_start3A_131 = arith.constant 768 : i32
    %dma_start3A_132 = tpu.memref_slice %arg6[%dma_start3A_131] : memref<8192xi32, #tpu.memory_space<vmem>> -> memref<128xi32, #tpu.memory_space<vmem>>
    %dma_start3A_133 = arith.constant 0 : i32
    %dma_start3A_134 = tpu.memref_slice %arg8[%dma_start3A_133] : memref<800000xf32, #tpu.memory_space<vmem_shared>> -> memref<800000xf32, #tpu.memory_space<vmem_shared>>
    tpu.enqueue_indirect_dma source(%dma_start3A_134 : memref<800000xf32, #tpu.memory_space<vmem_shared>>) target(%dma_start3A_130 : memref<128xf32, #tpu.memory_space<vmem>>) offsets(%dma_start3A_132 : memref<128xi32, #tpu.memory_space<vmem>>) semaphore(%arg10 : memref<!tpu.dma_semaphore, #tpu.memory_space<semaphore_mem>>)
    %dma_start3A_135 = arith.constant 7 : i32
    %dma_start3A_136 = arith.constant 0 : i32
    %dma_start3A_137 = arith.constant 0 : i32
    %dma_start3A_138 = tpu.memref_slice %arg7[%dma_start3A_135, %dma_start3A_136, %dma_start3A_137] : memref<8x8x128xf32, #tpu.memory_space<vmem>> -> memref<1x1x128xf32, #tpu.memory_space<vmem>>
    %dma_start3A_139 = tpu.memref_squeeze %dma_start3A_138 : memref<1x1x128xf32, #tpu.memory_space<vmem>> -> memref<128xf32, #tpu.memory_space<vmem>>
    %dma_start3A_140 = arith.constant 896 : i32
    %dma_start3A_141 = tpu.memref_slice %arg6[%dma_start3A_140] : memref<8192xi32, #tpu.memory_space<vmem>> -> memref<128xi32, #tpu.memory_space<vmem>>
    %dma_start3A_142 = arith.constant 0 : i32
    %dma_start3A_143 = tpu.memref_slice %arg8[%dma_start3A_142] : memref<800000xf32, #tpu.memory_space<vmem_shared>> -> memref<800000xf32, #tpu.memory_space<vmem_shared>>
    tpu.enqueue_indirect_dma source(%dma_start3A_143 : memref<800000xf32, #tpu.memory_space<vmem_shared>>) target(%dma_start3A_139 : memref<128xf32, #tpu.memory_space<vmem>>) offsets(%dma_start3A_141 : memref<128xi32, #tpu.memory_space<vmem>>) semaphore(%arg10 : memref<!tpu.dma_semaphore, #tpu.memory_space<semaphore_mem>>)
    %dma_start3A_144 = arith.constant 0 : i32
    %dma_start3A_145 = arith.constant 1 : i32
    %dma_start3A_146 = arith.constant 0 : i32
    %dma_start3A_147 = tpu.memref_slice %arg7[%dma_start3A_144, %dma_start3A_145, %dma_start3A_146] : memref<8x8x128xf32, #tpu.memory_space<vmem>> -> memref<1x1x128xf32, #tpu.memory_space<vmem>>
    %dma_start3A_148 = tpu.memref_squeeze %dma_start3A_147 : memref<1x1x128xf32, #tpu.memory_space<vmem>> -> memref<128xf32, #tpu.memory_space<vmem>>
    %dma_start3A_149 = arith.constant 1024 : i32
    %dma_start3A_150 = tpu.memref_slice %arg6[%dma_start3A_149] : memref<8192xi32, #tpu.memory_space<vmem>> -> memref<128xi32, #tpu.memory_space<vmem>>
    %dma_start3A_151 = arith.constant 0 : i32
    %dma_start3A_152 = tpu.memref_slice %arg8[%dma_start3A_151] : memref<800000xf32, #tpu.memory_space<vmem_shared>> -> memref<800000xf32, #tpu.memory_space<vmem_shared>>
    tpu.enqueue_indirect_dma source(%dma_start3A_152 : memref<800000xf32, #tpu.memory_space<vmem_shared>>) target(%dma_start3A_148 : memref<128xf32, #tpu.memory_space<vmem>>) offsets(%dma_start3A_150 : memref<128xi32, #tpu.memory_space<vmem>>) semaphore(%arg10 : memref<!tpu.dma_semaphore, #tpu.memory_space<semaphore_mem>>)
    %dma_start3A_153 = arith.constant 1 : i32
    %dma_start3A_154 = arith.constant 1 : i32
    %dma_start3A_155 = arith.constant 0 : i32
    %dma_start3A_156 = tpu.memref_slice %arg7[%dma_start3A_153, %dma_start3A_154, %dma_start3A_155] : memref<8x8x128xf32, #tpu.memory_space<vmem>> -> memref<1x1x128xf32, #tpu.memory_space<vmem>>
    %dma_start3A_157 = tpu.memref_squeeze %dma_start3A_156 : memref<1x1x128xf32, #tpu.memory_space<vmem>> -> memref<128xf32, #tpu.memory_space<vmem>>
    %dma_start3A_158 = arith.constant 1152 : i32
    %dma_start3A_159 = tpu.memref_slice %arg6[%dma_start3A_158] : memref<8192xi32, #tpu.memory_space<vmem>> -> memref<128xi32, #tpu.memory_space<vmem>>
    %dma_start3A_160 = arith.constant 0 : i32
    %dma_start3A_161 = tpu.memref_slice %arg8[%dma_start3A_160] : memref<800000xf32, #tpu.memory_space<vmem_shared>> -> memref<800000xf32, #tpu.memory_space<vmem_shared>>
    tpu.enqueue_indirect_dma source(%dma_start3A_161 : memref<800000xf32, #tpu.memory_space<vmem_shared>>) target(%dma_start3A_157 : memref<128xf32, #tpu.memory_space<vmem>>) offsets(%dma_start3A_159 : memref<128xi32, #tpu.memory_space<vmem>>) semaphore(%arg10 : memref<!tpu.dma_semaphore, #tpu.memory_space<semaphore_mem>>)
    %dma_start3A_162 = arith.constant 2 : i32
    %dma_start3A_163 = arith.constant 1 : i32
    %dma_start3A_164 = arith.constant 0 : i32
    %dma_start3A_165 = tpu.memref_slice %arg7[%dma_start3A_162, %dma_start3A_163, %dma_start3A_164] : memref<8x8x128xf32, #tpu.memory_space<vmem>> -> memref<1x1x128xf32, #tpu.memory_space<vmem>>
    %dma_start3A_166 = tpu.memref_squeeze %dma_start3A_165 : memref<1x1x128xf32, #tpu.memory_space<vmem>> -> memref<128xf32, #tpu.memory_space<vmem>>
    %dma_start3A_167 = arith.constant 1280 : i32
    %dma_start3A_168 = tpu.memref_slice %arg6[%dma_start3A_167] : memref<8192xi32, #tpu.memory_space<vmem>> -> memref<128xi32, #tpu.memory_space<vmem>>
    %dma_start3A_169 = arith.constant 0 : i32
    %dma_start3A_170 = tpu.memref_slice %arg8[%dma_start3A_169] : memref<800000xf32, #tpu.memory_space<vmem_shared>> -> memref<800000xf32, #tpu.memory_space<vmem_shared>>
    tpu.enqueue_indirect_dma source(%dma_start3A_170 : memref<800000xf32, #tpu.memory_space<vmem_shared>>) target(%dma_start3A_166 : memref<128xf32, #tpu.memory_space<vmem>>) offsets(%dma_start3A_168 : memref<128xi32, #tpu.memory_space<vmem>>) semaphore(%arg10 : memref<!tpu.dma_semaphore, #tpu.memory_space<semaphore_mem>>)
    %dma_start3A_171 = arith.constant 3 : i32
    %dma_start3A_172 = arith.constant 1 : i32
    %dma_start3A_173 = arith.constant 0 : i32
    %dma_start3A_174 = tpu.memref_slice %arg7[%dma_start3A_171, %dma_start3A_172, %dma_start3A_173] : memref<8x8x128xf32, #tpu.memory_space<vmem>> -> memref<1x1x128xf32, #tpu.memory_space<vmem>>
    %dma_start3A_175 = tpu.memref_squeeze %dma_start3A_174 : memref<1x1x128xf32, #tpu.memory_space<vmem>> -> memref<128xf32, #tpu.memory_space<vmem>>
    %dma_start3A_176 = arith.constant 1408 : i32
    %dma_start3A_177 = tpu.memref_slice %arg6[%dma_start3A_176] : memref<8192xi32, #tpu.memory_space<vmem>> -> memref<128xi32, #tpu.memory_space<vmem>>
    %dma_start3A_178 = arith.constant 0 : i32
    %dma_start3A_179 = tpu.memref_slice %arg8[%dma_start3A_178] : memref<800000xf32, #tpu.memory_space<vmem_shared>> -> memref<800000xf32, #tpu.memory_space<vmem_shared>>
    tpu.enqueue_indirect_dma source(%dma_start3A_179 : memref<800000xf32, #tpu.memory_space<vmem_shared>>) target(%dma_start3A_175 : memref<128xf32, #tpu.memory_space<vmem>>) offsets(%dma_start3A_177 : memref<128xi32, #tpu.memory_space<vmem>>) semaphore(%arg10 : memref<!tpu.dma_semaphore, #tpu.memory_space<semaphore_mem>>)
    %dma_start3A_180 = arith.constant 4 : i32
    %dma_start3A_181 = arith.constant 1 : i32
    %dma_start3A_182 = arith.constant 0 : i32
    %dma_start3A_183 = tpu.memref_slice %arg7[%dma_start3A_180, %dma_start3A_181, %dma_start3A_182] : memref<8x8x128xf32, #tpu.memory_space<vmem>> -> memref<1x1x128xf32, #tpu.memory_space<vmem>>
    %dma_start3A_184 = tpu.memref_squeeze %dma_start3A_183 : memref<1x1x128xf32, #tpu.memory_space<vmem>> -> memref<128xf32, #tpu.memory_space<vmem>>
    %dma_start3A_185 = arith.constant 1536 : i32
    %dma_start3A_186 = tpu.memref_slice %arg6[%dma_start3A_185] : memref<8192xi32, #tpu.memory_space<vmem>> -> memref<128xi32, #tpu.memory_space<vmem>>
    %dma_start3A_187 = arith.constant 0 : i32
    %dma_start3A_188 = tpu.memref_slice %arg8[%dma_start3A_187] : memref<800000xf32, #tpu.memory_space<vmem_shared>> -> memref<800000xf32, #tpu.memory_space<vmem_shared>>
    tpu.enqueue_indirect_dma source(%dma_start3A_188 : memref<800000xf32, #tpu.memory_space<vmem_shared>>) target(%dma_start3A_184 : memref<128xf32, #tpu.memory_space<vmem>>) offsets(%dma_start3A_186 : memref<128xi32, #tpu.memory_space<vmem>>) semaphore(%arg10 : memref<!tpu.dma_semaphore, #tpu.memory_space<semaphore_mem>>)
    %dma_start3A_189 = arith.constant 5 : i32
    %dma_start3A_190 = arith.constant 1 : i32
    %dma_start3A_191 = arith.constant 0 : i32
    %dma_start3A_192 = tpu.memref_slice %arg7[%dma_start3A_189, %dma_start3A_190, %dma_start3A_191] : memref<8x8x128xf32, #tpu.memory_space<vmem>> -> memref<1x1x128xf32, #tpu.memory_space<vmem>>
    %dma_start3A_193 = tpu.memref_squeeze %dma_start3A_192 : memref<1x1x128xf32, #tpu.memory_space<vmem>> -> memref<128xf32, #tpu.memory_space<vmem>>
    %dma_start3A_194 = arith.constant 1664 : i32
    %dma_start3A_195 = tpu.memref_slice %arg6[%dma_start3A_194] : memref<8192xi32, #tpu.memory_space<vmem>> -> memref<128xi32, #tpu.memory_space<vmem>>
    %dma_start3A_196 = arith.constant 0 : i32
    %dma_start3A_197 = tpu.memref_slice %arg8[%dma_start3A_196] : memref<800000xf32, #tpu.memory_space<vmem_shared>> -> memref<800000xf32, #tpu.memory_space<vmem_shared>>
    tpu.enqueue_indirect_dma source(%dma_start3A_197 : memref<800000xf32, #tpu.memory_space<vmem_shared>>) target(%dma_start3A_193 : memref<128xf32, #tpu.memory_space<vmem>>) offsets(%dma_start3A_195 : memref<128xi32, #tpu.memory_space<vmem>>) semaphore(%arg10 : memref<!tpu.dma_semaphore, #tpu.memory_space<semaphore_mem>>)
    %dma_start3A_198 = arith.constant 6 : i32
    %dma_start3A_199 = arith.constant 1 : i32
    %dma_start3A_200 = arith.constant 0 : i32
    %dma_start3A_201 = tpu.memref_slice %arg7[%dma_start3A_198, %dma_start3A_199, %dma_start3A_200] : memref<8x8x128xf32, #tpu.memory_space<vmem>> -> memref<1x1x128xf32, #tpu.memory_space<vmem>>
    %dma_start3A_202 = tpu.memref_squeeze %dma_start3A_201 : memref<1x1x128xf32, #tpu.memory_space<vmem>> -> memref<128xf32, #tpu.memory_space<vmem>>
    %dma_start3A_203 = arith.constant 1792 : i32
    %dma_start3A_204 = tpu.memref_slice %arg6[%dma_start3A_203] : memref<8192xi32, #tpu.memory_space<vmem>> -> memref<128xi32, #tpu.memory_space<vmem>>
    %dma_start3A_205 = arith.constant 0 : i32
    %dma_start3A_206 = tpu.memref_slice %arg8[%dma_start3A_205] : memref<800000xf32, #tpu.memory_space<vmem_shared>> -> memref<800000xf32, #tpu.memory_space<vmem_shared>>
    tpu.enqueue_indirect_dma source(%dma_start3A_206 : memref<800000xf32, #tpu.memory_space<vmem_shared>>) target(%dma_start3A_202 : memref<128xf32, #tpu.memory_space<vmem>>) offsets(%dma_start3A_204 : memref<128xi32, #tpu.memory_space<vmem>>) semaphore(%arg10 : memref<!tpu.dma_semaphore, #tpu.memory_space<semaphore_mem>>)
    %dma_start3A_207 = arith.constant 7 : i32
    %dma_start3A_208 = arith.constant 1 : i32
    %dma_start3A_209 = arith.constant 0 : i32
    %dma_start3A_210 = tpu.memref_slice %arg7[%dma_start3A_207, %dma_start3A_208, %dma_start3A_209] : memref<8x8x128xf32, #tpu.memory_space<vmem>> -> memref<1x1x128xf32, #tpu.memory_space<vmem>>
    %dma_start3A_211 = tpu.memref_squeeze %dma_start3A_210 : memref<1x1x128xf32, #tpu.memory_space<vmem>> -> memref<128xf32, #tpu.memory_space<vmem>>
    %dma_start3A_212 = arith.constant 1920 : i32
    %dma_start3A_213 = tpu.memref_slice %arg6[%dma_start3A_212] : memref<8192xi32, #tpu.memory_space<vmem>> -> memref<128xi32, #tpu.memory_space<vmem>>
    %dma_start3A_214 = arith.constant 0 : i32
    %dma_start3A_215 = tpu.memref_slice %arg8[%dma_start3A_214] : memref<800000xf32, #tpu.memory_space<vmem_shared>> -> memref<800000xf32, #tpu.memory_space<vmem_shared>>
    tpu.enqueue_indirect_dma source(%dma_start3A_215 : memref<800000xf32, #tpu.memory_space<vmem_shared>>) target(%dma_start3A_211 : memref<128xf32, #tpu.memory_space<vmem>>) offsets(%dma_start3A_213 : memref<128xi32, #tpu.memory_space<vmem>>) semaphore(%arg10 : memref<!tpu.dma_semaphore, #tpu.memory_space<semaphore_mem>>)
    %dma_start3A_216 = arith.constant 0 : i32
    %dma_start3A_217 = arith.constant 2 : i32
    %dma_start3A_218 = arith.constant 0 : i32
    %dma_start3A_219 = tpu.memref_slice %arg7[%dma_start3A_216, %dma_start3A_217, %dma_start3A_218] : memref<8x8x128xf32, #tpu.memory_space<vmem>> -> memref<1x1x128xf32, #tpu.memory_space<vmem>>
    %dma_start3A_220 = tpu.memref_squeeze %dma_start3A_219 : memref<1x1x128xf32, #tpu.memory_space<vmem>> -> memref<128xf32, #tpu.memory_space<vmem>>
    %dma_start3A_221 = arith.constant 2048 : i32
    %dma_start3A_222 = tpu.memref_slice %arg6[%dma_start3A_221] : memref<8192xi32, #tpu.memory_space<vmem>> -> memref<128xi32, #tpu.memory_space<vmem>>
    %dma_start3A_223 = arith.constant 0 : i32
    %dma_start3A_224 = tpu.memref_slice %arg8[%dma_start3A_223] : memref<800000xf32, #tpu.memory_space<vmem_shared>> -> memref<800000xf32, #tpu.memory_space<vmem_shared>>
    tpu.enqueue_indirect_dma source(%dma_start3A_224 : memref<800000xf32, #tpu.memory_space<vmem_shared>>) target(%dma_start3A_220 : memref<128xf32, #tpu.memory_space<vmem>>) offsets(%dma_start3A_222 : memref<128xi32, #tpu.memory_space<vmem>>) semaphore(%arg10 : memref<!tpu.dma_semaphore, #tpu.memory_space<semaphore_mem>>)
    %dma_start3A_225 = arith.constant 1 : i32
    %dma_start3A_226 = arith.constant 2 : i32
    %dma_start3A_227 = arith.constant 0 : i32
    %dma_start3A_228 = tpu.memref_slice %arg7[%dma_start3A_225, %dma_start3A_226, %dma_start3A_227] : memref<8x8x128xf32, #tpu.memory_space<vmem>> -> memref<1x1x128xf32, #tpu.memory_space<vmem>>
    %dma_start3A_229 = tpu.memref_squeeze %dma_start3A_228 : memref<1x1x128xf32, #tpu.memory_space<vmem>> -> memref<128xf32, #tpu.memory_space<vmem>>
    %dma_start3A_230 = arith.constant 2176 : i32
    %dma_start3A_231 = tpu.memref_slice %arg6[%dma_start3A_230] : memref<8192xi32, #tpu.memory_space<vmem>> -> memref<128xi32, #tpu.memory_space<vmem>>
    %dma_start3A_232 = arith.constant 0 : i32
    %dma_start3A_233 = tpu.memref_slice %arg8[%dma_start3A_232] : memref<800000xf32, #tpu.memory_space<vmem_shared>> -> memref<800000xf32, #tpu.memory_space<vmem_shared>>
    tpu.enqueue_indirect_dma source(%dma_start3A_233 : memref<800000xf32, #tpu.memory_space<vmem_shared>>) target(%dma_start3A_229 : memref<128xf32, #tpu.memory_space<vmem>>) offsets(%dma_start3A_231 : memref<128xi32, #tpu.memory_space<vmem>>) semaphore(%arg10 : memref<!tpu.dma_semaphore, #tpu.memory_space<semaphore_mem>>)
    %dma_start3A_234 = arith.constant 2 : i32
    %dma_start3A_235 = arith.constant 2 : i32
    %dma_start3A_236 = arith.constant 0 : i32
    %dma_start3A_237 = tpu.memref_slice %arg7[%dma_start3A_234, %dma_start3A_235, %dma_start3A_236] : memref<8x8x128xf32, #tpu.memory_space<vmem>> -> memref<1x1x128xf32, #tpu.memory_space<vmem>>
    %dma_start3A_238 = tpu.memref_squeeze %dma_start3A_237 : memref<1x1x128xf32, #tpu.memory_space<vmem>> -> memref<128xf32, #tpu.memory_space<vmem>>
    %dma_start3A_239 = arith.constant 2304 : i32
    %dma_start3A_240 = tpu.memref_slice %arg6[%dma_start3A_239] : memref<8192xi32, #tpu.memory_space<vmem>> -> memref<128xi32, #tpu.memory_space<vmem>>
    %dma_start3A_241 = arith.constant 0 : i32
    %dma_start3A_242 = tpu.memref_slice %arg8[%dma_start3A_241] : memref<800000xf32, #tpu.memory_space<vmem_shared>> -> memref<800000xf32, #tpu.memory_space<vmem_shared>>
    tpu.enqueue_indirect_dma source(%dma_start3A_242 : memref<800000xf32, #tpu.memory_space<vmem_shared>>) target(%dma_start3A_238 : memref<128xf32, #tpu.memory_space<vmem>>) offsets(%dma_start3A_240 : memref<128xi32, #tpu.memory_space<vmem>>) semaphore(%arg10 : memref<!tpu.dma_semaphore, #tpu.memory_space<semaphore_mem>>)
    %dma_start3A_243 = arith.constant 3 : i32
    %dma_start3A_244 = arith.constant 2 : i32
    %dma_start3A_245 = arith.constant 0 : i32
    %dma_start3A_246 = tpu.memref_slice %arg7[%dma_start3A_243, %dma_start3A_244, %dma_start3A_245] : memref<8x8x128xf32, #tpu.memory_space<vmem>> -> memref<1x1x128xf32, #tpu.memory_space<vmem>>
    %dma_start3A_247 = tpu.memref_squeeze %dma_start3A_246 : memref<1x1x128xf32, #tpu.memory_space<vmem>> -> memref<128xf32, #tpu.memory_space<vmem>>
    %dma_start3A_248 = arith.constant 2432 : i32
    %dma_start3A_249 = tpu.memref_slice %arg6[%dma_start3A_248] : memref<8192xi32, #tpu.memory_space<vmem>> -> memref<128xi32, #tpu.memory_space<vmem>>
    %dma_start3A_250 = arith.constant 0 : i32
    %dma_start3A_251 = tpu.memref_slice %arg8[%dma_start3A_250] : memref<800000xf32, #tpu.memory_space<vmem_shared>> -> memref<800000xf32, #tpu.memory_space<vmem_shared>>
    tpu.enqueue_indirect_dma source(%dma_start3A_251 : memref<800000xf32, #tpu.memory_space<vmem_shared>>) target(%dma_start3A_247 : memref<128xf32, #tpu.memory_space<vmem>>) offsets(%dma_start3A_249 : memref<128xi32, #tpu.memory_space<vmem>>) semaphore(%arg10 : memref<!tpu.dma_semaphore, #tpu.memory_space<semaphore_mem>>)
    %dma_start3A_252 = arith.constant 4 : i32
    %dma_start3A_253 = arith.constant 2 : i32
    %dma_start3A_254 = arith.constant 0 : i32
    %dma_start3A_255 = tpu.memref_slice %arg7[%dma_start3A_252, %dma_start3A_253, %dma_start3A_254] : memref<8x8x128xf32, #tpu.memory_space<vmem>> -> memref<1x1x128xf32, #tpu.memory_space<vmem>>
    %dma_start3A_256 = tpu.memref_squeeze %dma_start3A_255 : memref<1x1x128xf32, #tpu.memory_space<vmem>> -> memref<128xf32, #tpu.memory_space<vmem>>
    %dma_start3A_257 = arith.constant 2560 : i32
    %dma_start3A_258 = tpu.memref_slice %arg6[%dma_start3A_257] : memref<8192xi32, #tpu.memory_space<vmem>> -> memref<128xi32, #tpu.memory_space<vmem>>
    %dma_start3A_259 = arith.constant 0 : i32
    %dma_start3A_260 = tpu.memref_slice %arg8[%dma_start3A_259] : memref<800000xf32, #tpu.memory_space<vmem_shared>> -> memref<800000xf32, #tpu.memory_space<vmem_shared>>
    tpu.enqueue_indirect_dma source(%dma_start3A_260 : memref<800000xf32, #tpu.memory_space<vmem_shared>>) target(%dma_start3A_256 : memref<128xf32, #tpu.memory_space<vmem>>) offsets(%dma_start3A_258 : memref<128xi32, #tpu.memory_space<vmem>>) semaphore(%arg10 : memref<!tpu.dma_semaphore, #tpu.memory_space<semaphore_mem>>)
    %dma_start3A_261 = arith.constant 5 : i32
    %dma_start3A_262 = arith.constant 2 : i32
    %dma_start3A_263 = arith.constant 0 : i32
    %dma_start3A_264 = tpu.memref_slice %arg7[%dma_start3A_261, %dma_start3A_262, %dma_start3A_263] : memref<8x8x128xf32, #tpu.memory_space<vmem>> -> memref<1x1x128xf32, #tpu.memory_space<vmem>>
    %dma_start3A_265 = tpu.memref_squeeze %dma_start3A_264 : memref<1x1x128xf32, #tpu.memory_space<vmem>> -> memref<128xf32, #tpu.memory_space<vmem>>
    %dma_start3A_266 = arith.constant 2688 : i32
    %dma_start3A_267 = tpu.memref_slice %arg6[%dma_start3A_266] : memref<8192xi32, #tpu.memory_space<vmem>> -> memref<128xi32, #tpu.memory_space<vmem>>
    %dma_start3A_268 = arith.constant 0 : i32
    %dma_start3A_269 = tpu.memref_slice %arg8[%dma_start3A_268] : memref<800000xf32, #tpu.memory_space<vmem_shared>> -> memref<800000xf32, #tpu.memory_space<vmem_shared>>
    tpu.enqueue_indirect_dma source(%dma_start3A_269 : memref<800000xf32, #tpu.memory_space<vmem_shared>>) target(%dma_start3A_265 : memref<128xf32, #tpu.memory_space<vmem>>) offsets(%dma_start3A_267 : memref<128xi32, #tpu.memory_space<vmem>>) semaphore(%arg10 : memref<!tpu.dma_semaphore, #tpu.memory_space<semaphore_mem>>)
    %dma_start3A_270 = arith.constant 6 : i32
    %dma_start3A_271 = arith.constant 2 : i32
    %dma_start3A_272 = arith.constant 0 : i32
    %dma_start3A_273 = tpu.memref_slice %arg7[%dma_start3A_270, %dma_start3A_271, %dma_start3A_272] : memref<8x8x128xf32, #tpu.memory_space<vmem>> -> memref<1x1x128xf32, #tpu.memory_space<vmem>>
    %dma_start3A_274 = tpu.memref_squeeze %dma_start3A_273 : memref<1x1x128xf32, #tpu.memory_space<vmem>> -> memref<128xf32, #tpu.memory_space<vmem>>
    %dma_start3A_275 = arith.constant 2816 : i32
    %dma_start3A_276 = tpu.memref_slice %arg6[%dma_start3A_275] : memref<8192xi32, #tpu.memory_space<vmem>> -> memref<128xi32, #tpu.memory_space<vmem>>
    %dma_start3A_277 = arith.constant 0 : i32
    %dma_start3A_278 = tpu.memref_slice %arg8[%dma_start3A_277] : memref<800000xf32, #tpu.memory_space<vmem_shared>> -> memref<800000xf32, #tpu.memory_space<vmem_shared>>
    tpu.enqueue_indirect_dma source(%dma_start3A_278 : memref<800000xf32, #tpu.memory_space<vmem_shared>>) target(%dma_start3A_274 : memref<128xf32, #tpu.memory_space<vmem>>) offsets(%dma_start3A_276 : memref<128xi32, #tpu.memory_space<vmem>>) semaphore(%arg10 : memref<!tpu.dma_semaphore, #tpu.memory_space<semaphore_mem>>)
    %dma_start3A_279 = arith.constant 7 : i32
    %dma_start3A_280 = arith.constant 2 : i32
    %dma_start3A_281 = arith.constant 0 : i32
    %dma_start3A_282 = tpu.memref_slice %arg7[%dma_start3A_279, %dma_start3A_280, %dma_start3A_281] : memref<8x8x128xf32, #tpu.memory_space<vmem>> -> memref<1x1x128xf32, #tpu.memory_space<vmem>>
    %dma_start3A_283 = tpu.memref_squeeze %dma_start3A_282 : memref<1x1x128xf32, #tpu.memory_space<vmem>> -> memref<128xf32, #tpu.memory_space<vmem>>
    %dma_start3A_284 = arith.constant 2944 : i32
    %dma_start3A_285 = tpu.memref_slice %arg6[%dma_start3A_284] : memref<8192xi32, #tpu.memory_space<vmem>> -> memref<128xi32, #tpu.memory_space<vmem>>
    %dma_start3A_286 = arith.constant 0 : i32
    %dma_start3A_287 = tpu.memref_slice %arg8[%dma_start3A_286] : memref<800000xf32, #tpu.memory_space<vmem_shared>> -> memref<800000xf32, #tpu.memory_space<vmem_shared>>
    tpu.enqueue_indirect_dma source(%dma_start3A_287 : memref<800000xf32, #tpu.memory_space<vmem_shared>>) target(%dma_start3A_283 : memref<128xf32, #tpu.memory_space<vmem>>) offsets(%dma_start3A_285 : memref<128xi32, #tpu.memory_space<vmem>>) semaphore(%arg10 : memref<!tpu.dma_semaphore, #tpu.memory_space<semaphore_mem>>)
    %dma_start3A_288 = arith.constant 0 : i32
    %dma_start3A_289 = arith.constant 3 : i32
    %dma_start3A_290 = arith.constant 0 : i32
    %dma_start3A_291 = tpu.memref_slice %arg7[%dma_start3A_288, %dma_start3A_289, %dma_start3A_290] : memref<8x8x128xf32, #tpu.memory_space<vmem>> -> memref<1x1x128xf32, #tpu.memory_space<vmem>>
    %dma_start3A_292 = tpu.memref_squeeze %dma_start3A_291 : memref<1x1x128xf32, #tpu.memory_space<vmem>> -> memref<128xf32, #tpu.memory_space<vmem>>
    %dma_start3A_293 = arith.constant 3072 : i32
    %dma_start3A_294 = tpu.memref_slice %arg6[%dma_start3A_293] : memref<8192xi32, #tpu.memory_space<vmem>> -> memref<128xi32, #tpu.memory_space<vmem>>
    %dma_start3A_295 = arith.constant 0 : i32
    %dma_start3A_296 = tpu.memref_slice %arg8[%dma_start3A_295] : memref<800000xf32, #tpu.memory_space<vmem_shared>> -> memref<800000xf32, #tpu.memory_space<vmem_shared>>
    tpu.enqueue_indirect_dma source(%dma_start3A_296 : memref<800000xf32, #tpu.memory_space<vmem_shared>>) target(%dma_start3A_292 : memref<128xf32, #tpu.memory_space<vmem>>) offsets(%dma_start3A_294 : memref<128xi32, #tpu.memory_space<vmem>>) semaphore(%arg10 : memref<!tpu.dma_semaphore, #tpu.memory_space<semaphore_mem>>)
    %dma_start3A_297 = arith.constant 1 : i32
    %dma_start3A_298 = arith.constant 3 : i32
    %dma_start3A_299 = arith.constant 0 : i32
    %dma_start3A_300 = tpu.memref_slice %arg7[%dma_start3A_297, %dma_start3A_298, %dma_start3A_299] : memref<8x8x128xf32, #tpu.memory_space<vmem>> -> memref<1x1x128xf32, #tpu.memory_space<vmem>>
    %dma_start3A_301 = tpu.memref_squeeze %dma_start3A_300 : memref<1x1x128xf32, #tpu.memory_space<vmem>> -> memref<128xf32, #tpu.memory_space<vmem>>
    %dma_start3A_302 = arith.constant 3200 : i32
    %dma_start3A_303 = tpu.memref_slice %arg6[%dma_start3A_302] : memref<8192xi32, #tpu.memory_space<vmem>> -> memref<128xi32, #tpu.memory_space<vmem>>
    %dma_start3A_304 = arith.constant 0 : i32
    %dma_start3A_305 = tpu.memref_slice %arg8[%dma_start3A_304] : memref<800000xf32, #tpu.memory_space<vmem_shared>> -> memref<800000xf32, #tpu.memory_space<vmem_shared>>
    tpu.enqueue_indirect_dma source(%dma_start3A_305 : memref<800000xf32, #tpu.memory_space<vmem_shared>>) target(%dma_start3A_301 : memref<128xf32, #tpu.memory_space<vmem>>) offsets(%dma_start3A_303 : memref<128xi32, #tpu.memory_space<vmem>>) semaphore(%arg10 : memref<!tpu.dma_semaphore, #tpu.memory_space<semaphore_mem>>)
    %dma_start3A_306 = arith.constant 2 : i32
    %dma_start3A_307 = arith.constant 3 : i32
    %dma_start3A_308 = arith.constant 0 : i32
    %dma_start3A_309 = tpu.memref_slice %arg7[%dma_start3A_306, %dma_start3A_307, %dma_start3A_308] : memref<8x8x128xf32, #tpu.memory_space<vmem>> -> memref<1x1x128xf32, #tpu.memory_space<vmem>>
    %dma_start3A_310 = tpu.memref_squeeze %dma_start3A_309 : memref<1x1x128xf32, #tpu.memory_space<vmem>> -> memref<128xf32, #tpu.memory_space<vmem>>
    %dma_start3A_311 = arith.constant 3328 : i32
    %dma_start3A_312 = tpu.memref_slice %arg6[%dma_start3A_311] : memref<8192xi32, #tpu.memory_space<vmem>> -> memref<128xi32, #tpu.memory_space<vmem>>
    %dma_start3A_313 = arith.constant 0 : i32
    %dma_start3A_314 = tpu.memref_slice %arg8[%dma_start3A_313] : memref<800000xf32, #tpu.memory_space<vmem_shared>> -> memref<800000xf32, #tpu.memory_space<vmem_shared>>
    tpu.enqueue_indirect_dma source(%dma_start3A_314 : memref<800000xf32, #tpu.memory_space<vmem_shared>>) target(%dma_start3A_310 : memref<128xf32, #tpu.memory_space<vmem>>) offsets(%dma_start3A_312 : memref<128xi32, #tpu.memory_space<vmem>>) semaphore(%arg10 : memref<!tpu.dma_semaphore, #tpu.memory_space<semaphore_mem>>)
    %dma_start3A_315 = arith.constant 3 : i32
    %dma_start3A_316 = arith.constant 3 : i32
    %dma_start3A_317 = arith.constant 0 : i32
    %dma_start3A_318 = tpu.memref_slice %arg7[%dma_start3A_315, %dma_start3A_316, %dma_start3A_317] : memref<8x8x128xf32, #tpu.memory_space<vmem>> -> memref<1x1x128xf32, #tpu.memory_space<vmem>>
    %dma_start3A_319 = tpu.memref_squeeze %dma_start3A_318 : memref<1x1x128xf32, #tpu.memory_space<vmem>> -> memref<128xf32, #tpu.memory_space<vmem>>
    %dma_start3A_320 = arith.constant 3456 : i32
    %dma_start3A_321 = tpu.memref_slice %arg6[%dma_start3A_320] : memref<8192xi32, #tpu.memory_space<vmem>> -> memref<128xi32, #tpu.memory_space<vmem>>
    %dma_start3A_322 = arith.constant 0 : i32
    %dma_start3A_323 = tpu.memref_slice %arg8[%dma_start3A_322] : memref<800000xf32, #tpu.memory_space<vmem_shared>> -> memref<800000xf32, #tpu.memory_space<vmem_shared>>
    tpu.enqueue_indirect_dma source(%dma_start3A_323 : memref<800000xf32, #tpu.memory_space<vmem_shared>>) target(%dma_start3A_319 : memref<128xf32, #tpu.memory_space<vmem>>) offsets(%dma_start3A_321 : memref<128xi32, #tpu.memory_space<vmem>>) semaphore(%arg10 : memref<!tpu.dma_semaphore, #tpu.memory_space<semaphore_mem>>)
    %dma_start3A_324 = arith.constant 4 : i32
    %dma_start3A_325 = arith.constant 3 : i32
    %dma_start3A_326 = arith.constant 0 : i32
    %dma_start3A_327 = tpu.memref_slice %arg7[%dma_start3A_324, %dma_start3A_325, %dma_start3A_326] : memref<8x8x128xf32, #tpu.memory_space<vmem>> -> memref<1x1x128xf32, #tpu.memory_space<vmem>>
    %dma_start3A_328 = tpu.memref_squeeze %dma_start3A_327 : memref<1x1x128xf32, #tpu.memory_space<vmem>> -> memref<128xf32, #tpu.memory_space<vmem>>
    %dma_start3A_329 = arith.constant 3584 : i32
    %dma_start3A_330 = tpu.memref_slice %arg6[%dma_start3A_329] : memref<8192xi32, #tpu.memory_space<vmem>> -> memref<128xi32, #tpu.memory_space<vmem>>
    %dma_start3A_331 = arith.constant 0 : i32
    %dma_start3A_332 = tpu.memref_slice %arg8[%dma_start3A_331] : memref<800000xf32, #tpu.memory_space<vmem_shared>> -> memref<800000xf32, #tpu.memory_space<vmem_shared>>
    tpu.enqueue_indirect_dma source(%dma_start3A_332 : memref<800000xf32, #tpu.memory_space<vmem_shared>>) target(%dma_start3A_328 : memref<128xf32, #tpu.memory_space<vmem>>) offsets(%dma_start3A_330 : memref<128xi32, #tpu.memory_space<vmem>>) semaphore(%arg10 : memref<!tpu.dma_semaphore, #tpu.memory_space<semaphore_mem>>)
    %dma_start3A_333 = arith.constant 5 : i32
    %dma_start3A_334 = arith.constant 3 : i32
    %dma_start3A_335 = arith.constant 0 : i32
    %dma_start3A_336 = tpu.memref_slice %arg7[%dma_start3A_333, %dma_start3A_334, %dma_start3A_335] : memref<8x8x128xf32, #tpu.memory_space<vmem>> -> memref<1x1x128xf32, #tpu.memory_space<vmem>>
    %dma_start3A_337 = tpu.memref_squeeze %dma_start3A_336 : memref<1x1x128xf32, #tpu.memory_space<vmem>> -> memref<128xf32, #tpu.memory_space<vmem>>
    %dma_start3A_338 = arith.constant 3712 : i32
    %dma_start3A_339 = tpu.memref_slice %arg6[%dma_start3A_338] : memref<8192xi32, #tpu.memory_space<vmem>> -> memref<128xi32, #tpu.memory_space<vmem>>
    %dma_start3A_340 = arith.constant 0 : i32
    %dma_start3A_341 = tpu.memref_slice %arg8[%dma_start3A_340] : memref<800000xf32, #tpu.memory_space<vmem_shared>> -> memref<800000xf32, #tpu.memory_space<vmem_shared>>
    tpu.enqueue_indirect_dma source(%dma_start3A_341 : memref<800000xf32, #tpu.memory_space<vmem_shared>>) target(%dma_start3A_337 : memref<128xf32, #tpu.memory_space<vmem>>) offsets(%dma_start3A_339 : memref<128xi32, #tpu.memory_space<vmem>>) semaphore(%arg10 : memref<!tpu.dma_semaphore, #tpu.memory_space<semaphore_mem>>)
    %dma_start3A_342 = arith.constant 6 : i32
    %dma_start3A_343 = arith.constant 3 : i32
    %dma_start3A_344 = arith.constant 0 : i32
    %dma_start3A_345 = tpu.memref_slice %arg7[%dma_start3A_342, %dma_start3A_343, %dma_start3A_344] : memref<8x8x128xf32, #tpu.memory_space<vmem>> -> memref<1x1x128xf32, #tpu.memory_space<vmem>>
    %dma_start3A_346 = tpu.memref_squeeze %dma_start3A_345 : memref<1x1x128xf32, #tpu.memory_space<vmem>> -> memref<128xf32, #tpu.memory_space<vmem>>
    %dma_start3A_347 = arith.constant 3840 : i32
    %dma_start3A_348 = tpu.memref_slice %arg6[%dma_start3A_347] : memref<8192xi32, #tpu.memory_space<vmem>> -> memref<128xi32, #tpu.memory_space<vmem>>
    %dma_start3A_349 = arith.constant 0 : i32
    %dma_start3A_350 = tpu.memref_slice %arg8[%dma_start3A_349] : memref<800000xf32, #tpu.memory_space<vmem_shared>> -> memref<800000xf32, #tpu.memory_space<vmem_shared>>
    tpu.enqueue_indirect_dma source(%dma_start3A_350 : memref<800000xf32, #tpu.memory_space<vmem_shared>>) target(%dma_start3A_346 : memref<128xf32, #tpu.memory_space<vmem>>) offsets(%dma_start3A_348 : memref<128xi32, #tpu.memory_space<vmem>>) semaphore(%arg10 : memref<!tpu.dma_semaphore, #tpu.memory_space<semaphore_mem>>)
    %dma_start3A_351 = arith.constant 7 : i32
    %dma_start3A_352 = arith.constant 3 : i32
    %dma_start3A_353 = arith.constant 0 : i32
    %dma_start3A_354 = tpu.memref_slice %arg7[%dma_start3A_351, %dma_start3A_352, %dma_start3A_353] : memref<8x8x128xf32, #tpu.memory_space<vmem>> -> memref<1x1x128xf32, #tpu.memory_space<vmem>>
    %dma_start3A_355 = tpu.memref_squeeze %dma_start3A_354 : memref<1x1x128xf32, #tpu.memory_space<vmem>> -> memref<128xf32, #tpu.memory_space<vmem>>
    %dma_start3A_356 = arith.constant 3968 : i32
    %dma_start3A_357 = tpu.memref_slice %arg6[%dma_start3A_356] : memref<8192xi32, #tpu.memory_space<vmem>> -> memref<128xi32, #tpu.memory_space<vmem>>
    %dma_start3A_358 = arith.constant 0 : i32
    %dma_start3A_359 = tpu.memref_slice %arg8[%dma_start3A_358] : memref<800000xf32, #tpu.memory_space<vmem_shared>> -> memref<800000xf32, #tpu.memory_space<vmem_shared>>
    tpu.enqueue_indirect_dma source(%dma_start3A_359 : memref<800000xf32, #tpu.memory_space<vmem_shared>>) target(%dma_start3A_355 : memref<128xf32, #tpu.memory_space<vmem>>) offsets(%dma_start3A_357 : memref<128xi32, #tpu.memory_space<vmem>>) semaphore(%arg10 : memref<!tpu.dma_semaphore, #tpu.memory_space<semaphore_mem>>)
    %dma_start3A_360 = arith.constant 0 : i32
    %dma_start3A_361 = arith.constant 4 : i32
    %dma_start3A_362 = arith.constant 0 : i32
    %dma_start3A_363 = tpu.memref_slice %arg7[%dma_start3A_360, %dma_start3A_361, %dma_start3A_362] : memref<8x8x128xf32, #tpu.memory_space<vmem>> -> memref<1x1x128xf32, #tpu.memory_space<vmem>>
    %dma_start3A_364 = tpu.memref_squeeze %dma_start3A_363 : memref<1x1x128xf32, #tpu.memory_space<vmem>> -> memref<128xf32, #tpu.memory_space<vmem>>
    %dma_start3A_365 = arith.constant 4096 : i32
    %dma_start3A_366 = tpu.memref_slice %arg6[%dma_start3A_365] : memref<8192xi32, #tpu.memory_space<vmem>> -> memref<128xi32, #tpu.memory_space<vmem>>
    %dma_start3A_367 = arith.constant 0 : i32
    %dma_start3A_368 = tpu.memref_slice %arg8[%dma_start3A_367] : memref<800000xf32, #tpu.memory_space<vmem_shared>> -> memref<800000xf32, #tpu.memory_space<vmem_shared>>
    tpu.enqueue_indirect_dma source(%dma_start3A_368 : memref<800000xf32, #tpu.memory_space<vmem_shared>>) target(%dma_start3A_364 : memref<128xf32, #tpu.memory_space<vmem>>) offsets(%dma_start3A_366 : memref<128xi32, #tpu.memory_space<vmem>>) semaphore(%arg10 : memref<!tpu.dma_semaphore, #tpu.memory_space<semaphore_mem>>)
    %dma_start3A_369 = arith.constant 1 : i32
    %dma_start3A_370 = arith.constant 4 : i32
    %dma_start3A_371 = arith.constant 0 : i32
    %dma_start3A_372 = tpu.memref_slice %arg7[%dma_start3A_369, %dma_start3A_370, %dma_start3A_371] : memref<8x8x128xf32, #tpu.memory_space<vmem>> -> memref<1x1x128xf32, #tpu.memory_space<vmem>>
    %dma_start3A_373 = tpu.memref_squeeze %dma_start3A_372 : memref<1x1x128xf32, #tpu.memory_space<vmem>> -> memref<128xf32, #tpu.memory_space<vmem>>
    %dma_start3A_374 = arith.constant 4224 : i32
    %dma_start3A_375 = tpu.memref_slice %arg6[%dma_start3A_374] : memref<8192xi32, #tpu.memory_space<vmem>> -> memref<128xi32, #tpu.memory_space<vmem>>
    %dma_start3A_376 = arith.constant 0 : i32
    %dma_start3A_377 = tpu.memref_slice %arg8[%dma_start3A_376] : memref<800000xf32, #tpu.memory_space<vmem_shared>> -> memref<800000xf32, #tpu.memory_space<vmem_shared>>
    tpu.enqueue_indirect_dma source(%dma_start3A_377 : memref<800000xf32, #tpu.memory_space<vmem_shared>>) target(%dma_start3A_373 : memref<128xf32, #tpu.memory_space<vmem>>) offsets(%dma_start3A_375 : memref<128xi32, #tpu.memory_space<vmem>>) semaphore(%arg10 : memref<!tpu.dma_semaphore, #tpu.memory_space<semaphore_mem>>)
    %dma_start3A_378 = arith.constant 2 : i32
    %dma_start3A_379 = arith.constant 4 : i32
    %dma_start3A_380 = arith.constant 0 : i32
    %dma_start3A_381 = tpu.memref_slice %arg7[%dma_start3A_378, %dma_start3A_379, %dma_start3A_380] : memref<8x8x128xf32, #tpu.memory_space<vmem>> -> memref<1x1x128xf32, #tpu.memory_space<vmem>>
    %dma_start3A_382 = tpu.memref_squeeze %dma_start3A_381 : memref<1x1x128xf32, #tpu.memory_space<vmem>> -> memref<128xf32, #tpu.memory_space<vmem>>
    %dma_start3A_383 = arith.constant 4352 : i32
    %dma_start3A_384 = tpu.memref_slice %arg6[%dma_start3A_383] : memref<8192xi32, #tpu.memory_space<vmem>> -> memref<128xi32, #tpu.memory_space<vmem>>
    %dma_start3A_385 = arith.constant 0 : i32
    %dma_start3A_386 = tpu.memref_slice %arg8[%dma_start3A_385] : memref<800000xf32, #tpu.memory_space<vmem_shared>> -> memref<800000xf32, #tpu.memory_space<vmem_shared>>
    tpu.enqueue_indirect_dma source(%dma_start3A_386 : memref<800000xf32, #tpu.memory_space<vmem_shared>>) target(%dma_start3A_382 : memref<128xf32, #tpu.memory_space<vmem>>) offsets(%dma_start3A_384 : memref<128xi32, #tpu.memory_space<vmem>>) semaphore(%arg10 : memref<!tpu.dma_semaphore, #tpu.memory_space<semaphore_mem>>)
    %dma_start3A_387 = arith.constant 3 : i32
    %dma_start3A_388 = arith.constant 4 : i32
    %dma_start3A_389 = arith.constant 0 : i32
    %dma_start3A_390 = tpu.memref_slice %arg7[%dma_start3A_387, %dma_start3A_388, %dma_start3A_389] : memref<8x8x128xf32, #tpu.memory_space<vmem>> -> memref<1x1x128xf32, #tpu.memory_space<vmem>>
    %dma_start3A_391 = tpu.memref_squeeze %dma_start3A_390 : memref<1x1x128xf32, #tpu.memory_space<vmem>> -> memref<128xf32, #tpu.memory_space<vmem>>
    %dma_start3A_392 = arith.constant 4480 : i32
    %dma_start3A_393 = tpu.memref_slice %arg6[%dma_start3A_392] : memref<8192xi32, #tpu.memory_space<vmem>> -> memref<128xi32, #tpu.memory_space<vmem>>
    %dma_start3A_394 = arith.constant 0 : i32
    %dma_start3A_395 = tpu.memref_slice %arg8[%dma_start3A_394] : memref<800000xf32, #tpu.memory_space<vmem_shared>> -> memref<800000xf32, #tpu.memory_space<vmem_shared>>
    tpu.enqueue_indirect_dma source(%dma_start3A_395 : memref<800000xf32, #tpu.memory_space<vmem_shared>>) target(%dma_start3A_391 : memref<128xf32, #tpu.memory_space<vmem>>) offsets(%dma_start3A_393 : memref<128xi32, #tpu.memory_space<vmem>>) semaphore(%arg10 : memref<!tpu.dma_semaphore, #tpu.memory_space<semaphore_mem>>)
    %dma_start3A_396 = arith.constant 4 : i32
    %dma_start3A_397 = arith.constant 4 : i32
    %dma_start3A_398 = arith.constant 0 : i32
    %dma_start3A_399 = tpu.memref_slice %arg7[%dma_start3A_396, %dma_start3A_397, %dma_start3A_398] : memref<8x8x128xf32, #tpu.memory_space<vmem>> -> memref<1x1x128xf32, #tpu.memory_space<vmem>>
    %dma_start3A_400 = tpu.memref_squeeze %dma_start3A_399 : memref<1x1x128xf32, #tpu.memory_space<vmem>> -> memref<128xf32, #tpu.memory_space<vmem>>
    %dma_start3A_401 = arith.constant 4608 : i32
    %dma_start3A_402 = tpu.memref_slice %arg6[%dma_start3A_401] : memref<8192xi32, #tpu.memory_space<vmem>> -> memref<128xi32, #tpu.memory_space<vmem>>
    %dma_start3A_403 = arith.constant 0 : i32
    %dma_start3A_404 = tpu.memref_slice %arg8[%dma_start3A_403] : memref<800000xf32, #tpu.memory_space<vmem_shared>> -> memref<800000xf32, #tpu.memory_space<vmem_shared>>
    tpu.enqueue_indirect_dma source(%dma_start3A_404 : memref<800000xf32, #tpu.memory_space<vmem_shared>>) target(%dma_start3A_400 : memref<128xf32, #tpu.memory_space<vmem>>) offsets(%dma_start3A_402 : memref<128xi32, #tpu.memory_space<vmem>>) semaphore(%arg10 : memref<!tpu.dma_semaphore, #tpu.memory_space<semaphore_mem>>)
    %dma_start3A_405 = arith.constant 5 : i32
    %dma_start3A_406 = arith.constant 4 : i32
    %dma_start3A_407 = arith.constant 0 : i32
    %dma_start3A_408 = tpu.memref_slice %arg7[%dma_start3A_405, %dma_start3A_406, %dma_start3A_407] : memref<8x8x128xf32, #tpu.memory_space<vmem>> -> memref<1x1x128xf32, #tpu.memory_space<vmem>>
    %dma_start3A_409 = tpu.memref_squeeze %dma_start3A_408 : memref<1x1x128xf32, #tpu.memory_space<vmem>> -> memref<128xf32, #tpu.memory_space<vmem>>
    %dma_start3A_410 = arith.constant 4736 : i32
    %dma_start3A_411 = tpu.memref_slice %arg6[%dma_start3A_410] : memref<8192xi32, #tpu.memory_space<vmem>> -> memref<128xi32, #tpu.memory_space<vmem>>
    %dma_start3A_412 = arith.constant 0 : i32
    %dma_start3A_413 = tpu.memref_slice %arg8[%dma_start3A_412] : memref<800000xf32, #tpu.memory_space<vmem_shared>> -> memref<800000xf32, #tpu.memory_space<vmem_shared>>
    tpu.enqueue_indirect_dma source(%dma_start3A_413 : memref<800000xf32, #tpu.memory_space<vmem_shared>>) target(%dma_start3A_409 : memref<128xf32, #tpu.memory_space<vmem>>) offsets(%dma_start3A_411 : memref<128xi32, #tpu.memory_space<vmem>>) semaphore(%arg10 : memref<!tpu.dma_semaphore, #tpu.memory_space<semaphore_mem>>)
    %dma_start3A_414 = arith.constant 6 : i32
    %dma_start3A_415 = arith.constant 4 : i32
    %dma_start3A_416 = arith.constant 0 : i32
    %dma_start3A_417 = tpu.memref_slice %arg7[%dma_start3A_414, %dma_start3A_415, %dma_start3A_416] : memref<8x8x128xf32, #tpu.memory_space<vmem>> -> memref<1x1x128xf32, #tpu.memory_space<vmem>>
    %dma_start3A_418 = tpu.memref_squeeze %dma_start3A_417 : memref<1x1x128xf32, #tpu.memory_space<vmem>> -> memref<128xf32, #tpu.memory_space<vmem>>
    %dma_start3A_419 = arith.constant 4864 : i32
    %dma_start3A_420 = tpu.memref_slice %arg6[%dma_start3A_419] : memref<8192xi32, #tpu.memory_space<vmem>> -> memref<128xi32, #tpu.memory_space<vmem>>
    %dma_start3A_421 = arith.constant 0 : i32
    %dma_start3A_422 = tpu.memref_slice %arg8[%dma_start3A_421] : memref<800000xf32, #tpu.memory_space<vmem_shared>> -> memref<800000xf32, #tpu.memory_space<vmem_shared>>
    tpu.enqueue_indirect_dma source(%dma_start3A_422 : memref<800000xf32, #tpu.memory_space<vmem_shared>>) target(%dma_start3A_418 : memref<128xf32, #tpu.memory_space<vmem>>) offsets(%dma_start3A_420 : memref<128xi32, #tpu.memory_space<vmem>>) semaphore(%arg10 : memref<!tpu.dma_semaphore, #tpu.memory_space<semaphore_mem>>)
    %dma_start3A_423 = arith.constant 7 : i32
    %dma_start3A_424 = arith.constant 4 : i32
    %dma_start3A_425 = arith.constant 0 : i32
    %dma_start3A_426 = tpu.memref_slice %arg7[%dma_start3A_423, %dma_start3A_424, %dma_start3A_425] : memref<8x8x128xf32, #tpu.memory_space<vmem>> -> memref<1x1x128xf32, #tpu.memory_space<vmem>>
    %dma_start3A_427 = tpu.memref_squeeze %dma_start3A_426 : memref<1x1x128xf32, #tpu.memory_space<vmem>> -> memref<128xf32, #tpu.memory_space<vmem>>
    %dma_start3A_428 = arith.constant 4992 : i32
    %dma_start3A_429 = tpu.memref_slice %arg6[%dma_start3A_428] : memref<8192xi32, #tpu.memory_space<vmem>> -> memref<128xi32, #tpu.memory_space<vmem>>
    %dma_start3A_430 = arith.constant 0 : i32
    %dma_start3A_431 = tpu.memref_slice %arg8[%dma_start3A_430] : memref<800000xf32, #tpu.memory_space<vmem_shared>> -> memref<800000xf32, #tpu.memory_space<vmem_shared>>
    tpu.enqueue_indirect_dma source(%dma_start3A_431 : memref<800000xf32, #tpu.memory_space<vmem_shared>>) target(%dma_start3A_427 : memref<128xf32, #tpu.memory_space<vmem>>) offsets(%dma_start3A_429 : memref<128xi32, #tpu.memory_space<vmem>>) semaphore(%arg10 : memref<!tpu.dma_semaphore, #tpu.memory_space<semaphore_mem>>)
    %dma_start3A_432 = arith.constant 0 : i32
    %dma_start3A_433 = arith.constant 5 : i32
    %dma_start3A_434 = arith.constant 0 : i32
    %dma_start3A_435 = tpu.memref_slice %arg7[%dma_start3A_432, %dma_start3A_433, %dma_start3A_434] : memref<8x8x128xf32, #tpu.memory_space<vmem>> -> memref<1x1x128xf32, #tpu.memory_space<vmem>>
    %dma_start3A_436 = tpu.memref_squeeze %dma_start3A_435 : memref<1x1x128xf32, #tpu.memory_space<vmem>> -> memref<128xf32, #tpu.memory_space<vmem>>
    %dma_start3A_437 = arith.constant 5120 : i32
    %dma_start3A_438 = tpu.memref_slice %arg6[%dma_start3A_437] : memref<8192xi32, #tpu.memory_space<vmem>> -> memref<128xi32, #tpu.memory_space<vmem>>
    %dma_start3A_439 = arith.constant 0 : i32
    %dma_start3A_440 = tpu.memref_slice %arg8[%dma_start3A_439] : memref<800000xf32, #tpu.memory_space<vmem_shared>> -> memref<800000xf32, #tpu.memory_space<vmem_shared>>
    tpu.enqueue_indirect_dma source(%dma_start3A_440 : memref<800000xf32, #tpu.memory_space<vmem_shared>>) target(%dma_start3A_436 : memref<128xf32, #tpu.memory_space<vmem>>) offsets(%dma_start3A_438 : memref<128xi32, #tpu.memory_space<vmem>>) semaphore(%arg10 : memref<!tpu.dma_semaphore, #tpu.memory_space<semaphore_mem>>)
    %dma_start3A_441 = arith.constant 1 : i32
    %dma_start3A_442 = arith.constant 5 : i32
    %dma_start3A_443 = arith.constant 0 : i32
    %dma_start3A_444 = tpu.memref_slice %arg7[%dma_start3A_441, %dma_start3A_442, %dma_start3A_443] : memref<8x8x128xf32, #tpu.memory_space<vmem>> -> memref<1x1x128xf32, #tpu.memory_space<vmem>>
    %dma_start3A_445 = tpu.memref_squeeze %dma_start3A_444 : memref<1x1x128xf32, #tpu.memory_space<vmem>> -> memref<128xf32, #tpu.memory_space<vmem>>
    %dma_start3A_446 = arith.constant 5248 : i32
    %dma_start3A_447 = tpu.memref_slice %arg6[%dma_start3A_446] : memref<8192xi32, #tpu.memory_space<vmem>> -> memref<128xi32, #tpu.memory_space<vmem>>
    %dma_start3A_448 = arith.constant 0 : i32
    %dma_start3A_449 = tpu.memref_slice %arg8[%dma_start3A_448] : memref<800000xf32, #tpu.memory_space<vmem_shared>> -> memref<800000xf32, #tpu.memory_space<vmem_shared>>
    tpu.enqueue_indirect_dma source(%dma_start3A_449 : memref<800000xf32, #tpu.memory_space<vmem_shared>>) target(%dma_start3A_445 : memref<128xf32, #tpu.memory_space<vmem>>) offsets(%dma_start3A_447 : memref<128xi32, #tpu.memory_space<vmem>>) semaphore(%arg10 : memref<!tpu.dma_semaphore, #tpu.memory_space<semaphore_mem>>)
    %dma_start3A_450 = arith.constant 2 : i32
    %dma_start3A_451 = arith.constant 5 : i32
    %dma_start3A_452 = arith.constant 0 : i32
    %dma_start3A_453 = tpu.memref_slice %arg7[%dma_start3A_450, %dma_start3A_451, %dma_start3A_452] : memref<8x8x128xf32, #tpu.memory_space<vmem>> -> memref<1x1x128xf32, #tpu.memory_space<vmem>>
    %dma_start3A_454 = tpu.memref_squeeze %dma_start3A_453 : memref<1x1x128xf32, #tpu.memory_space<vmem>> -> memref<128xf32, #tpu.memory_space<vmem>>
    %dma_start3A_455 = arith.constant 5376 : i32
    %dma_start3A_456 = tpu.memref_slice %arg6[%dma_start3A_455] : memref<8192xi32, #tpu.memory_space<vmem>> -> memref<128xi32, #tpu.memory_space<vmem>>
    %dma_start3A_457 = arith.constant 0 : i32
    %dma_start3A_458 = tpu.memref_slice %arg8[%dma_start3A_457] : memref<800000xf32, #tpu.memory_space<vmem_shared>> -> memref<800000xf32, #tpu.memory_space<vmem_shared>>
    tpu.enqueue_indirect_dma source(%dma_start3A_458 : memref<800000xf32, #tpu.memory_space<vmem_shared>>) target(%dma_start3A_454 : memref<128xf32, #tpu.memory_space<vmem>>) offsets(%dma_start3A_456 : memref<128xi32, #tpu.memory_space<vmem>>) semaphore(%arg10 : memref<!tpu.dma_semaphore, #tpu.memory_space<semaphore_mem>>)
    %dma_start3A_459 = arith.constant 3 : i32
    %dma_start3A_460 = arith.constant 5 : i32
    %dma_start3A_461 = arith.constant 0 : i32
    %dma_start3A_462 = tpu.memref_slice %arg7[%dma_start3A_459, %dma_start3A_460, %dma_start3A_461] : memref<8x8x128xf32, #tpu.memory_space<vmem>> -> memref<1x1x128xf32, #tpu.memory_space<vmem>>
    %dma_start3A_463 = tpu.memref_squeeze %dma_start3A_462 : memref<1x1x128xf32, #tpu.memory_space<vmem>> -> memref<128xf32, #tpu.memory_space<vmem>>
    %dma_start3A_464 = arith.constant 5504 : i32
    %dma_start3A_465 = tpu.memref_slice %arg6[%dma_start3A_464] : memref<8192xi32, #tpu.memory_space<vmem>> -> memref<128xi32, #tpu.memory_space<vmem>>
    %dma_start3A_466 = arith.constant 0 : i32
    %dma_start3A_467 = tpu.memref_slice %arg8[%dma_start3A_466] : memref<800000xf32, #tpu.memory_space<vmem_shared>> -> memref<800000xf32, #tpu.memory_space<vmem_shared>>
    tpu.enqueue_indirect_dma source(%dma_start3A_467 : memref<800000xf32, #tpu.memory_space<vmem_shared>>) target(%dma_start3A_463 : memref<128xf32, #tpu.memory_space<vmem>>) offsets(%dma_start3A_465 : memref<128xi32, #tpu.memory_space<vmem>>) semaphore(%arg10 : memref<!tpu.dma_semaphore, #tpu.memory_space<semaphore_mem>>)
    %dma_start3A_468 = arith.constant 4 : i32
    %dma_start3A_469 = arith.constant 5 : i32
    %dma_start3A_470 = arith.constant 0 : i32
    %dma_start3A_471 = tpu.memref_slice %arg7[%dma_start3A_468, %dma_start3A_469, %dma_start3A_470] : memref<8x8x128xf32, #tpu.memory_space<vmem>> -> memref<1x1x128xf32, #tpu.memory_space<vmem>>
    %dma_start3A_472 = tpu.memref_squeeze %dma_start3A_471 : memref<1x1x128xf32, #tpu.memory_space<vmem>> -> memref<128xf32, #tpu.memory_space<vmem>>
    %dma_start3A_473 = arith.constant 5632 : i32
    %dma_start3A_474 = tpu.memref_slice %arg6[%dma_start3A_473] : memref<8192xi32, #tpu.memory_space<vmem>> -> memref<128xi32, #tpu.memory_space<vmem>>
    %dma_start3A_475 = arith.constant 0 : i32
    %dma_start3A_476 = tpu.memref_slice %arg8[%dma_start3A_475] : memref<800000xf32, #tpu.memory_space<vmem_shared>> -> memref<800000xf32, #tpu.memory_space<vmem_shared>>
    tpu.enqueue_indirect_dma source(%dma_start3A_476 : memref<800000xf32, #tpu.memory_space<vmem_shared>>) target(%dma_start3A_472 : memref<128xf32, #tpu.memory_space<vmem>>) offsets(%dma_start3A_474 : memref<128xi32, #tpu.memory_space<vmem>>) semaphore(%arg10 : memref<!tpu.dma_semaphore, #tpu.memory_space<semaphore_mem>>)
    %dma_start3A_477 = arith.constant 5 : i32
    %dma_start3A_478 = arith.constant 5 : i32
    %dma_start3A_479 = arith.constant 0 : i32
    %dma_start3A_480 = tpu.memref_slice %arg7[%dma_start3A_477, %dma_start3A_478, %dma_start3A_479] : memref<8x8x128xf32, #tpu.memory_space<vmem>> -> memref<1x1x128xf32, #tpu.memory_space<vmem>>
    %dma_start3A_481 = tpu.memref_squeeze %dma_start3A_480 : memref<1x1x128xf32, #tpu.memory_space<vmem>> -> memref<128xf32, #tpu.memory_space<vmem>>
    %dma_start3A_482 = arith.constant 5760 : i32
    %dma_start3A_483 = tpu.memref_slice %arg6[%dma_start3A_482] : memref<8192xi32, #tpu.memory_space<vmem>> -> memref<128xi32, #tpu.memory_space<vmem>>
    %dma_start3A_484 = arith.constant 0 : i32
    %dma_start3A_485 = tpu.memref_slice %arg8[%dma_start3A_484] : memref<800000xf32, #tpu.memory_space<vmem_shared>> -> memref<800000xf32, #tpu.memory_space<vmem_shared>>
    tpu.enqueue_indirect_dma source(%dma_start3A_485 : memref<800000xf32, #tpu.memory_space<vmem_shared>>) target(%dma_start3A_481 : memref<128xf32, #tpu.memory_space<vmem>>) offsets(%dma_start3A_483 : memref<128xi32, #tpu.memory_space<vmem>>) semaphore(%arg10 : memref<!tpu.dma_semaphore, #tpu.memory_space<semaphore_mem>>)
    %dma_start3A_486 = arith.constant 6 : i32
    %dma_start3A_487 = arith.constant 5 : i32
    %dma_start3A_488 = arith.constant 0 : i32
    %dma_start3A_489 = tpu.memref_slice %arg7[%dma_start3A_486, %dma_start3A_487, %dma_start3A_488] : memref<8x8x128xf32, #tpu.memory_space<vmem>> -> memref<1x1x128xf32, #tpu.memory_space<vmem>>
    %dma_start3A_490 = tpu.memref_squeeze %dma_start3A_489 : memref<1x1x128xf32, #tpu.memory_space<vmem>> -> memref<128xf32, #tpu.memory_space<vmem>>
    %dma_start3A_491 = arith.constant 5888 : i32
    %dma_start3A_492 = tpu.memref_slice %arg6[%dma_start3A_491] : memref<8192xi32, #tpu.memory_space<vmem>> -> memref<128xi32, #tpu.memory_space<vmem>>
    %dma_start3A_493 = arith.constant 0 : i32
    %dma_start3A_494 = tpu.memref_slice %arg8[%dma_start3A_493] : memref<800000xf32, #tpu.memory_space<vmem_shared>> -> memref<800000xf32, #tpu.memory_space<vmem_shared>>
    tpu.enqueue_indirect_dma source(%dma_start3A_494 : memref<800000xf32, #tpu.memory_space<vmem_shared>>) target(%dma_start3A_490 : memref<128xf32, #tpu.memory_space<vmem>>) offsets(%dma_start3A_492 : memref<128xi32, #tpu.memory_space<vmem>>) semaphore(%arg10 : memref<!tpu.dma_semaphore, #tpu.memory_space<semaphore_mem>>)
    %dma_start3A_495 = arith.constant 7 : i32
    %dma_start3A_496 = arith.constant 5 : i32
    %dma_start3A_497 = arith.constant 0 : i32
    %dma_start3A_498 = tpu.memref_slice %arg7[%dma_start3A_495, %dma_start3A_496, %dma_start3A_497] : memref<8x8x128xf32, #tpu.memory_space<vmem>> -> memref<1x1x128xf32, #tpu.memory_space<vmem>>
    %dma_start3A_499 = tpu.memref_squeeze %dma_start3A_498 : memref<1x1x128xf32, #tpu.memory_space<vmem>> -> memref<128xf32, #tpu.memory_space<vmem>>
    %dma_start3A_500 = arith.constant 6016 : i32
    %dma_start3A_501 = tpu.memref_slice %arg6[%dma_start3A_500] : memref<8192xi32, #tpu.memory_space<vmem>> -> memref<128xi32, #tpu.memory_space<vmem>>
    %dma_start3A_502 = arith.constant 0 : i32
    %dma_start3A_503 = tpu.memref_slice %arg8[%dma_start3A_502] : memref<800000xf32, #tpu.memory_space<vmem_shared>> -> memref<800000xf32, #tpu.memory_space<vmem_shared>>
    tpu.enqueue_indirect_dma source(%dma_start3A_503 : memref<800000xf32, #tpu.memory_space<vmem_shared>>) target(%dma_start3A_499 : memref<128xf32, #tpu.memory_space<vmem>>) offsets(%dma_start3A_501 : memref<128xi32, #tpu.memory_space<vmem>>) semaphore(%arg10 : memref<!tpu.dma_semaphore, #tpu.memory_space<semaphore_mem>>)
    %dma_start3A_504 = arith.constant 0 : i32
    %dma_start3A_505 = arith.constant 6 : i32
    %dma_start3A_506 = arith.constant 0 : i32
    %dma_start3A_507 = tpu.memref_slice %arg7[%dma_start3A_504, %dma_start3A_505, %dma_start3A_506] : memref<8x8x128xf32, #tpu.memory_space<vmem>> -> memref<1x1x128xf32, #tpu.memory_space<vmem>>
    %dma_start3A_508 = tpu.memref_squeeze %dma_start3A_507 : memref<1x1x128xf32, #tpu.memory_space<vmem>> -> memref<128xf32, #tpu.memory_space<vmem>>
    %dma_start3A_509 = arith.constant 6144 : i32
    %dma_start3A_510 = tpu.memref_slice %arg6[%dma_start3A_509] : memref<8192xi32, #tpu.memory_space<vmem>> -> memref<128xi32, #tpu.memory_space<vmem>>
    %dma_start3A_511 = arith.constant 0 : i32
    %dma_start3A_512 = tpu.memref_slice %arg8[%dma_start3A_511] : memref<800000xf32, #tpu.memory_space<vmem_shared>> -> memref<800000xf32, #tpu.memory_space<vmem_shared>>
    tpu.enqueue_indirect_dma source(%dma_start3A_512 : memref<800000xf32, #tpu.memory_space<vmem_shared>>) target(%dma_start3A_508 : memref<128xf32, #tpu.memory_space<vmem>>) offsets(%dma_start3A_510 : memref<128xi32, #tpu.memory_space<vmem>>) semaphore(%arg10 : memref<!tpu.dma_semaphore, #tpu.memory_space<semaphore_mem>>)
    %dma_start3A_513 = arith.constant 1 : i32
    %dma_start3A_514 = arith.constant 6 : i32
    %dma_start3A_515 = arith.constant 0 : i32
    %dma_start3A_516 = tpu.memref_slice %arg7[%dma_start3A_513, %dma_start3A_514, %dma_start3A_515] : memref<8x8x128xf32, #tpu.memory_space<vmem>> -> memref<1x1x128xf32, #tpu.memory_space<vmem>>
    %dma_start3A_517 = tpu.memref_squeeze %dma_start3A_516 : memref<1x1x128xf32, #tpu.memory_space<vmem>> -> memref<128xf32, #tpu.memory_space<vmem>>
    %dma_start3A_518 = arith.constant 6272 : i32
    %dma_start3A_519 = tpu.memref_slice %arg6[%dma_start3A_518] : memref<8192xi32, #tpu.memory_space<vmem>> -> memref<128xi32, #tpu.memory_space<vmem>>
    %dma_start3A_520 = arith.constant 0 : i32
    %dma_start3A_521 = tpu.memref_slice %arg8[%dma_start3A_520] : memref<800000xf32, #tpu.memory_space<vmem_shared>> -> memref<800000xf32, #tpu.memory_space<vmem_shared>>
    tpu.enqueue_indirect_dma source(%dma_start3A_521 : memref<800000xf32, #tpu.memory_space<vmem_shared>>) target(%dma_start3A_517 : memref<128xf32, #tpu.memory_space<vmem>>) offsets(%dma_start3A_519 : memref<128xi32, #tpu.memory_space<vmem>>) semaphore(%arg10 : memref<!tpu.dma_semaphore, #tpu.memory_space<semaphore_mem>>)
    %dma_start3A_522 = arith.constant 2 : i32
    %dma_start3A_523 = arith.constant 6 : i32
    %dma_start3A_524 = arith.constant 0 : i32
    %dma_start3A_525 = tpu.memref_slice %arg7[%dma_start3A_522, %dma_start3A_523, %dma_start3A_524] : memref<8x8x128xf32, #tpu.memory_space<vmem>> -> memref<1x1x128xf32, #tpu.memory_space<vmem>>
    %dma_start3A_526 = tpu.memref_squeeze %dma_start3A_525 : memref<1x1x128xf32, #tpu.memory_space<vmem>> -> memref<128xf32, #tpu.memory_space<vmem>>
    %dma_start3A_527 = arith.constant 6400 : i32
    %dma_start3A_528 = tpu.memref_slice %arg6[%dma_start3A_527] : memref<8192xi32, #tpu.memory_space<vmem>> -> memref<128xi32, #tpu.memory_space<vmem>>
    %dma_start3A_529 = arith.constant 0 : i32
    %dma_start3A_530 = tpu.memref_slice %arg8[%dma_start3A_529] : memref<800000xf32, #tpu.memory_space<vmem_shared>> -> memref<800000xf32, #tpu.memory_space<vmem_shared>>
    tpu.enqueue_indirect_dma source(%dma_start3A_530 : memref<800000xf32, #tpu.memory_space<vmem_shared>>) target(%dma_start3A_526 : memref<128xf32, #tpu.memory_space<vmem>>) offsets(%dma_start3A_528 : memref<128xi32, #tpu.memory_space<vmem>>) semaphore(%arg10 : memref<!tpu.dma_semaphore, #tpu.memory_space<semaphore_mem>>)
    %dma_start3A_531 = arith.constant 3 : i32
    %dma_start3A_532 = arith.constant 6 : i32
    %dma_start3A_533 = arith.constant 0 : i32
    %dma_start3A_534 = tpu.memref_slice %arg7[%dma_start3A_531, %dma_start3A_532, %dma_start3A_533] : memref<8x8x128xf32, #tpu.memory_space<vmem>> -> memref<1x1x128xf32, #tpu.memory_space<vmem>>
    %dma_start3A_535 = tpu.memref_squeeze %dma_start3A_534 : memref<1x1x128xf32, #tpu.memory_space<vmem>> -> memref<128xf32, #tpu.memory_space<vmem>>
    %dma_start3A_536 = arith.constant 6528 : i32
    %dma_start3A_537 = tpu.memref_slice %arg6[%dma_start3A_536] : memref<8192xi32, #tpu.memory_space<vmem>> -> memref<128xi32, #tpu.memory_space<vmem>>
    %dma_start3A_538 = arith.constant 0 : i32
    %dma_start3A_539 = tpu.memref_slice %arg8[%dma_start3A_538] : memref<800000xf32, #tpu.memory_space<vmem_shared>> -> memref<800000xf32, #tpu.memory_space<vmem_shared>>
    tpu.enqueue_indirect_dma source(%dma_start3A_539 : memref<800000xf32, #tpu.memory_space<vmem_shared>>) target(%dma_start3A_535 : memref<128xf32, #tpu.memory_space<vmem>>) offsets(%dma_start3A_537 : memref<128xi32, #tpu.memory_space<vmem>>) semaphore(%arg10 : memref<!tpu.dma_semaphore, #tpu.memory_space<semaphore_mem>>)
    %dma_start3A_540 = arith.constant 4 : i32
    %dma_start3A_541 = arith.constant 6 : i32
    %dma_start3A_542 = arith.constant 0 : i32
    %dma_start3A_543 = tpu.memref_slice %arg7[%dma_start3A_540, %dma_start3A_541, %dma_start3A_542] : memref<8x8x128xf32, #tpu.memory_space<vmem>> -> memref<1x1x128xf32, #tpu.memory_space<vmem>>
    %dma_start3A_544 = tpu.memref_squeeze %dma_start3A_543 : memref<1x1x128xf32, #tpu.memory_space<vmem>> -> memref<128xf32, #tpu.memory_space<vmem>>
    %dma_start3A_545 = arith.constant 6656 : i32
    %dma_start3A_546 = tpu.memref_slice %arg6[%dma_start3A_545] : memref<8192xi32, #tpu.memory_space<vmem>> -> memref<128xi32, #tpu.memory_space<vmem>>
    %dma_start3A_547 = arith.constant 0 : i32
    %dma_start3A_548 = tpu.memref_slice %arg8[%dma_start3A_547] : memref<800000xf32, #tpu.memory_space<vmem_shared>> -> memref<800000xf32, #tpu.memory_space<vmem_shared>>
    tpu.enqueue_indirect_dma source(%dma_start3A_548 : memref<800000xf32, #tpu.memory_space<vmem_shared>>) target(%dma_start3A_544 : memref<128xf32, #tpu.memory_space<vmem>>) offsets(%dma_start3A_546 : memref<128xi32, #tpu.memory_space<vmem>>) semaphore(%arg10 : memref<!tpu.dma_semaphore, #tpu.memory_space<semaphore_mem>>)
    %dma_start3A_549 = arith.constant 5 : i32
    %dma_start3A_550 = arith.constant 6 : i32
    %dma_start3A_551 = arith.constant 0 : i32
    %dma_start3A_552 = tpu.memref_slice %arg7[%dma_start3A_549, %dma_start3A_550, %dma_start3A_551] : memref<8x8x128xf32, #tpu.memory_space<vmem>> -> memref<1x1x128xf32, #tpu.memory_space<vmem>>
    %dma_start3A_553 = tpu.memref_squeeze %dma_start3A_552 : memref<1x1x128xf32, #tpu.memory_space<vmem>> -> memref<128xf32, #tpu.memory_space<vmem>>
    %dma_start3A_554 = arith.constant 6784 : i32
    %dma_start3A_555 = tpu.memref_slice %arg6[%dma_start3A_554] : memref<8192xi32, #tpu.memory_space<vmem>> -> memref<128xi32, #tpu.memory_space<vmem>>
    %dma_start3A_556 = arith.constant 0 : i32
    %dma_start3A_557 = tpu.memref_slice %arg8[%dma_start3A_556] : memref<800000xf32, #tpu.memory_space<vmem_shared>> -> memref<800000xf32, #tpu.memory_space<vmem_shared>>
    tpu.enqueue_indirect_dma source(%dma_start3A_557 : memref<800000xf32, #tpu.memory_space<vmem_shared>>) target(%dma_start3A_553 : memref<128xf32, #tpu.memory_space<vmem>>) offsets(%dma_start3A_555 : memref<128xi32, #tpu.memory_space<vmem>>) semaphore(%arg10 : memref<!tpu.dma_semaphore, #tpu.memory_space<semaphore_mem>>)
    %dma_start3A_558 = arith.constant 6 : i32
    %dma_start3A_559 = arith.constant 6 : i32
    %dma_start3A_560 = arith.constant 0 : i32
    %dma_start3A_561 = tpu.memref_slice %arg7[%dma_start3A_558, %dma_start3A_559, %dma_start3A_560] : memref<8x8x128xf32, #tpu.memory_space<vmem>> -> memref<1x1x128xf32, #tpu.memory_space<vmem>>
    %dma_start3A_562 = tpu.memref_squeeze %dma_start3A_561 : memref<1x1x128xf32, #tpu.memory_space<vmem>> -> memref<128xf32, #tpu.memory_space<vmem>>
    %dma_start3A_563 = arith.constant 6912 : i32
    %dma_start3A_564 = tpu.memref_slice %arg6[%dma_start3A_563] : memref<8192xi32, #tpu.memory_space<vmem>> -> memref<128xi32, #tpu.memory_space<vmem>>
    %dma_start3A_565 = arith.constant 0 : i32
    %dma_start3A_566 = tpu.memref_slice %arg8[%dma_start3A_565] : memref<800000xf32, #tpu.memory_space<vmem_shared>> -> memref<800000xf32, #tpu.memory_space<vmem_shared>>
    tpu.enqueue_indirect_dma source(%dma_start3A_566 : memref<800000xf32, #tpu.memory_space<vmem_shared>>) target(%dma_start3A_562 : memref<128xf32, #tpu.memory_space<vmem>>) offsets(%dma_start3A_564 : memref<128xi32, #tpu.memory_space<vmem>>) semaphore(%arg10 : memref<!tpu.dma_semaphore, #tpu.memory_space<semaphore_mem>>)
    %dma_start3A_567 = arith.constant 7 : i32
    %dma_start3A_568 = arith.constant 6 : i32
    %dma_start3A_569 = arith.constant 0 : i32
    %dma_start3A_570 = tpu.memref_slice %arg7[%dma_start3A_567, %dma_start3A_568, %dma_start3A_569] : memref<8x8x128xf32, #tpu.memory_space<vmem>> -> memref<1x1x128xf32, #tpu.memory_space<vmem>>
    %dma_start3A_571 = tpu.memref_squeeze %dma_start3A_570 : memref<1x1x128xf32, #tpu.memory_space<vmem>> -> memref<128xf32, #tpu.memory_space<vmem>>
    %dma_start3A_572 = arith.constant 7040 : i32
    %dma_start3A_573 = tpu.memref_slice %arg6[%dma_start3A_572] : memref<8192xi32, #tpu.memory_space<vmem>> -> memref<128xi32, #tpu.memory_space<vmem>>
    %dma_start3A_574 = arith.constant 0 : i32
    %dma_start3A_575 = tpu.memref_slice %arg8[%dma_start3A_574] : memref<800000xf32, #tpu.memory_space<vmem_shared>> -> memref<800000xf32, #tpu.memory_space<vmem_shared>>
    tpu.enqueue_indirect_dma source(%dma_start3A_575 : memref<800000xf32, #tpu.memory_space<vmem_shared>>) target(%dma_start3A_571 : memref<128xf32, #tpu.memory_space<vmem>>) offsets(%dma_start3A_573 : memref<128xi32, #tpu.memory_space<vmem>>) semaphore(%arg10 : memref<!tpu.dma_semaphore, #tpu.memory_space<semaphore_mem>>)
    %dma_start3A_576 = arith.constant 0 : i32
    %dma_start3A_577 = arith.constant 7 : i32
    %dma_start3A_578 = arith.constant 0 : i32
    %dma_start3A_579 = tpu.memref_slice %arg7[%dma_start3A_576, %dma_start3A_577, %dma_start3A_578] : memref<8x8x128xf32, #tpu.memory_space<vmem>> -> memref<1x1x128xf32, #tpu.memory_space<vmem>>
    %dma_start3A_580 = tpu.memref_squeeze %dma_start3A_579 : memref<1x1x128xf32, #tpu.memory_space<vmem>> -> memref<128xf32, #tpu.memory_space<vmem>>
    %dma_start3A_581 = arith.constant 7168 : i32
    %dma_start3A_582 = tpu.memref_slice %arg6[%dma_start3A_581] : memref<8192xi32, #tpu.memory_space<vmem>> -> memref<128xi32, #tpu.memory_space<vmem>>
    %dma_start3A_583 = arith.constant 0 : i32
    %dma_start3A_584 = tpu.memref_slice %arg8[%dma_start3A_583] : memref<800000xf32, #tpu.memory_space<vmem_shared>> -> memref<800000xf32, #tpu.memory_space<vmem_shared>>
    tpu.enqueue_indirect_dma source(%dma_start3A_584 : memref<800000xf32, #tpu.memory_space<vmem_shared>>) target(%dma_start3A_580 : memref<128xf32, #tpu.memory_space<vmem>>) offsets(%dma_start3A_582 : memref<128xi32, #tpu.memory_space<vmem>>) semaphore(%arg10 : memref<!tpu.dma_semaphore, #tpu.memory_space<semaphore_mem>>)
    %dma_start3A_585 = arith.constant 1 : i32
    %dma_start3A_586 = arith.constant 7 : i32
    %dma_start3A_587 = arith.constant 0 : i32
    %dma_start3A_588 = tpu.memref_slice %arg7[%dma_start3A_585, %dma_start3A_586, %dma_start3A_587] : memref<8x8x128xf32, #tpu.memory_space<vmem>> -> memref<1x1x128xf32, #tpu.memory_space<vmem>>
    %dma_start3A_589 = tpu.memref_squeeze %dma_start3A_588 : memref<1x1x128xf32, #tpu.memory_space<vmem>> -> memref<128xf32, #tpu.memory_space<vmem>>
    %dma_start3A_590 = arith.constant 7296 : i32
    %dma_start3A_591 = tpu.memref_slice %arg6[%dma_start3A_590] : memref<8192xi32, #tpu.memory_space<vmem>> -> memref<128xi32, #tpu.memory_space<vmem>>
    %dma_start3A_592 = arith.constant 0 : i32
    %dma_start3A_593 = tpu.memref_slice %arg8[%dma_start3A_592] : memref<800000xf32, #tpu.memory_space<vmem_shared>> -> memref<800000xf32, #tpu.memory_space<vmem_shared>>
    tpu.enqueue_indirect_dma source(%dma_start3A_593 : memref<800000xf32, #tpu.memory_space<vmem_shared>>) target(%dma_start3A_589 : memref<128xf32, #tpu.memory_space<vmem>>) offsets(%dma_start3A_591 : memref<128xi32, #tpu.memory_space<vmem>>) semaphore(%arg10 : memref<!tpu.dma_semaphore, #tpu.memory_space<semaphore_mem>>)
    %dma_start3A_594 = arith.constant 2 : i32
    %dma_start3A_595 = arith.constant 7 : i32
    %dma_start3A_596 = arith.constant 0 : i32
    %dma_start3A_597 = tpu.memref_slice %arg7[%dma_start3A_594, %dma_start3A_595, %dma_start3A_596] : memref<8x8x128xf32, #tpu.memory_space<vmem>> -> memref<1x1x128xf32, #tpu.memory_space<vmem>>
    %dma_start3A_598 = tpu.memref_squeeze %dma_start3A_597 : memref<1x1x128xf32, #tpu.memory_space<vmem>> -> memref<128xf32, #tpu.memory_space<vmem>>
    %dma_start3A_599 = arith.constant 7424 : i32
    %dma_start3A_600 = tpu.memref_slice %arg6[%dma_start3A_599] : memref<8192xi32, #tpu.memory_space<vmem>> -> memref<128xi32, #tpu.memory_space<vmem>>
    %dma_start3A_601 = arith.constant 0 : i32
    %dma_start3A_602 = tpu.memref_slice %arg8[%dma_start3A_601] : memref<800000xf32, #tpu.memory_space<vmem_shared>> -> memref<800000xf32, #tpu.memory_space<vmem_shared>>
    tpu.enqueue_indirect_dma source(%dma_start3A_602 : memref<800000xf32, #tpu.memory_space<vmem_shared>>) target(%dma_start3A_598 : memref<128xf32, #tpu.memory_space<vmem>>) offsets(%dma_start3A_600 : memref<128xi32, #tpu.memory_space<vmem>>) semaphore(%arg10 : memref<!tpu.dma_semaphore, #tpu.memory_space<semaphore_mem>>)
    %dma_start3A_603 = arith.constant 3 : i32
    %dma_start3A_604 = arith.constant 7 : i32
    %dma_start3A_605 = arith.constant 0 : i32
    %dma_start3A_606 = tpu.memref_slice %arg7[%dma_start3A_603, %dma_start3A_604, %dma_start3A_605] : memref<8x8x128xf32, #tpu.memory_space<vmem>> -> memref<1x1x128xf32, #tpu.memory_space<vmem>>
    %dma_start3A_607 = tpu.memref_squeeze %dma_start3A_606 : memref<1x1x128xf32, #tpu.memory_space<vmem>> -> memref<128xf32, #tpu.memory_space<vmem>>
    %dma_start3A_608 = arith.constant 7552 : i32
    %dma_start3A_609 = tpu.memref_slice %arg6[%dma_start3A_608] : memref<8192xi32, #tpu.memory_space<vmem>> -> memref<128xi32, #tpu.memory_space<vmem>>
    %dma_start3A_610 = arith.constant 0 : i32
    %dma_start3A_611 = tpu.memref_slice %arg8[%dma_start3A_610] : memref<800000xf32, #tpu.memory_space<vmem_shared>> -> memref<800000xf32, #tpu.memory_space<vmem_shared>>
    tpu.enqueue_indirect_dma source(%dma_start3A_611 : memref<800000xf32, #tpu.memory_space<vmem_shared>>) target(%dma_start3A_607 : memref<128xf32, #tpu.memory_space<vmem>>) offsets(%dma_start3A_609 : memref<128xi32, #tpu.memory_space<vmem>>) semaphore(%arg10 : memref<!tpu.dma_semaphore, #tpu.memory_space<semaphore_mem>>)
    %dma_start3A_612 = arith.constant 4 : i32
    %dma_start3A_613 = arith.constant 7 : i32
    %dma_start3A_614 = arith.constant 0 : i32
    %dma_start3A_615 = tpu.memref_slice %arg7[%dma_start3A_612, %dma_start3A_613, %dma_start3A_614] : memref<8x8x128xf32, #tpu.memory_space<vmem>> -> memref<1x1x128xf32, #tpu.memory_space<vmem>>
    %dma_start3A_616 = tpu.memref_squeeze %dma_start3A_615 : memref<1x1x128xf32, #tpu.memory_space<vmem>> -> memref<128xf32, #tpu.memory_space<vmem>>
    %dma_start3A_617 = arith.constant 7680 : i32
    %dma_start3A_618 = tpu.memref_slice %arg6[%dma_start3A_617] : memref<8192xi32, #tpu.memory_space<vmem>> -> memref<128xi32, #tpu.memory_space<vmem>>
    %dma_start3A_619 = arith.constant 0 : i32
    %dma_start3A_620 = tpu.memref_slice %arg8[%dma_start3A_619] : memref<800000xf32, #tpu.memory_space<vmem_shared>> -> memref<800000xf32, #tpu.memory_space<vmem_shared>>
    tpu.enqueue_indirect_dma source(%dma_start3A_620 : memref<800000xf32, #tpu.memory_space<vmem_shared>>) target(%dma_start3A_616 : memref<128xf32, #tpu.memory_space<vmem>>) offsets(%dma_start3A_618 : memref<128xi32, #tpu.memory_space<vmem>>) semaphore(%arg10 : memref<!tpu.dma_semaphore, #tpu.memory_space<semaphore_mem>>)
    %dma_start3A_621 = arith.constant 5 : i32
    %dma_start3A_622 = arith.constant 7 : i32
    %dma_start3A_623 = arith.constant 0 : i32
    %dma_start3A_624 = tpu.memref_slice %arg7[%dma_start3A_621, %dma_start3A_622, %dma_start3A_623] : memref<8x8x128xf32, #tpu.memory_space<vmem>> -> memref<1x1x128xf32, #tpu.memory_space<vmem>>
    %dma_start3A_625 = tpu.memref_squeeze %dma_start3A_624 : memref<1x1x128xf32, #tpu.memory_space<vmem>> -> memref<128xf32, #tpu.memory_space<vmem>>
    %dma_start3A_626 = arith.constant 7808 : i32
    %dma_start3A_627 = tpu.memref_slice %arg6[%dma_start3A_626] : memref<8192xi32, #tpu.memory_space<vmem>> -> memref<128xi32, #tpu.memory_space<vmem>>
    %dma_start3A_628 = arith.constant 0 : i32
    %dma_start3A_629 = tpu.memref_slice %arg8[%dma_start3A_628] : memref<800000xf32, #tpu.memory_space<vmem_shared>> -> memref<800000xf32, #tpu.memory_space<vmem_shared>>
    tpu.enqueue_indirect_dma source(%dma_start3A_629 : memref<800000xf32, #tpu.memory_space<vmem_shared>>) target(%dma_start3A_625 : memref<128xf32, #tpu.memory_space<vmem>>) offsets(%dma_start3A_627 : memref<128xi32, #tpu.memory_space<vmem>>) semaphore(%arg10 : memref<!tpu.dma_semaphore, #tpu.memory_space<semaphore_mem>>)
    %dma_start3A_630 = arith.constant 6 : i32
    %dma_start3A_631 = arith.constant 7 : i32
    %dma_start3A_632 = arith.constant 0 : i32
    %dma_start3A_633 = tpu.memref_slice %arg7[%dma_start3A_630, %dma_start3A_631, %dma_start3A_632] : memref<8x8x128xf32, #tpu.memory_space<vmem>> -> memref<1x1x128xf32, #tpu.memory_space<vmem>>
    %dma_start3A_634 = tpu.memref_squeeze %dma_start3A_633 : memref<1x1x128xf32, #tpu.memory_space<vmem>> -> memref<128xf32, #tpu.memory_space<vmem>>
    %dma_start3A_635 = arith.constant 7936 : i32
    %dma_start3A_636 = tpu.memref_slice %arg6[%dma_start3A_635] : memref<8192xi32, #tpu.memory_space<vmem>> -> memref<128xi32, #tpu.memory_space<vmem>>
    %dma_start3A_637 = arith.constant 0 : i32
    %dma_start3A_638 = tpu.memref_slice %arg8[%dma_start3A_637] : memref<800000xf32, #tpu.memory_space<vmem_shared>> -> memref<800000xf32, #tpu.memory_space<vmem_shared>>
    tpu.enqueue_indirect_dma source(%dma_start3A_638 : memref<800000xf32, #tpu.memory_space<vmem_shared>>) target(%dma_start3A_634 : memref<128xf32, #tpu.memory_space<vmem>>) offsets(%dma_start3A_636 : memref<128xi32, #tpu.memory_space<vmem>>) semaphore(%arg10 : memref<!tpu.dma_semaphore, #tpu.memory_space<semaphore_mem>>)
    %dma_start3A_639 = arith.constant 7 : i32
    %dma_start3A_640 = arith.constant 7 : i32
    %dma_start3A_641 = arith.constant 0 : i32
    %dma_start3A_642 = tpu.memref_slice %arg7[%dma_start3A_639, %dma_start3A_640, %dma_start3A_641] : memref<8x8x128xf32, #tpu.memory_space<vmem>> -> memref<1x1x128xf32, #tpu.memory_space<vmem>>
    %dma_start3A_643 = tpu.memref_squeeze %dma_start3A_642 : memref<1x1x128xf32, #tpu.memory_space<vmem>> -> memref<128xf32, #tpu.memory_space<vmem>>
    %dma_start3A_644 = arith.constant 8064 : i32
    %dma_start3A_645 = tpu.memref_slice %arg6[%dma_start3A_644] : memref<8192xi32, #tpu.memory_space<vmem>> -> memref<128xi32, #tpu.memory_space<vmem>>
    %dma_start3A_646 = arith.constant 0 : i32
    %dma_start3A_647 = tpu.memref_slice %arg8[%dma_start3A_646] : memref<800000xf32, #tpu.memory_space<vmem_shared>> -> memref<800000xf32, #tpu.memory_space<vmem_shared>>
    tpu.enqueue_indirect_dma source(%dma_start3A_647 : memref<800000xf32, #tpu.memory_space<vmem_shared>>) target(%dma_start3A_643 : memref<128xf32, #tpu.memory_space<vmem>>) offsets(%dma_start3A_645 : memref<128xi32, #tpu.memory_space<vmem>>) semaphore(%arg10 : memref<!tpu.dma_semaphore, #tpu.memory_space<semaphore_mem>>)
    %dma_wait3A_648 = arith.constant 0 : i32
    %dma_wait3A_649 = arith.constant 0 : i32
    %dma_wait3A_650 = arith.constant 0 : i32
    %dma_wait3A_651 = tpu.memref_slice %arg7[%dma_wait3A_648, %dma_wait3A_649, %dma_wait3A_650] : memref<8x8x128xf32, #tpu.memory_space<vmem>> -> memref<1x1x128xf32, #tpu.memory_space<vmem>>
    %dma_wait3A_652 = tpu.memref_squeeze %dma_wait3A_651 : memref<1x1x128xf32, #tpu.memory_space<vmem>> -> memref<128xf32, #tpu.memory_space<vmem>>
    %dma_wait3A_653 = arith.constant 0 : i32
    %dma_wait3A_654 = tpu.memref_slice %arg6[%dma_wait3A_653] : memref<8192xi32, #tpu.memory_space<vmem>> -> memref<128xi32, #tpu.memory_space<vmem>>
    %dma_wait3A_655 = arith.constant 0 : i32
    %dma_wait3A_656 = tpu.memref_slice %arg8[%dma_wait3A_655] : memref<800000xf32, #tpu.memory_space<vmem_shared>> -> memref<800000xf32, #tpu.memory_space<vmem_shared>>
    tpu.wait_indirect_dma semaphore(%arg10 : memref<!tpu.dma_semaphore, #tpu.memory_space<semaphore_mem>>) src(%dma_wait3A_656 : memref<800000xf32, #tpu.memory_space<vmem_shared>>) dst(%dma_wait3A_652 : memref<128xf32, #tpu.memory_space<vmem>>)
    %dma_wait3A_657 = arith.constant 1 : i32
    %dma_wait3A_658 = arith.constant 0 : i32
    %dma_wait3A_659 = arith.constant 0 : i32
    %dma_wait3A_660 = tpu.memref_slice %arg7[%dma_wait3A_657, %dma_wait3A_658, %dma_wait3A_659] : memref<8x8x128xf32, #tpu.memory_space<vmem>> -> memref<1x1x128xf32, #tpu.memory_space<vmem>>
    %dma_wait3A_661 = tpu.memref_squeeze %dma_wait3A_660 : memref<1x1x128xf32, #tpu.memory_space<vmem>> -> memref<128xf32, #tpu.memory_space<vmem>>
    %dma_wait3A_662 = arith.constant 128 : i32
    %dma_wait3A_663 = tpu.memref_slice %arg6[%dma_wait3A_662] : memref<8192xi32, #tpu.memory_space<vmem>> -> memref<128xi32, #tpu.memory_space<vmem>>
    %dma_wait3A_664 = arith.constant 0 : i32
    %dma_wait3A_665 = tpu.memref_slice %arg8[%dma_wait3A_664] : memref<800000xf32, #tpu.memory_space<vmem_shared>> -> memref<800000xf32, #tpu.memory_space<vmem_shared>>
    tpu.wait_indirect_dma semaphore(%arg10 : memref<!tpu.dma_semaphore, #tpu.memory_space<semaphore_mem>>) src(%dma_wait3A_665 : memref<800000xf32, #tpu.memory_space<vmem_shared>>) dst(%dma_wait3A_661 : memref<128xf32, #tpu.memory_space<vmem>>)
    %dma_wait3A_666 = arith.constant 2 : i32
    %dma_wait3A_667 = arith.constant 0 : i32
    %dma_wait3A_668 = arith.constant 0 : i32
    %dma_wait3A_669 = tpu.memref_slice %arg7[%dma_wait3A_666, %dma_wait3A_667, %dma_wait3A_668] : memref<8x8x128xf32, #tpu.memory_space<vmem>> -> memref<1x1x128xf32, #tpu.memory_space<vmem>>
    %dma_wait3A_670 = tpu.memref_squeeze %dma_wait3A_669 : memref<1x1x128xf32, #tpu.memory_space<vmem>> -> memref<128xf32, #tpu.memory_space<vmem>>
    %dma_wait3A_671 = arith.constant 256 : i32
    %dma_wait3A_672 = tpu.memref_slice %arg6[%dma_wait3A_671] : memref<8192xi32, #tpu.memory_space<vmem>> -> memref<128xi32, #tpu.memory_space<vmem>>
    %dma_wait3A_673 = arith.constant 0 : i32
    %dma_wait3A_674 = tpu.memref_slice %arg8[%dma_wait3A_673] : memref<800000xf32, #tpu.memory_space<vmem_shared>> -> memref<800000xf32, #tpu.memory_space<vmem_shared>>
    tpu.wait_indirect_dma semaphore(%arg10 : memref<!tpu.dma_semaphore, #tpu.memory_space<semaphore_mem>>) src(%dma_wait3A_674 : memref<800000xf32, #tpu.memory_space<vmem_shared>>) dst(%dma_wait3A_670 : memref<128xf32, #tpu.memory_space<vmem>>)
    %dma_wait3A_675 = arith.constant 3 : i32
    %dma_wait3A_676 = arith.constant 0 : i32
    %dma_wait3A_677 = arith.constant 0 : i32
    %dma_wait3A_678 = tpu.memref_slice %arg7[%dma_wait3A_675, %dma_wait3A_676, %dma_wait3A_677] : memref<8x8x128xf32, #tpu.memory_space<vmem>> -> memref<1x1x128xf32, #tpu.memory_space<vmem>>
    %dma_wait3A_679 = tpu.memref_squeeze %dma_wait3A_678 : memref<1x1x128xf32, #tpu.memory_space<vmem>> -> memref<128xf32, #tpu.memory_space<vmem>>
    %dma_wait3A_680 = arith.constant 384 : i32
    %dma_wait3A_681 = tpu.memref_slice %arg6[%dma_wait3A_680] : memref<8192xi32, #tpu.memory_space<vmem>> -> memref<128xi32, #tpu.memory_space<vmem>>
    %dma_wait3A_682 = arith.constant 0 : i32
    %dma_wait3A_683 = tpu.memref_slice %arg8[%dma_wait3A_682] : memref<800000xf32, #tpu.memory_space<vmem_shared>> -> memref<800000xf32, #tpu.memory_space<vmem_shared>>
    tpu.wait_indirect_dma semaphore(%arg10 : memref<!tpu.dma_semaphore, #tpu.memory_space<semaphore_mem>>) src(%dma_wait3A_683 : memref<800000xf32, #tpu.memory_space<vmem_shared>>) dst(%dma_wait3A_679 : memref<128xf32, #tpu.memory_space<vmem>>)
    %dma_wait3A_684 = arith.constant 4 : i32
    %dma_wait3A_685 = arith.constant 0 : i32
    %dma_wait3A_686 = arith.constant 0 : i32
    %dma_wait3A_687 = tpu.memref_slice %arg7[%dma_wait3A_684, %dma_wait3A_685, %dma_wait3A_686] : memref<8x8x128xf32, #tpu.memory_space<vmem>> -> memref<1x1x128xf32, #tpu.memory_space<vmem>>
    %dma_wait3A_688 = tpu.memref_squeeze %dma_wait3A_687 : memref<1x1x128xf32, #tpu.memory_space<vmem>> -> memref<128xf32, #tpu.memory_space<vmem>>
    %dma_wait3A_689 = arith.constant 512 : i32
    %dma_wait3A_690 = tpu.memref_slice %arg6[%dma_wait3A_689] : memref<8192xi32, #tpu.memory_space<vmem>> -> memref<128xi32, #tpu.memory_space<vmem>>
    %dma_wait3A_691 = arith.constant 0 : i32
    %dma_wait3A_692 = tpu.memref_slice %arg8[%dma_wait3A_691] : memref<800000xf32, #tpu.memory_space<vmem_shared>> -> memref<800000xf32, #tpu.memory_space<vmem_shared>>
    tpu.wait_indirect_dma semaphore(%arg10 : memref<!tpu.dma_semaphore, #tpu.memory_space<semaphore_mem>>) src(%dma_wait3A_692 : memref<800000xf32, #tpu.memory_space<vmem_shared>>) dst(%dma_wait3A_688 : memref<128xf32, #tpu.memory_space<vmem>>)
    %dma_wait3A_693 = arith.constant 5 : i32
    %dma_wait3A_694 = arith.constant 0 : i32
    %dma_wait3A_695 = arith.constant 0 : i32
    %dma_wait3A_696 = tpu.memref_slice %arg7[%dma_wait3A_693, %dma_wait3A_694, %dma_wait3A_695] : memref<8x8x128xf32, #tpu.memory_space<vmem>> -> memref<1x1x128xf32, #tpu.memory_space<vmem>>
    %dma_wait3A_697 = tpu.memref_squeeze %dma_wait3A_696 : memref<1x1x128xf32, #tpu.memory_space<vmem>> -> memref<128xf32, #tpu.memory_space<vmem>>
    %dma_wait3A_698 = arith.constant 640 : i32
    %dma_wait3A_699 = tpu.memref_slice %arg6[%dma_wait3A_698] : memref<8192xi32, #tpu.memory_space<vmem>> -> memref<128xi32, #tpu.memory_space<vmem>>
    %dma_wait3A_700 = arith.constant 0 : i32
    %dma_wait3A_701 = tpu.memref_slice %arg8[%dma_wait3A_700] : memref<800000xf32, #tpu.memory_space<vmem_shared>> -> memref<800000xf32, #tpu.memory_space<vmem_shared>>
    tpu.wait_indirect_dma semaphore(%arg10 : memref<!tpu.dma_semaphore, #tpu.memory_space<semaphore_mem>>) src(%dma_wait3A_701 : memref<800000xf32, #tpu.memory_space<vmem_shared>>) dst(%dma_wait3A_697 : memref<128xf32, #tpu.memory_space<vmem>>)
    %dma_wait3A_702 = arith.constant 6 : i32
    %dma_wait3A_703 = arith.constant 0 : i32
    %dma_wait3A_704 = arith.constant 0 : i32
    %dma_wait3A_705 = tpu.memref_slice %arg7[%dma_wait3A_702, %dma_wait3A_703, %dma_wait3A_704] : memref<8x8x128xf32, #tpu.memory_space<vmem>> -> memref<1x1x128xf32, #tpu.memory_space<vmem>>
    %dma_wait3A_706 = tpu.memref_squeeze %dma_wait3A_705 : memref<1x1x128xf32, #tpu.memory_space<vmem>> -> memref<128xf32, #tpu.memory_space<vmem>>
    %dma_wait3A_707 = arith.constant 768 : i32
    %dma_wait3A_708 = tpu.memref_slice %arg6[%dma_wait3A_707] : memref<8192xi32, #tpu.memory_space<vmem>> -> memref<128xi32, #tpu.memory_space<vmem>>
    %dma_wait3A_709 = arith.constant 0 : i32
    %dma_wait3A_710 = tpu.memref_slice %arg8[%dma_wait3A_709] : memref<800000xf32, #tpu.memory_space<vmem_shared>> -> memref<800000xf32, #tpu.memory_space<vmem_shared>>
    tpu.wait_indirect_dma semaphore(%arg10 : memref<!tpu.dma_semaphore, #tpu.memory_space<semaphore_mem>>) src(%dma_wait3A_710 : memref<800000xf32, #tpu.memory_space<vmem_shared>>) dst(%dma_wait3A_706 : memref<128xf32, #tpu.memory_space<vmem>>)
    %dma_wait3A_711 = arith.constant 7 : i32
    %dma_wait3A_712 = arith.constant 0 : i32
    %dma_wait3A_713 = arith.constant 0 : i32
    %dma_wait3A_714 = tpu.memref_slice %arg7[%dma_wait3A_711, %dma_wait3A_712, %dma_wait3A_713] : memref<8x8x128xf32, #tpu.memory_space<vmem>> -> memref<1x1x128xf32, #tpu.memory_space<vmem>>
    %dma_wait3A_715 = tpu.memref_squeeze %dma_wait3A_714 : memref<1x1x128xf32, #tpu.memory_space<vmem>> -> memref<128xf32, #tpu.memory_space<vmem>>
    %dma_wait3A_716 = arith.constant 896 : i32
    %dma_wait3A_717 = tpu.memref_slice %arg6[%dma_wait3A_716] : memref<8192xi32, #tpu.memory_space<vmem>> -> memref<128xi32, #tpu.memory_space<vmem>>
    %dma_wait3A_718 = arith.constant 0 : i32
    %dma_wait3A_719 = tpu.memref_slice %arg8[%dma_wait3A_718] : memref<800000xf32, #tpu.memory_space<vmem_shared>> -> memref<800000xf32, #tpu.memory_space<vmem_shared>>
    tpu.wait_indirect_dma semaphore(%arg10 : memref<!tpu.dma_semaphore, #tpu.memory_space<semaphore_mem>>) src(%dma_wait3A_719 : memref<800000xf32, #tpu.memory_space<vmem_shared>>) dst(%dma_wait3A_715 : memref<128xf32, #tpu.memory_space<vmem>>)
    %dma_wait3A_720 = arith.constant 0 : i32
    %dma_wait3A_721 = arith.constant 1 : i32
    %dma_wait3A_722 = arith.constant 0 : i32
    %dma_wait3A_723 = tpu.memref_slice %arg7[%dma_wait3A_720, %dma_wait3A_721, %dma_wait3A_722] : memref<8x8x128xf32, #tpu.memory_space<vmem>> -> memref<1x1x128xf32, #tpu.memory_space<vmem>>
    %dma_wait3A_724 = tpu.memref_squeeze %dma_wait3A_723 : memref<1x1x128xf32, #tpu.memory_space<vmem>> -> memref<128xf32, #tpu.memory_space<vmem>>
    %dma_wait3A_725 = arith.constant 1024 : i32
    %dma_wait3A_726 = tpu.memref_slice %arg6[%dma_wait3A_725] : memref<8192xi32, #tpu.memory_space<vmem>> -> memref<128xi32, #tpu.memory_space<vmem>>
    %dma_wait3A_727 = arith.constant 0 : i32
    %dma_wait3A_728 = tpu.memref_slice %arg8[%dma_wait3A_727] : memref<800000xf32, #tpu.memory_space<vmem_shared>> -> memref<800000xf32, #tpu.memory_space<vmem_shared>>
    tpu.wait_indirect_dma semaphore(%arg10 : memref<!tpu.dma_semaphore, #tpu.memory_space<semaphore_mem>>) src(%dma_wait3A_728 : memref<800000xf32, #tpu.memory_space<vmem_shared>>) dst(%dma_wait3A_724 : memref<128xf32, #tpu.memory_space<vmem>>)
    %dma_wait3A_729 = arith.constant 1 : i32
    %dma_wait3A_730 = arith.constant 1 : i32
    %dma_wait3A_731 = arith.constant 0 : i32
    %dma_wait3A_732 = tpu.memref_slice %arg7[%dma_wait3A_729, %dma_wait3A_730, %dma_wait3A_731] : memref<8x8x128xf32, #tpu.memory_space<vmem>> -> memref<1x1x128xf32, #tpu.memory_space<vmem>>
    %dma_wait3A_733 = tpu.memref_squeeze %dma_wait3A_732 : memref<1x1x128xf32, #tpu.memory_space<vmem>> -> memref<128xf32, #tpu.memory_space<vmem>>
    %dma_wait3A_734 = arith.constant 1152 : i32
    %dma_wait3A_735 = tpu.memref_slice %arg6[%dma_wait3A_734] : memref<8192xi32, #tpu.memory_space<vmem>> -> memref<128xi32, #tpu.memory_space<vmem>>
    %dma_wait3A_736 = arith.constant 0 : i32
    %dma_wait3A_737 = tpu.memref_slice %arg8[%dma_wait3A_736] : memref<800000xf32, #tpu.memory_space<vmem_shared>> -> memref<800000xf32, #tpu.memory_space<vmem_shared>>
    tpu.wait_indirect_dma semaphore(%arg10 : memref<!tpu.dma_semaphore, #tpu.memory_space<semaphore_mem>>) src(%dma_wait3A_737 : memref<800000xf32, #tpu.memory_space<vmem_shared>>) dst(%dma_wait3A_733 : memref<128xf32, #tpu.memory_space<vmem>>)
    %dma_wait3A_738 = arith.constant 2 : i32
    %dma_wait3A_739 = arith.constant 1 : i32
    %dma_wait3A_740 = arith.constant 0 : i32
    %dma_wait3A_741 = tpu.memref_slice %arg7[%dma_wait3A_738, %dma_wait3A_739, %dma_wait3A_740] : memref<8x8x128xf32, #tpu.memory_space<vmem>> -> memref<1x1x128xf32, #tpu.memory_space<vmem>>
    %dma_wait3A_742 = tpu.memref_squeeze %dma_wait3A_741 : memref<1x1x128xf32, #tpu.memory_space<vmem>> -> memref<128xf32, #tpu.memory_space<vmem>>
    %dma_wait3A_743 = arith.constant 1280 : i32
    %dma_wait3A_744 = tpu.memref_slice %arg6[%dma_wait3A_743] : memref<8192xi32, #tpu.memory_space<vmem>> -> memref<128xi32, #tpu.memory_space<vmem>>
    %dma_wait3A_745 = arith.constant 0 : i32
    %dma_wait3A_746 = tpu.memref_slice %arg8[%dma_wait3A_745] : memref<800000xf32, #tpu.memory_space<vmem_shared>> -> memref<800000xf32, #tpu.memory_space<vmem_shared>>
    tpu.wait_indirect_dma semaphore(%arg10 : memref<!tpu.dma_semaphore, #tpu.memory_space<semaphore_mem>>) src(%dma_wait3A_746 : memref<800000xf32, #tpu.memory_space<vmem_shared>>) dst(%dma_wait3A_742 : memref<128xf32, #tpu.memory_space<vmem>>)
    %dma_wait3A_747 = arith.constant 3 : i32
    %dma_wait3A_748 = arith.constant 1 : i32
    %dma_wait3A_749 = arith.constant 0 : i32
    %dma_wait3A_750 = tpu.memref_slice %arg7[%dma_wait3A_747, %dma_wait3A_748, %dma_wait3A_749] : memref<8x8x128xf32, #tpu.memory_space<vmem>> -> memref<1x1x128xf32, #tpu.memory_space<vmem>>
    %dma_wait3A_751 = tpu.memref_squeeze %dma_wait3A_750 : memref<1x1x128xf32, #tpu.memory_space<vmem>> -> memref<128xf32, #tpu.memory_space<vmem>>
    %dma_wait3A_752 = arith.constant 1408 : i32
    %dma_wait3A_753 = tpu.memref_slice %arg6[%dma_wait3A_752] : memref<8192xi32, #tpu.memory_space<vmem>> -> memref<128xi32, #tpu.memory_space<vmem>>
    %dma_wait3A_754 = arith.constant 0 : i32
    %dma_wait3A_755 = tpu.memref_slice %arg8[%dma_wait3A_754] : memref<800000xf32, #tpu.memory_space<vmem_shared>> -> memref<800000xf32, #tpu.memory_space<vmem_shared>>
    tpu.wait_indirect_dma semaphore(%arg10 : memref<!tpu.dma_semaphore, #tpu.memory_space<semaphore_mem>>) src(%dma_wait3A_755 : memref<800000xf32, #tpu.memory_space<vmem_shared>>) dst(%dma_wait3A_751 : memref<128xf32, #tpu.memory_space<vmem>>)
    %dma_wait3A_756 = arith.constant 4 : i32
    %dma_wait3A_757 = arith.constant 1 : i32
    %dma_wait3A_758 = arith.constant 0 : i32
    %dma_wait3A_759 = tpu.memref_slice %arg7[%dma_wait3A_756, %dma_wait3A_757, %dma_wait3A_758] : memref<8x8x128xf32, #tpu.memory_space<vmem>> -> memref<1x1x128xf32, #tpu.memory_space<vmem>>
    %dma_wait3A_760 = tpu.memref_squeeze %dma_wait3A_759 : memref<1x1x128xf32, #tpu.memory_space<vmem>> -> memref<128xf32, #tpu.memory_space<vmem>>
    %dma_wait3A_761 = arith.constant 1536 : i32
    %dma_wait3A_762 = tpu.memref_slice %arg6[%dma_wait3A_761] : memref<8192xi32, #tpu.memory_space<vmem>> -> memref<128xi32, #tpu.memory_space<vmem>>
    %dma_wait3A_763 = arith.constant 0 : i32
    %dma_wait3A_764 = tpu.memref_slice %arg8[%dma_wait3A_763] : memref<800000xf32, #tpu.memory_space<vmem_shared>> -> memref<800000xf32, #tpu.memory_space<vmem_shared>>
    tpu.wait_indirect_dma semaphore(%arg10 : memref<!tpu.dma_semaphore, #tpu.memory_space<semaphore_mem>>) src(%dma_wait3A_764 : memref<800000xf32, #tpu.memory_space<vmem_shared>>) dst(%dma_wait3A_760 : memref<128xf32, #tpu.memory_space<vmem>>)
    %dma_wait3A_765 = arith.constant 5 : i32
    %dma_wait3A_766 = arith.constant 1 : i32
    %dma_wait3A_767 = arith.constant 0 : i32
    %dma_wait3A_768 = tpu.memref_slice %arg7[%dma_wait3A_765, %dma_wait3A_766, %dma_wait3A_767] : memref<8x8x128xf32, #tpu.memory_space<vmem>> -> memref<1x1x128xf32, #tpu.memory_space<vmem>>
    %dma_wait3A_769 = tpu.memref_squeeze %dma_wait3A_768 : memref<1x1x128xf32, #tpu.memory_space<vmem>> -> memref<128xf32, #tpu.memory_space<vmem>>
    %dma_wait3A_770 = arith.constant 1664 : i32
    %dma_wait3A_771 = tpu.memref_slice %arg6[%dma_wait3A_770] : memref<8192xi32, #tpu.memory_space<vmem>> -> memref<128xi32, #tpu.memory_space<vmem>>
    %dma_wait3A_772 = arith.constant 0 : i32
    %dma_wait3A_773 = tpu.memref_slice %arg8[%dma_wait3A_772] : memref<800000xf32, #tpu.memory_space<vmem_shared>> -> memref<800000xf32, #tpu.memory_space<vmem_shared>>
    tpu.wait_indirect_dma semaphore(%arg10 : memref<!tpu.dma_semaphore, #tpu.memory_space<semaphore_mem>>) src(%dma_wait3A_773 : memref<800000xf32, #tpu.memory_space<vmem_shared>>) dst(%dma_wait3A_769 : memref<128xf32, #tpu.memory_space<vmem>>)
    %dma_wait3A_774 = arith.constant 6 : i32
    %dma_wait3A_775 = arith.constant 1 : i32
    %dma_wait3A_776 = arith.constant 0 : i32
    %dma_wait3A_777 = tpu.memref_slice %arg7[%dma_wait3A_774, %dma_wait3A_775, %dma_wait3A_776] : memref<8x8x128xf32, #tpu.memory_space<vmem>> -> memref<1x1x128xf32, #tpu.memory_space<vmem>>
    %dma_wait3A_778 = tpu.memref_squeeze %dma_wait3A_777 : memref<1x1x128xf32, #tpu.memory_space<vmem>> -> memref<128xf32, #tpu.memory_space<vmem>>
    %dma_wait3A_779 = arith.constant 1792 : i32
    %dma_wait3A_780 = tpu.memref_slice %arg6[%dma_wait3A_779] : memref<8192xi32, #tpu.memory_space<vmem>> -> memref<128xi32, #tpu.memory_space<vmem>>
    %dma_wait3A_781 = arith.constant 0 : i32
    %dma_wait3A_782 = tpu.memref_slice %arg8[%dma_wait3A_781] : memref<800000xf32, #tpu.memory_space<vmem_shared>> -> memref<800000xf32, #tpu.memory_space<vmem_shared>>
    tpu.wait_indirect_dma semaphore(%arg10 : memref<!tpu.dma_semaphore, #tpu.memory_space<semaphore_mem>>) src(%dma_wait3A_782 : memref<800000xf32, #tpu.memory_space<vmem_shared>>) dst(%dma_wait3A_778 : memref<128xf32, #tpu.memory_space<vmem>>)
    %dma_wait3A_783 = arith.constant 7 : i32
    %dma_wait3A_784 = arith.constant 1 : i32
    %dma_wait3A_785 = arith.constant 0 : i32
    %dma_wait3A_786 = tpu.memref_slice %arg7[%dma_wait3A_783, %dma_wait3A_784, %dma_wait3A_785] : memref<8x8x128xf32, #tpu.memory_space<vmem>> -> memref<1x1x128xf32, #tpu.memory_space<vmem>>
    %dma_wait3A_787 = tpu.memref_squeeze %dma_wait3A_786 : memref<1x1x128xf32, #tpu.memory_space<vmem>> -> memref<128xf32, #tpu.memory_space<vmem>>
    %dma_wait3A_788 = arith.constant 1920 : i32
    %dma_wait3A_789 = tpu.memref_slice %arg6[%dma_wait3A_788] : memref<8192xi32, #tpu.memory_space<vmem>> -> memref<128xi32, #tpu.memory_space<vmem>>
    %dma_wait3A_790 = arith.constant 0 : i32
    %dma_wait3A_791 = tpu.memref_slice %arg8[%dma_wait3A_790] : memref<800000xf32, #tpu.memory_space<vmem_shared>> -> memref<800000xf32, #tpu.memory_space<vmem_shared>>
    tpu.wait_indirect_dma semaphore(%arg10 : memref<!tpu.dma_semaphore, #tpu.memory_space<semaphore_mem>>) src(%dma_wait3A_791 : memref<800000xf32, #tpu.memory_space<vmem_shared>>) dst(%dma_wait3A_787 : memref<128xf32, #tpu.memory_space<vmem>>)
    %dma_wait3A_792 = arith.constant 0 : i32
    %dma_wait3A_793 = arith.constant 2 : i32
    %dma_wait3A_794 = arith.constant 0 : i32
    %dma_wait3A_795 = tpu.memref_slice %arg7[%dma_wait3A_792, %dma_wait3A_793, %dma_wait3A_794] : memref<8x8x128xf32, #tpu.memory_space<vmem>> -> memref<1x1x128xf32, #tpu.memory_space<vmem>>
    %dma_wait3A_796 = tpu.memref_squeeze %dma_wait3A_795 : memref<1x1x128xf32, #tpu.memory_space<vmem>> -> memref<128xf32, #tpu.memory_space<vmem>>
    %dma_wait3A_797 = arith.constant 2048 : i32
    %dma_wait3A_798 = tpu.memref_slice %arg6[%dma_wait3A_797] : memref<8192xi32, #tpu.memory_space<vmem>> -> memref<128xi32, #tpu.memory_space<vmem>>
    %dma_wait3A_799 = arith.constant 0 : i32
    %dma_wait3A_800 = tpu.memref_slice %arg8[%dma_wait3A_799] : memref<800000xf32, #tpu.memory_space<vmem_shared>> -> memref<800000xf32, #tpu.memory_space<vmem_shared>>
    tpu.wait_indirect_dma semaphore(%arg10 : memref<!tpu.dma_semaphore, #tpu.memory_space<semaphore_mem>>) src(%dma_wait3A_800 : memref<800000xf32, #tpu.memory_space<vmem_shared>>) dst(%dma_wait3A_796 : memref<128xf32, #tpu.memory_space<vmem>>)
    %dma_wait3A_801 = arith.constant 1 : i32
    %dma_wait3A_802 = arith.constant 2 : i32
    %dma_wait3A_803 = arith.constant 0 : i32
    %dma_wait3A_804 = tpu.memref_slice %arg7[%dma_wait3A_801, %dma_wait3A_802, %dma_wait3A_803] : memref<8x8x128xf32, #tpu.memory_space<vmem>> -> memref<1x1x128xf32, #tpu.memory_space<vmem>>
    %dma_wait3A_805 = tpu.memref_squeeze %dma_wait3A_804 : memref<1x1x128xf32, #tpu.memory_space<vmem>> -> memref<128xf32, #tpu.memory_space<vmem>>
    %dma_wait3A_806 = arith.constant 2176 : i32
    %dma_wait3A_807 = tpu.memref_slice %arg6[%dma_wait3A_806] : memref<8192xi32, #tpu.memory_space<vmem>> -> memref<128xi32, #tpu.memory_space<vmem>>
    %dma_wait3A_808 = arith.constant 0 : i32
    %dma_wait3A_809 = tpu.memref_slice %arg8[%dma_wait3A_808] : memref<800000xf32, #tpu.memory_space<vmem_shared>> -> memref<800000xf32, #tpu.memory_space<vmem_shared>>
    tpu.wait_indirect_dma semaphore(%arg10 : memref<!tpu.dma_semaphore, #tpu.memory_space<semaphore_mem>>) src(%dma_wait3A_809 : memref<800000xf32, #tpu.memory_space<vmem_shared>>) dst(%dma_wait3A_805 : memref<128xf32, #tpu.memory_space<vmem>>)
    %dma_wait3A_810 = arith.constant 2 : i32
    %dma_wait3A_811 = arith.constant 2 : i32
    %dma_wait3A_812 = arith.constant 0 : i32
    %dma_wait3A_813 = tpu.memref_slice %arg7[%dma_wait3A_810, %dma_wait3A_811, %dma_wait3A_812] : memref<8x8x128xf32, #tpu.memory_space<vmem>> -> memref<1x1x128xf32, #tpu.memory_space<vmem>>
    %dma_wait3A_814 = tpu.memref_squeeze %dma_wait3A_813 : memref<1x1x128xf32, #tpu.memory_space<vmem>> -> memref<128xf32, #tpu.memory_space<vmem>>
    %dma_wait3A_815 = arith.constant 2304 : i32
    %dma_wait3A_816 = tpu.memref_slice %arg6[%dma_wait3A_815] : memref<8192xi32, #tpu.memory_space<vmem>> -> memref<128xi32, #tpu.memory_space<vmem>>
    %dma_wait3A_817 = arith.constant 0 : i32
    %dma_wait3A_818 = tpu.memref_slice %arg8[%dma_wait3A_817] : memref<800000xf32, #tpu.memory_space<vmem_shared>> -> memref<800000xf32, #tpu.memory_space<vmem_shared>>
    tpu.wait_indirect_dma semaphore(%arg10 : memref<!tpu.dma_semaphore, #tpu.memory_space<semaphore_mem>>) src(%dma_wait3A_818 : memref<800000xf32, #tpu.memory_space<vmem_shared>>) dst(%dma_wait3A_814 : memref<128xf32, #tpu.memory_space<vmem>>)
    %dma_wait3A_819 = arith.constant 3 : i32
    %dma_wait3A_820 = arith.constant 2 : i32
    %dma_wait3A_821 = arith.constant 0 : i32
    %dma_wait3A_822 = tpu.memref_slice %arg7[%dma_wait3A_819, %dma_wait3A_820, %dma_wait3A_821] : memref<8x8x128xf32, #tpu.memory_space<vmem>> -> memref<1x1x128xf32, #tpu.memory_space<vmem>>
    %dma_wait3A_823 = tpu.memref_squeeze %dma_wait3A_822 : memref<1x1x128xf32, #tpu.memory_space<vmem>> -> memref<128xf32, #tpu.memory_space<vmem>>
    %dma_wait3A_824 = arith.constant 2432 : i32
    %dma_wait3A_825 = tpu.memref_slice %arg6[%dma_wait3A_824] : memref<8192xi32, #tpu.memory_space<vmem>> -> memref<128xi32, #tpu.memory_space<vmem>>
    %dma_wait3A_826 = arith.constant 0 : i32
    %dma_wait3A_827 = tpu.memref_slice %arg8[%dma_wait3A_826] : memref<800000xf32, #tpu.memory_space<vmem_shared>> -> memref<800000xf32, #tpu.memory_space<vmem_shared>>
    tpu.wait_indirect_dma semaphore(%arg10 : memref<!tpu.dma_semaphore, #tpu.memory_space<semaphore_mem>>) src(%dma_wait3A_827 : memref<800000xf32, #tpu.memory_space<vmem_shared>>) dst(%dma_wait3A_823 : memref<128xf32, #tpu.memory_space<vmem>>)
    %dma_wait3A_828 = arith.constant 4 : i32
    %dma_wait3A_829 = arith.constant 2 : i32
    %dma_wait3A_830 = arith.constant 0 : i32
    %dma_wait3A_831 = tpu.memref_slice %arg7[%dma_wait3A_828, %dma_wait3A_829, %dma_wait3A_830] : memref<8x8x128xf32, #tpu.memory_space<vmem>> -> memref<1x1x128xf32, #tpu.memory_space<vmem>>
    %dma_wait3A_832 = tpu.memref_squeeze %dma_wait3A_831 : memref<1x1x128xf32, #tpu.memory_space<vmem>> -> memref<128xf32, #tpu.memory_space<vmem>>
    %dma_wait3A_833 = arith.constant 2560 : i32
    %dma_wait3A_834 = tpu.memref_slice %arg6[%dma_wait3A_833] : memref<8192xi32, #tpu.memory_space<vmem>> -> memref<128xi32, #tpu.memory_space<vmem>>
    %dma_wait3A_835 = arith.constant 0 : i32
    %dma_wait3A_836 = tpu.memref_slice %arg8[%dma_wait3A_835] : memref<800000xf32, #tpu.memory_space<vmem_shared>> -> memref<800000xf32, #tpu.memory_space<vmem_shared>>
    tpu.wait_indirect_dma semaphore(%arg10 : memref<!tpu.dma_semaphore, #tpu.memory_space<semaphore_mem>>) src(%dma_wait3A_836 : memref<800000xf32, #tpu.memory_space<vmem_shared>>) dst(%dma_wait3A_832 : memref<128xf32, #tpu.memory_space<vmem>>)
    %dma_wait3A_837 = arith.constant 5 : i32
    %dma_wait3A_838 = arith.constant 2 : i32
    %dma_wait3A_839 = arith.constant 0 : i32
    %dma_wait3A_840 = tpu.memref_slice %arg7[%dma_wait3A_837, %dma_wait3A_838, %dma_wait3A_839] : memref<8x8x128xf32, #tpu.memory_space<vmem>> -> memref<1x1x128xf32, #tpu.memory_space<vmem>>
    %dma_wait3A_841 = tpu.memref_squeeze %dma_wait3A_840 : memref<1x1x128xf32, #tpu.memory_space<vmem>> -> memref<128xf32, #tpu.memory_space<vmem>>
    %dma_wait3A_842 = arith.constant 2688 : i32
    %dma_wait3A_843 = tpu.memref_slice %arg6[%dma_wait3A_842] : memref<8192xi32, #tpu.memory_space<vmem>> -> memref<128xi32, #tpu.memory_space<vmem>>
    %dma_wait3A_844 = arith.constant 0 : i32
    %dma_wait3A_845 = tpu.memref_slice %arg8[%dma_wait3A_844] : memref<800000xf32, #tpu.memory_space<vmem_shared>> -> memref<800000xf32, #tpu.memory_space<vmem_shared>>
    tpu.wait_indirect_dma semaphore(%arg10 : memref<!tpu.dma_semaphore, #tpu.memory_space<semaphore_mem>>) src(%dma_wait3A_845 : memref<800000xf32, #tpu.memory_space<vmem_shared>>) dst(%dma_wait3A_841 : memref<128xf32, #tpu.memory_space<vmem>>)
    %dma_wait3A_846 = arith.constant 6 : i32
    %dma_wait3A_847 = arith.constant 2 : i32
    %dma_wait3A_848 = arith.constant 0 : i32
    %dma_wait3A_849 = tpu.memref_slice %arg7[%dma_wait3A_846, %dma_wait3A_847, %dma_wait3A_848] : memref<8x8x128xf32, #tpu.memory_space<vmem>> -> memref<1x1x128xf32, #tpu.memory_space<vmem>>
    %dma_wait3A_850 = tpu.memref_squeeze %dma_wait3A_849 : memref<1x1x128xf32, #tpu.memory_space<vmem>> -> memref<128xf32, #tpu.memory_space<vmem>>
    %dma_wait3A_851 = arith.constant 2816 : i32
    %dma_wait3A_852 = tpu.memref_slice %arg6[%dma_wait3A_851] : memref<8192xi32, #tpu.memory_space<vmem>> -> memref<128xi32, #tpu.memory_space<vmem>>
    %dma_wait3A_853 = arith.constant 0 : i32
    %dma_wait3A_854 = tpu.memref_slice %arg8[%dma_wait3A_853] : memref<800000xf32, #tpu.memory_space<vmem_shared>> -> memref<800000xf32, #tpu.memory_space<vmem_shared>>
    tpu.wait_indirect_dma semaphore(%arg10 : memref<!tpu.dma_semaphore, #tpu.memory_space<semaphore_mem>>) src(%dma_wait3A_854 : memref<800000xf32, #tpu.memory_space<vmem_shared>>) dst(%dma_wait3A_850 : memref<128xf32, #tpu.memory_space<vmem>>)
    %dma_wait3A_855 = arith.constant 7 : i32
    %dma_wait3A_856 = arith.constant 2 : i32
    %dma_wait3A_857 = arith.constant 0 : i32
    %dma_wait3A_858 = tpu.memref_slice %arg7[%dma_wait3A_855, %dma_wait3A_856, %dma_wait3A_857] : memref<8x8x128xf32, #tpu.memory_space<vmem>> -> memref<1x1x128xf32, #tpu.memory_space<vmem>>
    %dma_wait3A_859 = tpu.memref_squeeze %dma_wait3A_858 : memref<1x1x128xf32, #tpu.memory_space<vmem>> -> memref<128xf32, #tpu.memory_space<vmem>>
    %dma_wait3A_860 = arith.constant 2944 : i32
    %dma_wait3A_861 = tpu.memref_slice %arg6[%dma_wait3A_860] : memref<8192xi32, #tpu.memory_space<vmem>> -> memref<128xi32, #tpu.memory_space<vmem>>
    %dma_wait3A_862 = arith.constant 0 : i32
    %dma_wait3A_863 = tpu.memref_slice %arg8[%dma_wait3A_862] : memref<800000xf32, #tpu.memory_space<vmem_shared>> -> memref<800000xf32, #tpu.memory_space<vmem_shared>>
    tpu.wait_indirect_dma semaphore(%arg10 : memref<!tpu.dma_semaphore, #tpu.memory_space<semaphore_mem>>) src(%dma_wait3A_863 : memref<800000xf32, #tpu.memory_space<vmem_shared>>) dst(%dma_wait3A_859 : memref<128xf32, #tpu.memory_space<vmem>>)
    %dma_wait3A_864 = arith.constant 0 : i32
    %dma_wait3A_865 = arith.constant 3 : i32
    %dma_wait3A_866 = arith.constant 0 : i32
    %dma_wait3A_867 = tpu.memref_slice %arg7[%dma_wait3A_864, %dma_wait3A_865, %dma_wait3A_866] : memref<8x8x128xf32, #tpu.memory_space<vmem>> -> memref<1x1x128xf32, #tpu.memory_space<vmem>>
    %dma_wait3A_868 = tpu.memref_squeeze %dma_wait3A_867 : memref<1x1x128xf32, #tpu.memory_space<vmem>> -> memref<128xf32, #tpu.memory_space<vmem>>
    %dma_wait3A_869 = arith.constant 3072 : i32
    %dma_wait3A_870 = tpu.memref_slice %arg6[%dma_wait3A_869] : memref<8192xi32, #tpu.memory_space<vmem>> -> memref<128xi32, #tpu.memory_space<vmem>>
    %dma_wait3A_871 = arith.constant 0 : i32
    %dma_wait3A_872 = tpu.memref_slice %arg8[%dma_wait3A_871] : memref<800000xf32, #tpu.memory_space<vmem_shared>> -> memref<800000xf32, #tpu.memory_space<vmem_shared>>
    tpu.wait_indirect_dma semaphore(%arg10 : memref<!tpu.dma_semaphore, #tpu.memory_space<semaphore_mem>>) src(%dma_wait3A_872 : memref<800000xf32, #tpu.memory_space<vmem_shared>>) dst(%dma_wait3A_868 : memref<128xf32, #tpu.memory_space<vmem>>)
    %dma_wait3A_873 = arith.constant 1 : i32
    %dma_wait3A_874 = arith.constant 3 : i32
    %dma_wait3A_875 = arith.constant 0 : i32
    %dma_wait3A_876 = tpu.memref_slice %arg7[%dma_wait3A_873, %dma_wait3A_874, %dma_wait3A_875] : memref<8x8x128xf32, #tpu.memory_space<vmem>> -> memref<1x1x128xf32, #tpu.memory_space<vmem>>
    %dma_wait3A_877 = tpu.memref_squeeze %dma_wait3A_876 : memref<1x1x128xf32, #tpu.memory_space<vmem>> -> memref<128xf32, #tpu.memory_space<vmem>>
    %dma_wait3A_878 = arith.constant 3200 : i32
    %dma_wait3A_879 = tpu.memref_slice %arg6[%dma_wait3A_878] : memref<8192xi32, #tpu.memory_space<vmem>> -> memref<128xi32, #tpu.memory_space<vmem>>
    %dma_wait3A_880 = arith.constant 0 : i32
    %dma_wait3A_881 = tpu.memref_slice %arg8[%dma_wait3A_880] : memref<800000xf32, #tpu.memory_space<vmem_shared>> -> memref<800000xf32, #tpu.memory_space<vmem_shared>>
    tpu.wait_indirect_dma semaphore(%arg10 : memref<!tpu.dma_semaphore, #tpu.memory_space<semaphore_mem>>) src(%dma_wait3A_881 : memref<800000xf32, #tpu.memory_space<vmem_shared>>) dst(%dma_wait3A_877 : memref<128xf32, #tpu.memory_space<vmem>>)
    %dma_wait3A_882 = arith.constant 2 : i32
    %dma_wait3A_883 = arith.constant 3 : i32
    %dma_wait3A_884 = arith.constant 0 : i32
    %dma_wait3A_885 = tpu.memref_slice %arg7[%dma_wait3A_882, %dma_wait3A_883, %dma_wait3A_884] : memref<8x8x128xf32, #tpu.memory_space<vmem>> -> memref<1x1x128xf32, #tpu.memory_space<vmem>>
    %dma_wait3A_886 = tpu.memref_squeeze %dma_wait3A_885 : memref<1x1x128xf32, #tpu.memory_space<vmem>> -> memref<128xf32, #tpu.memory_space<vmem>>
    %dma_wait3A_887 = arith.constant 3328 : i32
    %dma_wait3A_888 = tpu.memref_slice %arg6[%dma_wait3A_887] : memref<8192xi32, #tpu.memory_space<vmem>> -> memref<128xi32, #tpu.memory_space<vmem>>
    %dma_wait3A_889 = arith.constant 0 : i32
    %dma_wait3A_890 = tpu.memref_slice %arg8[%dma_wait3A_889] : memref<800000xf32, #tpu.memory_space<vmem_shared>> -> memref<800000xf32, #tpu.memory_space<vmem_shared>>
    tpu.wait_indirect_dma semaphore(%arg10 : memref<!tpu.dma_semaphore, #tpu.memory_space<semaphore_mem>>) src(%dma_wait3A_890 : memref<800000xf32, #tpu.memory_space<vmem_shared>>) dst(%dma_wait3A_886 : memref<128xf32, #tpu.memory_space<vmem>>)
    %dma_wait3A_891 = arith.constant 3 : i32
    %dma_wait3A_892 = arith.constant 3 : i32
    %dma_wait3A_893 = arith.constant 0 : i32
    %dma_wait3A_894 = tpu.memref_slice %arg7[%dma_wait3A_891, %dma_wait3A_892, %dma_wait3A_893] : memref<8x8x128xf32, #tpu.memory_space<vmem>> -> memref<1x1x128xf32, #tpu.memory_space<vmem>>
    %dma_wait3A_895 = tpu.memref_squeeze %dma_wait3A_894 : memref<1x1x128xf32, #tpu.memory_space<vmem>> -> memref<128xf32, #tpu.memory_space<vmem>>
    %dma_wait3A_896 = arith.constant 3456 : i32
    %dma_wait3A_897 = tpu.memref_slice %arg6[%dma_wait3A_896] : memref<8192xi32, #tpu.memory_space<vmem>> -> memref<128xi32, #tpu.memory_space<vmem>>
    %dma_wait3A_898 = arith.constant 0 : i32
    %dma_wait3A_899 = tpu.memref_slice %arg8[%dma_wait3A_898] : memref<800000xf32, #tpu.memory_space<vmem_shared>> -> memref<800000xf32, #tpu.memory_space<vmem_shared>>
    tpu.wait_indirect_dma semaphore(%arg10 : memref<!tpu.dma_semaphore, #tpu.memory_space<semaphore_mem>>) src(%dma_wait3A_899 : memref<800000xf32, #tpu.memory_space<vmem_shared>>) dst(%dma_wait3A_895 : memref<128xf32, #tpu.memory_space<vmem>>)
    %dma_wait3A_900 = arith.constant 4 : i32
    %dma_wait3A_901 = arith.constant 3 : i32
    %dma_wait3A_902 = arith.constant 0 : i32
    %dma_wait3A_903 = tpu.memref_slice %arg7[%dma_wait3A_900, %dma_wait3A_901, %dma_wait3A_902] : memref<8x8x128xf32, #tpu.memory_space<vmem>> -> memref<1x1x128xf32, #tpu.memory_space<vmem>>
    %dma_wait3A_904 = tpu.memref_squeeze %dma_wait3A_903 : memref<1x1x128xf32, #tpu.memory_space<vmem>> -> memref<128xf32, #tpu.memory_space<vmem>>
    %dma_wait3A_905 = arith.constant 3584 : i32
    %dma_wait3A_906 = tpu.memref_slice %arg6[%dma_wait3A_905] : memref<8192xi32, #tpu.memory_space<vmem>> -> memref<128xi32, #tpu.memory_space<vmem>>
    %dma_wait3A_907 = arith.constant 0 : i32
    %dma_wait3A_908 = tpu.memref_slice %arg8[%dma_wait3A_907] : memref<800000xf32, #tpu.memory_space<vmem_shared>> -> memref<800000xf32, #tpu.memory_space<vmem_shared>>
    tpu.wait_indirect_dma semaphore(%arg10 : memref<!tpu.dma_semaphore, #tpu.memory_space<semaphore_mem>>) src(%dma_wait3A_908 : memref<800000xf32, #tpu.memory_space<vmem_shared>>) dst(%dma_wait3A_904 : memref<128xf32, #tpu.memory_space<vmem>>)
    %dma_wait3A_909 = arith.constant 5 : i32
    %dma_wait3A_910 = arith.constant 3 : i32
    %dma_wait3A_911 = arith.constant 0 : i32
    %dma_wait3A_912 = tpu.memref_slice %arg7[%dma_wait3A_909, %dma_wait3A_910, %dma_wait3A_911] : memref<8x8x128xf32, #tpu.memory_space<vmem>> -> memref<1x1x128xf32, #tpu.memory_space<vmem>>
    %dma_wait3A_913 = tpu.memref_squeeze %dma_wait3A_912 : memref<1x1x128xf32, #tpu.memory_space<vmem>> -> memref<128xf32, #tpu.memory_space<vmem>>
    %dma_wait3A_914 = arith.constant 3712 : i32
    %dma_wait3A_915 = tpu.memref_slice %arg6[%dma_wait3A_914] : memref<8192xi32, #tpu.memory_space<vmem>> -> memref<128xi32, #tpu.memory_space<vmem>>
    %dma_wait3A_916 = arith.constant 0 : i32
    %dma_wait3A_917 = tpu.memref_slice %arg8[%dma_wait3A_916] : memref<800000xf32, #tpu.memory_space<vmem_shared>> -> memref<800000xf32, #tpu.memory_space<vmem_shared>>
    tpu.wait_indirect_dma semaphore(%arg10 : memref<!tpu.dma_semaphore, #tpu.memory_space<semaphore_mem>>) src(%dma_wait3A_917 : memref<800000xf32, #tpu.memory_space<vmem_shared>>) dst(%dma_wait3A_913 : memref<128xf32, #tpu.memory_space<vmem>>)
    %dma_wait3A_918 = arith.constant 6 : i32
    %dma_wait3A_919 = arith.constant 3 : i32
    %dma_wait3A_920 = arith.constant 0 : i32
    %dma_wait3A_921 = tpu.memref_slice %arg7[%dma_wait3A_918, %dma_wait3A_919, %dma_wait3A_920] : memref<8x8x128xf32, #tpu.memory_space<vmem>> -> memref<1x1x128xf32, #tpu.memory_space<vmem>>
    %dma_wait3A_922 = tpu.memref_squeeze %dma_wait3A_921 : memref<1x1x128xf32, #tpu.memory_space<vmem>> -> memref<128xf32, #tpu.memory_space<vmem>>
    %dma_wait3A_923 = arith.constant 3840 : i32
    %dma_wait3A_924 = tpu.memref_slice %arg6[%dma_wait3A_923] : memref<8192xi32, #tpu.memory_space<vmem>> -> memref<128xi32, #tpu.memory_space<vmem>>
    %dma_wait3A_925 = arith.constant 0 : i32
    %dma_wait3A_926 = tpu.memref_slice %arg8[%dma_wait3A_925] : memref<800000xf32, #tpu.memory_space<vmem_shared>> -> memref<800000xf32, #tpu.memory_space<vmem_shared>>
    tpu.wait_indirect_dma semaphore(%arg10 : memref<!tpu.dma_semaphore, #tpu.memory_space<semaphore_mem>>) src(%dma_wait3A_926 : memref<800000xf32, #tpu.memory_space<vmem_shared>>) dst(%dma_wait3A_922 : memref<128xf32, #tpu.memory_space<vmem>>)
    %dma_wait3A_927 = arith.constant 7 : i32
    %dma_wait3A_928 = arith.constant 3 : i32
    %dma_wait3A_929 = arith.constant 0 : i32
    %dma_wait3A_930 = tpu.memref_slice %arg7[%dma_wait3A_927, %dma_wait3A_928, %dma_wait3A_929] : memref<8x8x128xf32, #tpu.memory_space<vmem>> -> memref<1x1x128xf32, #tpu.memory_space<vmem>>
    %dma_wait3A_931 = tpu.memref_squeeze %dma_wait3A_930 : memref<1x1x128xf32, #tpu.memory_space<vmem>> -> memref<128xf32, #tpu.memory_space<vmem>>
    %dma_wait3A_932 = arith.constant 3968 : i32
    %dma_wait3A_933 = tpu.memref_slice %arg6[%dma_wait3A_932] : memref<8192xi32, #tpu.memory_space<vmem>> -> memref<128xi32, #tpu.memory_space<vmem>>
    %dma_wait3A_934 = arith.constant 0 : i32
    %dma_wait3A_935 = tpu.memref_slice %arg8[%dma_wait3A_934] : memref<800000xf32, #tpu.memory_space<vmem_shared>> -> memref<800000xf32, #tpu.memory_space<vmem_shared>>
    tpu.wait_indirect_dma semaphore(%arg10 : memref<!tpu.dma_semaphore, #tpu.memory_space<semaphore_mem>>) src(%dma_wait3A_935 : memref<800000xf32, #tpu.memory_space<vmem_shared>>) dst(%dma_wait3A_931 : memref<128xf32, #tpu.memory_space<vmem>>)
    %dma_wait3A_936 = arith.constant 0 : i32
    %dma_wait3A_937 = arith.constant 4 : i32
    %dma_wait3A_938 = arith.constant 0 : i32
    %dma_wait3A_939 = tpu.memref_slice %arg7[%dma_wait3A_936, %dma_wait3A_937, %dma_wait3A_938] : memref<8x8x128xf32, #tpu.memory_space<vmem>> -> memref<1x1x128xf32, #tpu.memory_space<vmem>>
    %dma_wait3A_940 = tpu.memref_squeeze %dma_wait3A_939 : memref<1x1x128xf32, #tpu.memory_space<vmem>> -> memref<128xf32, #tpu.memory_space<vmem>>
    %dma_wait3A_941 = arith.constant 4096 : i32
    %dma_wait3A_942 = tpu.memref_slice %arg6[%dma_wait3A_941] : memref<8192xi32, #tpu.memory_space<vmem>> -> memref<128xi32, #tpu.memory_space<vmem>>
    %dma_wait3A_943 = arith.constant 0 : i32
    %dma_wait3A_944 = tpu.memref_slice %arg8[%dma_wait3A_943] : memref<800000xf32, #tpu.memory_space<vmem_shared>> -> memref<800000xf32, #tpu.memory_space<vmem_shared>>
    tpu.wait_indirect_dma semaphore(%arg10 : memref<!tpu.dma_semaphore, #tpu.memory_space<semaphore_mem>>) src(%dma_wait3A_944 : memref<800000xf32, #tpu.memory_space<vmem_shared>>) dst(%dma_wait3A_940 : memref<128xf32, #tpu.memory_space<vmem>>)
    %dma_wait3A_945 = arith.constant 1 : i32
    %dma_wait3A_946 = arith.constant 4 : i32
    %dma_wait3A_947 = arith.constant 0 : i32
    %dma_wait3A_948 = tpu.memref_slice %arg7[%dma_wait3A_945, %dma_wait3A_946, %dma_wait3A_947] : memref<8x8x128xf32, #tpu.memory_space<vmem>> -> memref<1x1x128xf32, #tpu.memory_space<vmem>>
    %dma_wait3A_949 = tpu.memref_squeeze %dma_wait3A_948 : memref<1x1x128xf32, #tpu.memory_space<vmem>> -> memref<128xf32, #tpu.memory_space<vmem>>
    %dma_wait3A_950 = arith.constant 4224 : i32
    %dma_wait3A_951 = tpu.memref_slice %arg6[%dma_wait3A_950] : memref<8192xi32, #tpu.memory_space<vmem>> -> memref<128xi32, #tpu.memory_space<vmem>>
    %dma_wait3A_952 = arith.constant 0 : i32
    %dma_wait3A_953 = tpu.memref_slice %arg8[%dma_wait3A_952] : memref<800000xf32, #tpu.memory_space<vmem_shared>> -> memref<800000xf32, #tpu.memory_space<vmem_shared>>
    tpu.wait_indirect_dma semaphore(%arg10 : memref<!tpu.dma_semaphore, #tpu.memory_space<semaphore_mem>>) src(%dma_wait3A_953 : memref<800000xf32, #tpu.memory_space<vmem_shared>>) dst(%dma_wait3A_949 : memref<128xf32, #tpu.memory_space<vmem>>)
    %dma_wait3A_954 = arith.constant 2 : i32
    %dma_wait3A_955 = arith.constant 4 : i32
    %dma_wait3A_956 = arith.constant 0 : i32
    %dma_wait3A_957 = tpu.memref_slice %arg7[%dma_wait3A_954, %dma_wait3A_955, %dma_wait3A_956] : memref<8x8x128xf32, #tpu.memory_space<vmem>> -> memref<1x1x128xf32, #tpu.memory_space<vmem>>
    %dma_wait3A_958 = tpu.memref_squeeze %dma_wait3A_957 : memref<1x1x128xf32, #tpu.memory_space<vmem>> -> memref<128xf32, #tpu.memory_space<vmem>>
    %dma_wait3A_959 = arith.constant 4352 : i32
    %dma_wait3A_960 = tpu.memref_slice %arg6[%dma_wait3A_959] : memref<8192xi32, #tpu.memory_space<vmem>> -> memref<128xi32, #tpu.memory_space<vmem>>
    %dma_wait3A_961 = arith.constant 0 : i32
    %dma_wait3A_962 = tpu.memref_slice %arg8[%dma_wait3A_961] : memref<800000xf32, #tpu.memory_space<vmem_shared>> -> memref<800000xf32, #tpu.memory_space<vmem_shared>>
    tpu.wait_indirect_dma semaphore(%arg10 : memref<!tpu.dma_semaphore, #tpu.memory_space<semaphore_mem>>) src(%dma_wait3A_962 : memref<800000xf32, #tpu.memory_space<vmem_shared>>) dst(%dma_wait3A_958 : memref<128xf32, #tpu.memory_space<vmem>>)
    %dma_wait3A_963 = arith.constant 3 : i32
    %dma_wait3A_964 = arith.constant 4 : i32
    %dma_wait3A_965 = arith.constant 0 : i32
    %dma_wait3A_966 = tpu.memref_slice %arg7[%dma_wait3A_963, %dma_wait3A_964, %dma_wait3A_965] : memref<8x8x128xf32, #tpu.memory_space<vmem>> -> memref<1x1x128xf32, #tpu.memory_space<vmem>>
    %dma_wait3A_967 = tpu.memref_squeeze %dma_wait3A_966 : memref<1x1x128xf32, #tpu.memory_space<vmem>> -> memref<128xf32, #tpu.memory_space<vmem>>
    %dma_wait3A_968 = arith.constant 4480 : i32
    %dma_wait3A_969 = tpu.memref_slice %arg6[%dma_wait3A_968] : memref<8192xi32, #tpu.memory_space<vmem>> -> memref<128xi32, #tpu.memory_space<vmem>>
    %dma_wait3A_970 = arith.constant 0 : i32
    %dma_wait3A_971 = tpu.memref_slice %arg8[%dma_wait3A_970] : memref<800000xf32, #tpu.memory_space<vmem_shared>> -> memref<800000xf32, #tpu.memory_space<vmem_shared>>
    tpu.wait_indirect_dma semaphore(%arg10 : memref<!tpu.dma_semaphore, #tpu.memory_space<semaphore_mem>>) src(%dma_wait3A_971 : memref<800000xf32, #tpu.memory_space<vmem_shared>>) dst(%dma_wait3A_967 : memref<128xf32, #tpu.memory_space<vmem>>)
    %dma_wait3A_972 = arith.constant 4 : i32
    %dma_wait3A_973 = arith.constant 4 : i32
    %dma_wait3A_974 = arith.constant 0 : i32
    %dma_wait3A_975 = tpu.memref_slice %arg7[%dma_wait3A_972, %dma_wait3A_973, %dma_wait3A_974] : memref<8x8x128xf32, #tpu.memory_space<vmem>> -> memref<1x1x128xf32, #tpu.memory_space<vmem>>
    %dma_wait3A_976 = tpu.memref_squeeze %dma_wait3A_975 : memref<1x1x128xf32, #tpu.memory_space<vmem>> -> memref<128xf32, #tpu.memory_space<vmem>>
    %dma_wait3A_977 = arith.constant 4608 : i32
    %dma_wait3A_978 = tpu.memref_slice %arg6[%dma_wait3A_977] : memref<8192xi32, #tpu.memory_space<vmem>> -> memref<128xi32, #tpu.memory_space<vmem>>
    %dma_wait3A_979 = arith.constant 0 : i32
    %dma_wait3A_980 = tpu.memref_slice %arg8[%dma_wait3A_979] : memref<800000xf32, #tpu.memory_space<vmem_shared>> -> memref<800000xf32, #tpu.memory_space<vmem_shared>>
    tpu.wait_indirect_dma semaphore(%arg10 : memref<!tpu.dma_semaphore, #tpu.memory_space<semaphore_mem>>) src(%dma_wait3A_980 : memref<800000xf32, #tpu.memory_space<vmem_shared>>) dst(%dma_wait3A_976 : memref<128xf32, #tpu.memory_space<vmem>>)
    %dma_wait3A_981 = arith.constant 5 : i32
    %dma_wait3A_982 = arith.constant 4 : i32
    %dma_wait3A_983 = arith.constant 0 : i32
    %dma_wait3A_984 = tpu.memref_slice %arg7[%dma_wait3A_981, %dma_wait3A_982, %dma_wait3A_983] : memref<8x8x128xf32, #tpu.memory_space<vmem>> -> memref<1x1x128xf32, #tpu.memory_space<vmem>>
    %dma_wait3A_985 = tpu.memref_squeeze %dma_wait3A_984 : memref<1x1x128xf32, #tpu.memory_space<vmem>> -> memref<128xf32, #tpu.memory_space<vmem>>
    %dma_wait3A_986 = arith.constant 4736 : i32
    %dma_wait3A_987 = tpu.memref_slice %arg6[%dma_wait3A_986] : memref<8192xi32, #tpu.memory_space<vmem>> -> memref<128xi32, #tpu.memory_space<vmem>>
    %dma_wait3A_988 = arith.constant 0 : i32
    %dma_wait3A_989 = tpu.memref_slice %arg8[%dma_wait3A_988] : memref<800000xf32, #tpu.memory_space<vmem_shared>> -> memref<800000xf32, #tpu.memory_space<vmem_shared>>
    tpu.wait_indirect_dma semaphore(%arg10 : memref<!tpu.dma_semaphore, #tpu.memory_space<semaphore_mem>>) src(%dma_wait3A_989 : memref<800000xf32, #tpu.memory_space<vmem_shared>>) dst(%dma_wait3A_985 : memref<128xf32, #tpu.memory_space<vmem>>)
    %dma_wait3A_990 = arith.constant 6 : i32
    %dma_wait3A_991 = arith.constant 4 : i32
    %dma_wait3A_992 = arith.constant 0 : i32
    %dma_wait3A_993 = tpu.memref_slice %arg7[%dma_wait3A_990, %dma_wait3A_991, %dma_wait3A_992] : memref<8x8x128xf32, #tpu.memory_space<vmem>> -> memref<1x1x128xf32, #tpu.memory_space<vmem>>
    %dma_wait3A_994 = tpu.memref_squeeze %dma_wait3A_993 : memref<1x1x128xf32, #tpu.memory_space<vmem>> -> memref<128xf32, #tpu.memory_space<vmem>>
    %dma_wait3A_995 = arith.constant 4864 : i32
    %dma_wait3A_996 = tpu.memref_slice %arg6[%dma_wait3A_995] : memref<8192xi32, #tpu.memory_space<vmem>> -> memref<128xi32, #tpu.memory_space<vmem>>
    %dma_wait3A_997 = arith.constant 0 : i32
    %dma_wait3A_998 = tpu.memref_slice %arg8[%dma_wait3A_997] : memref<800000xf32, #tpu.memory_space<vmem_shared>> -> memref<800000xf32, #tpu.memory_space<vmem_shared>>
    tpu.wait_indirect_dma semaphore(%arg10 : memref<!tpu.dma_semaphore, #tpu.memory_space<semaphore_mem>>) src(%dma_wait3A_998 : memref<800000xf32, #tpu.memory_space<vmem_shared>>) dst(%dma_wait3A_994 : memref<128xf32, #tpu.memory_space<vmem>>)
    %dma_wait3A_999 = arith.constant 7 : i32
    %dma_wait3A_1000 = arith.constant 4 : i32
    %dma_wait3A_1001 = arith.constant 0 : i32
    %dma_wait3A_1002 = tpu.memref_slice %arg7[%dma_wait3A_999, %dma_wait3A_1000, %dma_wait3A_1001] : memref<8x8x128xf32, #tpu.memory_space<vmem>> -> memref<1x1x128xf32, #tpu.memory_space<vmem>>
    %dma_wait3A_1003 = tpu.memref_squeeze %dma_wait3A_1002 : memref<1x1x128xf32, #tpu.memory_space<vmem>> -> memref<128xf32, #tpu.memory_space<vmem>>
    %dma_wait3A_1004 = arith.constant 4992 : i32
    %dma_wait3A_1005 = tpu.memref_slice %arg6[%dma_wait3A_1004] : memref<8192xi32, #tpu.memory_space<vmem>> -> memref<128xi32, #tpu.memory_space<vmem>>
    %dma_wait3A_1006 = arith.constant 0 : i32
    %dma_wait3A_1007 = tpu.memref_slice %arg8[%dma_wait3A_1006] : memref<800000xf32, #tpu.memory_space<vmem_shared>> -> memref<800000xf32, #tpu.memory_space<vmem_shared>>
    tpu.wait_indirect_dma semaphore(%arg10 : memref<!tpu.dma_semaphore, #tpu.memory_space<semaphore_mem>>) src(%dma_wait3A_1007 : memref<800000xf32, #tpu.memory_space<vmem_shared>>) dst(%dma_wait3A_1003 : memref<128xf32, #tpu.memory_space<vmem>>)
    %dma_wait3A_1008 = arith.constant 0 : i32
    %dma_wait3A_1009 = arith.constant 5 : i32
    %dma_wait3A_1010 = arith.constant 0 : i32
    %dma_wait3A_1011 = tpu.memref_slice %arg7[%dma_wait3A_1008, %dma_wait3A_1009, %dma_wait3A_1010] : memref<8x8x128xf32, #tpu.memory_space<vmem>> -> memref<1x1x128xf32, #tpu.memory_space<vmem>>
    %dma_wait3A_1012 = tpu.memref_squeeze %dma_wait3A_1011 : memref<1x1x128xf32, #tpu.memory_space<vmem>> -> memref<128xf32, #tpu.memory_space<vmem>>
    %dma_wait3A_1013 = arith.constant 5120 : i32
    %dma_wait3A_1014 = tpu.memref_slice %arg6[%dma_wait3A_1013] : memref<8192xi32, #tpu.memory_space<vmem>> -> memref<128xi32, #tpu.memory_space<vmem>>
    %dma_wait3A_1015 = arith.constant 0 : i32
    %dma_wait3A_1016 = tpu.memref_slice %arg8[%dma_wait3A_1015] : memref<800000xf32, #tpu.memory_space<vmem_shared>> -> memref<800000xf32, #tpu.memory_space<vmem_shared>>
    tpu.wait_indirect_dma semaphore(%arg10 : memref<!tpu.dma_semaphore, #tpu.memory_space<semaphore_mem>>) src(%dma_wait3A_1016 : memref<800000xf32, #tpu.memory_space<vmem_shared>>) dst(%dma_wait3A_1012 : memref<128xf32, #tpu.memory_space<vmem>>)
    %dma_wait3A_1017 = arith.constant 1 : i32
    %dma_wait3A_1018 = arith.constant 5 : i32
    %dma_wait3A_1019 = arith.constant 0 : i32
    %dma_wait3A_1020 = tpu.memref_slice %arg7[%dma_wait3A_1017, %dma_wait3A_1018, %dma_wait3A_1019] : memref<8x8x128xf32, #tpu.memory_space<vmem>> -> memref<1x1x128xf32, #tpu.memory_space<vmem>>
    %dma_wait3A_1021 = tpu.memref_squeeze %dma_wait3A_1020 : memref<1x1x128xf32, #tpu.memory_space<vmem>> -> memref<128xf32, #tpu.memory_space<vmem>>
    %dma_wait3A_1022 = arith.constant 5248 : i32
    %dma_wait3A_1023 = tpu.memref_slice %arg6[%dma_wait3A_1022] : memref<8192xi32, #tpu.memory_space<vmem>> -> memref<128xi32, #tpu.memory_space<vmem>>
    %dma_wait3A_1024 = arith.constant 0 : i32
    %dma_wait3A_1025 = tpu.memref_slice %arg8[%dma_wait3A_1024] : memref<800000xf32, #tpu.memory_space<vmem_shared>> -> memref<800000xf32, #tpu.memory_space<vmem_shared>>
    tpu.wait_indirect_dma semaphore(%arg10 : memref<!tpu.dma_semaphore, #tpu.memory_space<semaphore_mem>>) src(%dma_wait3A_1025 : memref<800000xf32, #tpu.memory_space<vmem_shared>>) dst(%dma_wait3A_1021 : memref<128xf32, #tpu.memory_space<vmem>>)
    %dma_wait3A_1026 = arith.constant 2 : i32
    %dma_wait3A_1027 = arith.constant 5 : i32
    %dma_wait3A_1028 = arith.constant 0 : i32
    %dma_wait3A_1029 = tpu.memref_slice %arg7[%dma_wait3A_1026, %dma_wait3A_1027, %dma_wait3A_1028] : memref<8x8x128xf32, #tpu.memory_space<vmem>> -> memref<1x1x128xf32, #tpu.memory_space<vmem>>
    %dma_wait3A_1030 = tpu.memref_squeeze %dma_wait3A_1029 : memref<1x1x128xf32, #tpu.memory_space<vmem>> -> memref<128xf32, #tpu.memory_space<vmem>>
    %dma_wait3A_1031 = arith.constant 5376 : i32
    %dma_wait3A_1032 = tpu.memref_slice %arg6[%dma_wait3A_1031] : memref<8192xi32, #tpu.memory_space<vmem>> -> memref<128xi32, #tpu.memory_space<vmem>>
    %dma_wait3A_1033 = arith.constant 0 : i32
    %dma_wait3A_1034 = tpu.memref_slice %arg8[%dma_wait3A_1033] : memref<800000xf32, #tpu.memory_space<vmem_shared>> -> memref<800000xf32, #tpu.memory_space<vmem_shared>>
    tpu.wait_indirect_dma semaphore(%arg10 : memref<!tpu.dma_semaphore, #tpu.memory_space<semaphore_mem>>) src(%dma_wait3A_1034 : memref<800000xf32, #tpu.memory_space<vmem_shared>>) dst(%dma_wait3A_1030 : memref<128xf32, #tpu.memory_space<vmem>>)
    %dma_wait3A_1035 = arith.constant 3 : i32
    %dma_wait3A_1036 = arith.constant 5 : i32
    %dma_wait3A_1037 = arith.constant 0 : i32
    %dma_wait3A_1038 = tpu.memref_slice %arg7[%dma_wait3A_1035, %dma_wait3A_1036, %dma_wait3A_1037] : memref<8x8x128xf32, #tpu.memory_space<vmem>> -> memref<1x1x128xf32, #tpu.memory_space<vmem>>
    %dma_wait3A_1039 = tpu.memref_squeeze %dma_wait3A_1038 : memref<1x1x128xf32, #tpu.memory_space<vmem>> -> memref<128xf32, #tpu.memory_space<vmem>>
    %dma_wait3A_1040 = arith.constant 5504 : i32
    %dma_wait3A_1041 = tpu.memref_slice %arg6[%dma_wait3A_1040] : memref<8192xi32, #tpu.memory_space<vmem>> -> memref<128xi32, #tpu.memory_space<vmem>>
    %dma_wait3A_1042 = arith.constant 0 : i32
    %dma_wait3A_1043 = tpu.memref_slice %arg8[%dma_wait3A_1042] : memref<800000xf32, #tpu.memory_space<vmem_shared>> -> memref<800000xf32, #tpu.memory_space<vmem_shared>>
    tpu.wait_indirect_dma semaphore(%arg10 : memref<!tpu.dma_semaphore, #tpu.memory_space<semaphore_mem>>) src(%dma_wait3A_1043 : memref<800000xf32, #tpu.memory_space<vmem_shared>>) dst(%dma_wait3A_1039 : memref<128xf32, #tpu.memory_space<vmem>>)
    %dma_wait3A_1044 = arith.constant 4 : i32
    %dma_wait3A_1045 = arith.constant 5 : i32
    %dma_wait3A_1046 = arith.constant 0 : i32
    %dma_wait3A_1047 = tpu.memref_slice %arg7[%dma_wait3A_1044, %dma_wait3A_1045, %dma_wait3A_1046] : memref<8x8x128xf32, #tpu.memory_space<vmem>> -> memref<1x1x128xf32, #tpu.memory_space<vmem>>
    %dma_wait3A_1048 = tpu.memref_squeeze %dma_wait3A_1047 : memref<1x1x128xf32, #tpu.memory_space<vmem>> -> memref<128xf32, #tpu.memory_space<vmem>>
    %dma_wait3A_1049 = arith.constant 5632 : i32
    %dma_wait3A_1050 = tpu.memref_slice %arg6[%dma_wait3A_1049] : memref<8192xi32, #tpu.memory_space<vmem>> -> memref<128xi32, #tpu.memory_space<vmem>>
    %dma_wait3A_1051 = arith.constant 0 : i32
    %dma_wait3A_1052 = tpu.memref_slice %arg8[%dma_wait3A_1051] : memref<800000xf32, #tpu.memory_space<vmem_shared>> -> memref<800000xf32, #tpu.memory_space<vmem_shared>>
    tpu.wait_indirect_dma semaphore(%arg10 : memref<!tpu.dma_semaphore, #tpu.memory_space<semaphore_mem>>) src(%dma_wait3A_1052 : memref<800000xf32, #tpu.memory_space<vmem_shared>>) dst(%dma_wait3A_1048 : memref<128xf32, #tpu.memory_space<vmem>>)
    %dma_wait3A_1053 = arith.constant 5 : i32
    %dma_wait3A_1054 = arith.constant 5 : i32
    %dma_wait3A_1055 = arith.constant 0 : i32
    %dma_wait3A_1056 = tpu.memref_slice %arg7[%dma_wait3A_1053, %dma_wait3A_1054, %dma_wait3A_1055] : memref<8x8x128xf32, #tpu.memory_space<vmem>> -> memref<1x1x128xf32, #tpu.memory_space<vmem>>
    %dma_wait3A_1057 = tpu.memref_squeeze %dma_wait3A_1056 : memref<1x1x128xf32, #tpu.memory_space<vmem>> -> memref<128xf32, #tpu.memory_space<vmem>>
    %dma_wait3A_1058 = arith.constant 5760 : i32
    %dma_wait3A_1059 = tpu.memref_slice %arg6[%dma_wait3A_1058] : memref<8192xi32, #tpu.memory_space<vmem>> -> memref<128xi32, #tpu.memory_space<vmem>>
    %dma_wait3A_1060 = arith.constant 0 : i32
    %dma_wait3A_1061 = tpu.memref_slice %arg8[%dma_wait3A_1060] : memref<800000xf32, #tpu.memory_space<vmem_shared>> -> memref<800000xf32, #tpu.memory_space<vmem_shared>>
    tpu.wait_indirect_dma semaphore(%arg10 : memref<!tpu.dma_semaphore, #tpu.memory_space<semaphore_mem>>) src(%dma_wait3A_1061 : memref<800000xf32, #tpu.memory_space<vmem_shared>>) dst(%dma_wait3A_1057 : memref<128xf32, #tpu.memory_space<vmem>>)
    %dma_wait3A_1062 = arith.constant 6 : i32
    %dma_wait3A_1063 = arith.constant 5 : i32
    %dma_wait3A_1064 = arith.constant 0 : i32
    %dma_wait3A_1065 = tpu.memref_slice %arg7[%dma_wait3A_1062, %dma_wait3A_1063, %dma_wait3A_1064] : memref<8x8x128xf32, #tpu.memory_space<vmem>> -> memref<1x1x128xf32, #tpu.memory_space<vmem>>
    %dma_wait3A_1066 = tpu.memref_squeeze %dma_wait3A_1065 : memref<1x1x128xf32, #tpu.memory_space<vmem>> -> memref<128xf32, #tpu.memory_space<vmem>>
    %dma_wait3A_1067 = arith.constant 5888 : i32
    %dma_wait3A_1068 = tpu.memref_slice %arg6[%dma_wait3A_1067] : memref<8192xi32, #tpu.memory_space<vmem>> -> memref<128xi32, #tpu.memory_space<vmem>>
    %dma_wait3A_1069 = arith.constant 0 : i32
    %dma_wait3A_1070 = tpu.memref_slice %arg8[%dma_wait3A_1069] : memref<800000xf32, #tpu.memory_space<vmem_shared>> -> memref<800000xf32, #tpu.memory_space<vmem_shared>>
    tpu.wait_indirect_dma semaphore(%arg10 : memref<!tpu.dma_semaphore, #tpu.memory_space<semaphore_mem>>) src(%dma_wait3A_1070 : memref<800000xf32, #tpu.memory_space<vmem_shared>>) dst(%dma_wait3A_1066 : memref<128xf32, #tpu.memory_space<vmem>>)
    %dma_wait3A_1071 = arith.constant 7 : i32
    %dma_wait3A_1072 = arith.constant 5 : i32
    %dma_wait3A_1073 = arith.constant 0 : i32
    %dma_wait3A_1074 = tpu.memref_slice %arg7[%dma_wait3A_1071, %dma_wait3A_1072, %dma_wait3A_1073] : memref<8x8x128xf32, #tpu.memory_space<vmem>> -> memref<1x1x128xf32, #tpu.memory_space<vmem>>
    %dma_wait3A_1075 = tpu.memref_squeeze %dma_wait3A_1074 : memref<1x1x128xf32, #tpu.memory_space<vmem>> -> memref<128xf32, #tpu.memory_space<vmem>>
    %dma_wait3A_1076 = arith.constant 6016 : i32
    %dma_wait3A_1077 = tpu.memref_slice %arg6[%dma_wait3A_1076] : memref<8192xi32, #tpu.memory_space<vmem>> -> memref<128xi32, #tpu.memory_space<vmem>>
    %dma_wait3A_1078 = arith.constant 0 : i32
    %dma_wait3A_1079 = tpu.memref_slice %arg8[%dma_wait3A_1078] : memref<800000xf32, #tpu.memory_space<vmem_shared>> -> memref<800000xf32, #tpu.memory_space<vmem_shared>>
    tpu.wait_indirect_dma semaphore(%arg10 : memref<!tpu.dma_semaphore, #tpu.memory_space<semaphore_mem>>) src(%dma_wait3A_1079 : memref<800000xf32, #tpu.memory_space<vmem_shared>>) dst(%dma_wait3A_1075 : memref<128xf32, #tpu.memory_space<vmem>>)
    %dma_wait3A_1080 = arith.constant 0 : i32
    %dma_wait3A_1081 = arith.constant 6 : i32
    %dma_wait3A_1082 = arith.constant 0 : i32
    %dma_wait3A_1083 = tpu.memref_slice %arg7[%dma_wait3A_1080, %dma_wait3A_1081, %dma_wait3A_1082] : memref<8x8x128xf32, #tpu.memory_space<vmem>> -> memref<1x1x128xf32, #tpu.memory_space<vmem>>
    %dma_wait3A_1084 = tpu.memref_squeeze %dma_wait3A_1083 : memref<1x1x128xf32, #tpu.memory_space<vmem>> -> memref<128xf32, #tpu.memory_space<vmem>>
    %dma_wait3A_1085 = arith.constant 6144 : i32
    %dma_wait3A_1086 = tpu.memref_slice %arg6[%dma_wait3A_1085] : memref<8192xi32, #tpu.memory_space<vmem>> -> memref<128xi32, #tpu.memory_space<vmem>>
    %dma_wait3A_1087 = arith.constant 0 : i32
    %dma_wait3A_1088 = tpu.memref_slice %arg8[%dma_wait3A_1087] : memref<800000xf32, #tpu.memory_space<vmem_shared>> -> memref<800000xf32, #tpu.memory_space<vmem_shared>>
    tpu.wait_indirect_dma semaphore(%arg10 : memref<!tpu.dma_semaphore, #tpu.memory_space<semaphore_mem>>) src(%dma_wait3A_1088 : memref<800000xf32, #tpu.memory_space<vmem_shared>>) dst(%dma_wait3A_1084 : memref<128xf32, #tpu.memory_space<vmem>>)
    %dma_wait3A_1089 = arith.constant 1 : i32
    %dma_wait3A_1090 = arith.constant 6 : i32
    %dma_wait3A_1091 = arith.constant 0 : i32
    %dma_wait3A_1092 = tpu.memref_slice %arg7[%dma_wait3A_1089, %dma_wait3A_1090, %dma_wait3A_1091] : memref<8x8x128xf32, #tpu.memory_space<vmem>> -> memref<1x1x128xf32, #tpu.memory_space<vmem>>
    %dma_wait3A_1093 = tpu.memref_squeeze %dma_wait3A_1092 : memref<1x1x128xf32, #tpu.memory_space<vmem>> -> memref<128xf32, #tpu.memory_space<vmem>>
    %dma_wait3A_1094 = arith.constant 6272 : i32
    %dma_wait3A_1095 = tpu.memref_slice %arg6[%dma_wait3A_1094] : memref<8192xi32, #tpu.memory_space<vmem>> -> memref<128xi32, #tpu.memory_space<vmem>>
    %dma_wait3A_1096 = arith.constant 0 : i32
    %dma_wait3A_1097 = tpu.memref_slice %arg8[%dma_wait3A_1096] : memref<800000xf32, #tpu.memory_space<vmem_shared>> -> memref<800000xf32, #tpu.memory_space<vmem_shared>>
    tpu.wait_indirect_dma semaphore(%arg10 : memref<!tpu.dma_semaphore, #tpu.memory_space<semaphore_mem>>) src(%dma_wait3A_1097 : memref<800000xf32, #tpu.memory_space<vmem_shared>>) dst(%dma_wait3A_1093 : memref<128xf32, #tpu.memory_space<vmem>>)
    %dma_wait3A_1098 = arith.constant 2 : i32
    %dma_wait3A_1099 = arith.constant 6 : i32
    %dma_wait3A_1100 = arith.constant 0 : i32
    %dma_wait3A_1101 = tpu.memref_slice %arg7[%dma_wait3A_1098, %dma_wait3A_1099, %dma_wait3A_1100] : memref<8x8x128xf32, #tpu.memory_space<vmem>> -> memref<1x1x128xf32, #tpu.memory_space<vmem>>
    %dma_wait3A_1102 = tpu.memref_squeeze %dma_wait3A_1101 : memref<1x1x128xf32, #tpu.memory_space<vmem>> -> memref<128xf32, #tpu.memory_space<vmem>>
    %dma_wait3A_1103 = arith.constant 6400 : i32
    %dma_wait3A_1104 = tpu.memref_slice %arg6[%dma_wait3A_1103] : memref<8192xi32, #tpu.memory_space<vmem>> -> memref<128xi32, #tpu.memory_space<vmem>>
    %dma_wait3A_1105 = arith.constant 0 : i32
    %dma_wait3A_1106 = tpu.memref_slice %arg8[%dma_wait3A_1105] : memref<800000xf32, #tpu.memory_space<vmem_shared>> -> memref<800000xf32, #tpu.memory_space<vmem_shared>>
    tpu.wait_indirect_dma semaphore(%arg10 : memref<!tpu.dma_semaphore, #tpu.memory_space<semaphore_mem>>) src(%dma_wait3A_1106 : memref<800000xf32, #tpu.memory_space<vmem_shared>>) dst(%dma_wait3A_1102 : memref<128xf32, #tpu.memory_space<vmem>>)
    %dma_wait3A_1107 = arith.constant 3 : i32
    %dma_wait3A_1108 = arith.constant 6 : i32
    %dma_wait3A_1109 = arith.constant 0 : i32
    %dma_wait3A_1110 = tpu.memref_slice %arg7[%dma_wait3A_1107, %dma_wait3A_1108, %dma_wait3A_1109] : memref<8x8x128xf32, #tpu.memory_space<vmem>> -> memref<1x1x128xf32, #tpu.memory_space<vmem>>
    %dma_wait3A_1111 = tpu.memref_squeeze %dma_wait3A_1110 : memref<1x1x128xf32, #tpu.memory_space<vmem>> -> memref<128xf32, #tpu.memory_space<vmem>>
    %dma_wait3A_1112 = arith.constant 6528 : i32
    %dma_wait3A_1113 = tpu.memref_slice %arg6[%dma_wait3A_1112] : memref<8192xi32, #tpu.memory_space<vmem>> -> memref<128xi32, #tpu.memory_space<vmem>>
    %dma_wait3A_1114 = arith.constant 0 : i32
    %dma_wait3A_1115 = tpu.memref_slice %arg8[%dma_wait3A_1114] : memref<800000xf32, #tpu.memory_space<vmem_shared>> -> memref<800000xf32, #tpu.memory_space<vmem_shared>>
    tpu.wait_indirect_dma semaphore(%arg10 : memref<!tpu.dma_semaphore, #tpu.memory_space<semaphore_mem>>) src(%dma_wait3A_1115 : memref<800000xf32, #tpu.memory_space<vmem_shared>>) dst(%dma_wait3A_1111 : memref<128xf32, #tpu.memory_space<vmem>>)
    %dma_wait3A_1116 = arith.constant 4 : i32
    %dma_wait3A_1117 = arith.constant 6 : i32
    %dma_wait3A_1118 = arith.constant 0 : i32
    %dma_wait3A_1119 = tpu.memref_slice %arg7[%dma_wait3A_1116, %dma_wait3A_1117, %dma_wait3A_1118] : memref<8x8x128xf32, #tpu.memory_space<vmem>> -> memref<1x1x128xf32, #tpu.memory_space<vmem>>
    %dma_wait3A_1120 = tpu.memref_squeeze %dma_wait3A_1119 : memref<1x1x128xf32, #tpu.memory_space<vmem>> -> memref<128xf32, #tpu.memory_space<vmem>>
    %dma_wait3A_1121 = arith.constant 6656 : i32
    %dma_wait3A_1122 = tpu.memref_slice %arg6[%dma_wait3A_1121] : memref<8192xi32, #tpu.memory_space<vmem>> -> memref<128xi32, #tpu.memory_space<vmem>>
    %dma_wait3A_1123 = arith.constant 0 : i32
    %dma_wait3A_1124 = tpu.memref_slice %arg8[%dma_wait3A_1123] : memref<800000xf32, #tpu.memory_space<vmem_shared>> -> memref<800000xf32, #tpu.memory_space<vmem_shared>>
    tpu.wait_indirect_dma semaphore(%arg10 : memref<!tpu.dma_semaphore, #tpu.memory_space<semaphore_mem>>) src(%dma_wait3A_1124 : memref<800000xf32, #tpu.memory_space<vmem_shared>>) dst(%dma_wait3A_1120 : memref<128xf32, #tpu.memory_space<vmem>>)
    %dma_wait3A_1125 = arith.constant 5 : i32
    %dma_wait3A_1126 = arith.constant 6 : i32
    %dma_wait3A_1127 = arith.constant 0 : i32
    %dma_wait3A_1128 = tpu.memref_slice %arg7[%dma_wait3A_1125, %dma_wait3A_1126, %dma_wait3A_1127] : memref<8x8x128xf32, #tpu.memory_space<vmem>> -> memref<1x1x128xf32, #tpu.memory_space<vmem>>
    %dma_wait3A_1129 = tpu.memref_squeeze %dma_wait3A_1128 : memref<1x1x128xf32, #tpu.memory_space<vmem>> -> memref<128xf32, #tpu.memory_space<vmem>>
    %dma_wait3A_1130 = arith.constant 6784 : i32
    %dma_wait3A_1131 = tpu.memref_slice %arg6[%dma_wait3A_1130] : memref<8192xi32, #tpu.memory_space<vmem>> -> memref<128xi32, #tpu.memory_space<vmem>>
    %dma_wait3A_1132 = arith.constant 0 : i32
    %dma_wait3A_1133 = tpu.memref_slice %arg8[%dma_wait3A_1132] : memref<800000xf32, #tpu.memory_space<vmem_shared>> -> memref<800000xf32, #tpu.memory_space<vmem_shared>>
    tpu.wait_indirect_dma semaphore(%arg10 : memref<!tpu.dma_semaphore, #tpu.memory_space<semaphore_mem>>) src(%dma_wait3A_1133 : memref<800000xf32, #tpu.memory_space<vmem_shared>>) dst(%dma_wait3A_1129 : memref<128xf32, #tpu.memory_space<vmem>>)
    %dma_wait3A_1134 = arith.constant 6 : i32
    %dma_wait3A_1135 = arith.constant 6 : i32
    %dma_wait3A_1136 = arith.constant 0 : i32
    %dma_wait3A_1137 = tpu.memref_slice %arg7[%dma_wait3A_1134, %dma_wait3A_1135, %dma_wait3A_1136] : memref<8x8x128xf32, #tpu.memory_space<vmem>> -> memref<1x1x128xf32, #tpu.memory_space<vmem>>
    %dma_wait3A_1138 = tpu.memref_squeeze %dma_wait3A_1137 : memref<1x1x128xf32, #tpu.memory_space<vmem>> -> memref<128xf32, #tpu.memory_space<vmem>>
    %dma_wait3A_1139 = arith.constant 6912 : i32
    %dma_wait3A_1140 = tpu.memref_slice %arg6[%dma_wait3A_1139] : memref<8192xi32, #tpu.memory_space<vmem>> -> memref<128xi32, #tpu.memory_space<vmem>>
    %dma_wait3A_1141 = arith.constant 0 : i32
    %dma_wait3A_1142 = tpu.memref_slice %arg8[%dma_wait3A_1141] : memref<800000xf32, #tpu.memory_space<vmem_shared>> -> memref<800000xf32, #tpu.memory_space<vmem_shared>>
    tpu.wait_indirect_dma semaphore(%arg10 : memref<!tpu.dma_semaphore, #tpu.memory_space<semaphore_mem>>) src(%dma_wait3A_1142 : memref<800000xf32, #tpu.memory_space<vmem_shared>>) dst(%dma_wait3A_1138 : memref<128xf32, #tpu.memory_space<vmem>>)
    %dma_wait3A_1143 = arith.constant 7 : i32
    %dma_wait3A_1144 = arith.constant 6 : i32
    %dma_wait3A_1145 = arith.constant 0 : i32
    %dma_wait3A_1146 = tpu.memref_slice %arg7[%dma_wait3A_1143, %dma_wait3A_1144, %dma_wait3A_1145] : memref<8x8x128xf32, #tpu.memory_space<vmem>> -> memref<1x1x128xf32, #tpu.memory_space<vmem>>
    %dma_wait3A_1147 = tpu.memref_squeeze %dma_wait3A_1146 : memref<1x1x128xf32, #tpu.memory_space<vmem>> -> memref<128xf32, #tpu.memory_space<vmem>>
    %dma_wait3A_1148 = arith.constant 7040 : i32
    %dma_wait3A_1149 = tpu.memref_slice %arg6[%dma_wait3A_1148] : memref<8192xi32, #tpu.memory_space<vmem>> -> memref<128xi32, #tpu.memory_space<vmem>>
    %dma_wait3A_1150 = arith.constant 0 : i32
    %dma_wait3A_1151 = tpu.memref_slice %arg8[%dma_wait3A_1150] : memref<800000xf32, #tpu.memory_space<vmem_shared>> -> memref<800000xf32, #tpu.memory_space<vmem_shared>>
    tpu.wait_indirect_dma semaphore(%arg10 : memref<!tpu.dma_semaphore, #tpu.memory_space<semaphore_mem>>) src(%dma_wait3A_1151 : memref<800000xf32, #tpu.memory_space<vmem_shared>>) dst(%dma_wait3A_1147 : memref<128xf32, #tpu.memory_space<vmem>>)
    %dma_wait3A_1152 = arith.constant 0 : i32
    %dma_wait3A_1153 = arith.constant 7 : i32
    %dma_wait3A_1154 = arith.constant 0 : i32
    %dma_wait3A_1155 = tpu.memref_slice %arg7[%dma_wait3A_1152, %dma_wait3A_1153, %dma_wait3A_1154] : memref<8x8x128xf32, #tpu.memory_space<vmem>> -> memref<1x1x128xf32, #tpu.memory_space<vmem>>
    %dma_wait3A_1156 = tpu.memref_squeeze %dma_wait3A_1155 : memref<1x1x128xf32, #tpu.memory_space<vmem>> -> memref<128xf32, #tpu.memory_space<vmem>>
    %dma_wait3A_1157 = arith.constant 7168 : i32
    %dma_wait3A_1158 = tpu.memref_slice %arg6[%dma_wait3A_1157] : memref<8192xi32, #tpu.memory_space<vmem>> -> memref<128xi32, #tpu.memory_space<vmem>>
    %dma_wait3A_1159 = arith.constant 0 : i32
    %dma_wait3A_1160 = tpu.memref_slice %arg8[%dma_wait3A_1159] : memref<800000xf32, #tpu.memory_space<vmem_shared>> -> memref<800000xf32, #tpu.memory_space<vmem_shared>>
    tpu.wait_indirect_dma semaphore(%arg10 : memref<!tpu.dma_semaphore, #tpu.memory_space<semaphore_mem>>) src(%dma_wait3A_1160 : memref<800000xf32, #tpu.memory_space<vmem_shared>>) dst(%dma_wait3A_1156 : memref<128xf32, #tpu.memory_space<vmem>>)
    %dma_wait3A_1161 = arith.constant 1 : i32
    %dma_wait3A_1162 = arith.constant 7 : i32
    %dma_wait3A_1163 = arith.constant 0 : i32
    %dma_wait3A_1164 = tpu.memref_slice %arg7[%dma_wait3A_1161, %dma_wait3A_1162, %dma_wait3A_1163] : memref<8x8x128xf32, #tpu.memory_space<vmem>> -> memref<1x1x128xf32, #tpu.memory_space<vmem>>
    %dma_wait3A_1165 = tpu.memref_squeeze %dma_wait3A_1164 : memref<1x1x128xf32, #tpu.memory_space<vmem>> -> memref<128xf32, #tpu.memory_space<vmem>>
    %dma_wait3A_1166 = arith.constant 7296 : i32
    %dma_wait3A_1167 = tpu.memref_slice %arg6[%dma_wait3A_1166] : memref<8192xi32, #tpu.memory_space<vmem>> -> memref<128xi32, #tpu.memory_space<vmem>>
    %dma_wait3A_1168 = arith.constant 0 : i32
    %dma_wait3A_1169 = tpu.memref_slice %arg8[%dma_wait3A_1168] : memref<800000xf32, #tpu.memory_space<vmem_shared>> -> memref<800000xf32, #tpu.memory_space<vmem_shared>>
    tpu.wait_indirect_dma semaphore(%arg10 : memref<!tpu.dma_semaphore, #tpu.memory_space<semaphore_mem>>) src(%dma_wait3A_1169 : memref<800000xf32, #tpu.memory_space<vmem_shared>>) dst(%dma_wait3A_1165 : memref<128xf32, #tpu.memory_space<vmem>>)
    %dma_wait3A_1170 = arith.constant 2 : i32
    %dma_wait3A_1171 = arith.constant 7 : i32
    %dma_wait3A_1172 = arith.constant 0 : i32
    %dma_wait3A_1173 = tpu.memref_slice %arg7[%dma_wait3A_1170, %dma_wait3A_1171, %dma_wait3A_1172] : memref<8x8x128xf32, #tpu.memory_space<vmem>> -> memref<1x1x128xf32, #tpu.memory_space<vmem>>
    %dma_wait3A_1174 = tpu.memref_squeeze %dma_wait3A_1173 : memref<1x1x128xf32, #tpu.memory_space<vmem>> -> memref<128xf32, #tpu.memory_space<vmem>>
    %dma_wait3A_1175 = arith.constant 7424 : i32
    %dma_wait3A_1176 = tpu.memref_slice %arg6[%dma_wait3A_1175] : memref<8192xi32, #tpu.memory_space<vmem>> -> memref<128xi32, #tpu.memory_space<vmem>>
    %dma_wait3A_1177 = arith.constant 0 : i32
    %dma_wait3A_1178 = tpu.memref_slice %arg8[%dma_wait3A_1177] : memref<800000xf32, #tpu.memory_space<vmem_shared>> -> memref<800000xf32, #tpu.memory_space<vmem_shared>>
    tpu.wait_indirect_dma semaphore(%arg10 : memref<!tpu.dma_semaphore, #tpu.memory_space<semaphore_mem>>) src(%dma_wait3A_1178 : memref<800000xf32, #tpu.memory_space<vmem_shared>>) dst(%dma_wait3A_1174 : memref<128xf32, #tpu.memory_space<vmem>>)
    %dma_wait3A_1179 = arith.constant 3 : i32
    %dma_wait3A_1180 = arith.constant 7 : i32
    %dma_wait3A_1181 = arith.constant 0 : i32
    %dma_wait3A_1182 = tpu.memref_slice %arg7[%dma_wait3A_1179, %dma_wait3A_1180, %dma_wait3A_1181] : memref<8x8x128xf32, #tpu.memory_space<vmem>> -> memref<1x1x128xf32, #tpu.memory_space<vmem>>
    %dma_wait3A_1183 = tpu.memref_squeeze %dma_wait3A_1182 : memref<1x1x128xf32, #tpu.memory_space<vmem>> -> memref<128xf32, #tpu.memory_space<vmem>>
    %dma_wait3A_1184 = arith.constant 7552 : i32
    %dma_wait3A_1185 = tpu.memref_slice %arg6[%dma_wait3A_1184] : memref<8192xi32, #tpu.memory_space<vmem>> -> memref<128xi32, #tpu.memory_space<vmem>>
    %dma_wait3A_1186 = arith.constant 0 : i32
    %dma_wait3A_1187 = tpu.memref_slice %arg8[%dma_wait3A_1186] : memref<800000xf32, #tpu.memory_space<vmem_shared>> -> memref<800000xf32, #tpu.memory_space<vmem_shared>>
    tpu.wait_indirect_dma semaphore(%arg10 : memref<!tpu.dma_semaphore, #tpu.memory_space<semaphore_mem>>) src(%dma_wait3A_1187 : memref<800000xf32, #tpu.memory_space<vmem_shared>>) dst(%dma_wait3A_1183 : memref<128xf32, #tpu.memory_space<vmem>>)
    %dma_wait3A_1188 = arith.constant 4 : i32
    %dma_wait3A_1189 = arith.constant 7 : i32
    %dma_wait3A_1190 = arith.constant 0 : i32
    %dma_wait3A_1191 = tpu.memref_slice %arg7[%dma_wait3A_1188, %dma_wait3A_1189, %dma_wait3A_1190] : memref<8x8x128xf32, #tpu.memory_space<vmem>> -> memref<1x1x128xf32, #tpu.memory_space<vmem>>
    %dma_wait3A_1192 = tpu.memref_squeeze %dma_wait3A_1191 : memref<1x1x128xf32, #tpu.memory_space<vmem>> -> memref<128xf32, #tpu.memory_space<vmem>>
    %dma_wait3A_1193 = arith.constant 7680 : i32
    %dma_wait3A_1194 = tpu.memref_slice %arg6[%dma_wait3A_1193] : memref<8192xi32, #tpu.memory_space<vmem>> -> memref<128xi32, #tpu.memory_space<vmem>>
    %dma_wait3A_1195 = arith.constant 0 : i32
    %dma_wait3A_1196 = tpu.memref_slice %arg8[%dma_wait3A_1195] : memref<800000xf32, #tpu.memory_space<vmem_shared>> -> memref<800000xf32, #tpu.memory_space<vmem_shared>>
    tpu.wait_indirect_dma semaphore(%arg10 : memref<!tpu.dma_semaphore, #tpu.memory_space<semaphore_mem>>) src(%dma_wait3A_1196 : memref<800000xf32, #tpu.memory_space<vmem_shared>>) dst(%dma_wait3A_1192 : memref<128xf32, #tpu.memory_space<vmem>>)
    %dma_wait3A_1197 = arith.constant 5 : i32
    %dma_wait3A_1198 = arith.constant 7 : i32
    %dma_wait3A_1199 = arith.constant 0 : i32
    %dma_wait3A_1200 = tpu.memref_slice %arg7[%dma_wait3A_1197, %dma_wait3A_1198, %dma_wait3A_1199] : memref<8x8x128xf32, #tpu.memory_space<vmem>> -> memref<1x1x128xf32, #tpu.memory_space<vmem>>
    %dma_wait3A_1201 = tpu.memref_squeeze %dma_wait3A_1200 : memref<1x1x128xf32, #tpu.memory_space<vmem>> -> memref<128xf32, #tpu.memory_space<vmem>>
    %dma_wait3A_1202 = arith.constant 7808 : i32
    %dma_wait3A_1203 = tpu.memref_slice %arg6[%dma_wait3A_1202] : memref<8192xi32, #tpu.memory_space<vmem>> -> memref<128xi32, #tpu.memory_space<vmem>>
    %dma_wait3A_1204 = arith.constant 0 : i32
    %dma_wait3A_1205 = tpu.memref_slice %arg8[%dma_wait3A_1204] : memref<800000xf32, #tpu.memory_space<vmem_shared>> -> memref<800000xf32, #tpu.memory_space<vmem_shared>>
    tpu.wait_indirect_dma semaphore(%arg10 : memref<!tpu.dma_semaphore, #tpu.memory_space<semaphore_mem>>) src(%dma_wait3A_1205 : memref<800000xf32, #tpu.memory_space<vmem_shared>>) dst(%dma_wait3A_1201 : memref<128xf32, #tpu.memory_space<vmem>>)
    %dma_wait3A_1206 = arith.constant 6 : i32
    %dma_wait3A_1207 = arith.constant 7 : i32
    %dma_wait3A_1208 = arith.constant 0 : i32
    %dma_wait3A_1209 = tpu.memref_slice %arg7[%dma_wait3A_1206, %dma_wait3A_1207, %dma_wait3A_1208] : memref<8x8x128xf32, #tpu.memory_space<vmem>> -> memref<1x1x128xf32, #tpu.memory_space<vmem>>
    %dma_wait3A_1210 = tpu.memref_squeeze %dma_wait3A_1209 : memref<1x1x128xf32, #tpu.memory_space<vmem>> -> memref<128xf32, #tpu.memory_space<vmem>>
    %dma_wait3A_1211 = arith.constant 7936 : i32
    %dma_wait3A_1212 = tpu.memref_slice %arg6[%dma_wait3A_1211] : memref<8192xi32, #tpu.memory_space<vmem>> -> memref<128xi32, #tpu.memory_space<vmem>>
    %dma_wait3A_1213 = arith.constant 0 : i32
    %dma_wait3A_1214 = tpu.memref_slice %arg8[%dma_wait3A_1213] : memref<800000xf32, #tpu.memory_space<vmem_shared>> -> memref<800000xf32, #tpu.memory_space<vmem_shared>>
    tpu.wait_indirect_dma semaphore(%arg10 : memref<!tpu.dma_semaphore, #tpu.memory_space<semaphore_mem>>) src(%dma_wait3A_1214 : memref<800000xf32, #tpu.memory_space<vmem_shared>>) dst(%dma_wait3A_1210 : memref<128xf32, #tpu.memory_space<vmem>>)
    %dma_wait3A_1215 = arith.constant 7 : i32
    %dma_wait3A_1216 = arith.constant 7 : i32
    %dma_wait3A_1217 = arith.constant 0 : i32
    %dma_wait3A_1218 = tpu.memref_slice %arg7[%dma_wait3A_1215, %dma_wait3A_1216, %dma_wait3A_1217] : memref<8x8x128xf32, #tpu.memory_space<vmem>> -> memref<1x1x128xf32, #tpu.memory_space<vmem>>
    %dma_wait3A_1219 = tpu.memref_squeeze %dma_wait3A_1218 : memref<1x1x128xf32, #tpu.memory_space<vmem>> -> memref<128xf32, #tpu.memory_space<vmem>>
    %dma_wait3A_1220 = arith.constant 8064 : i32
    %dma_wait3A_1221 = tpu.memref_slice %arg6[%dma_wait3A_1220] : memref<8192xi32, #tpu.memory_space<vmem>> -> memref<128xi32, #tpu.memory_space<vmem>>
    %dma_wait3A_1222 = arith.constant 0 : i32
    %dma_wait3A_1223 = tpu.memref_slice %arg8[%dma_wait3A_1222] : memref<800000xf32, #tpu.memory_space<vmem_shared>> -> memref<800000xf32, #tpu.memory_space<vmem_shared>>
    tpu.wait_indirect_dma semaphore(%arg10 : memref<!tpu.dma_semaphore, #tpu.memory_space<semaphore_mem>>) src(%dma_wait3A_1223 : memref<800000xf32, #tpu.memory_space<vmem_shared>>) dst(%dma_wait3A_1219 : memref<128xf32, #tpu.memory_space<vmem>>)
    %mul3A_1224 = arith.constant 128 : i32
    %mul3A_1225 = arith.muli %arg0, %mul3A_1224 : i32
    %mul3A_1226 = arith.constant 8 : i32
    %mul3A_1227 = arith.muli %arg1, %mul3A_1226 : i32
    %add3A_1228 = arith.addi %mul3A_1225, %mul3A_1227 : i32
    %add3A_1229 = arith.constant 0 : i32
    %add3A_1230 = arith.addi %add3A_1228, %add3A_1229 : i32
    %mul3A_1231 = arith.constant 8 : i32
    %mul3A_1232 = arith.muli %add3A_1230, %mul3A_1231 : i32
    %dma_start3A_1233 = arith.constant 0 : i32
    %dma_start3A_1234 = arith.constant 0 : i32
    %dma_start3A_1235 = arith.constant 0 : i32
    %dma_start3A_1236 = tpu.memref_slice %arg7[%dma_start3A_1233, %dma_start3A_1234, %dma_start3A_1235] : memref<8x8x128xf32, #tpu.memory_space<vmem>> -> memref<1x8x128xf32, #tpu.memory_space<vmem>>
    %dma_start3A_1237 = tpu.memref_squeeze %dma_start3A_1236 : memref<1x8x128xf32, #tpu.memory_space<vmem>> -> memref<8x128xf32, #tpu.memory_space<vmem>>
    %dma_start3A_1238 = arith.constant 0 : i32
    %dma_start3A_1239 = tpu.memref_slice %arg4[%mul3A_1232, %dma_start3A_1238] : memref<2048x128xf32, #tpu.memory_space<hbm>> -> memref<8x128xf32, #tpu.memory_space<hbm>>
    %dma_start3A_1240 = arith.constant 0 : i32
    %dma_start3A_1241 = tpu.memref_slice %arg4[%mul3A_1232, %dma_start3A_1240] : memref<2048x128xf32, #tpu.memory_space<hbm>> -> memref<8x128xf32, #tpu.memory_space<hbm>>
    %dma_start3A_1242 = arith.constant 0 : i32
    %dma_start3A_1243 = arith.constant 0 : i32
    %dma_start3A_1244 = tpu.memref_slice %arg7[%dma_start3A_1233, %dma_start3A_1242, %dma_start3A_1243] : memref<8x8x128xf32, #tpu.memory_space<vmem>> -> memref<1x8x128xf32, #tpu.memory_space<vmem>>
    %dma_start3A_1245 = tpu.memref_squeeze %dma_start3A_1244 : memref<1x8x128xf32, #tpu.memory_space<vmem>> -> memref<8x128xf32, #tpu.memory_space<vmem>>
    tpu.enqueue_dma source(%dma_start3A_1245 : memref<8x128xf32, #tpu.memory_space<vmem>>) target(%dma_start3A_1241 : memref<8x128xf32, #tpu.memory_space<hbm>>) target_semaphore(%arg9 : memref<!tpu.dma_semaphore, #tpu.memory_space<semaphore_mem>>)
    %mul3A_1246 = arith.constant 128 : i32
    %mul3A_1247 = arith.muli %arg0, %mul3A_1246 : i32
    %mul3A_1248 = arith.constant 8 : i32
    %mul3A_1249 = arith.muli %arg1, %mul3A_1248 : i32
    %add3A_1250 = arith.addi %mul3A_1247, %mul3A_1249 : i32
    %add3A_1251 = arith.constant 1 : i32
    %add3A_1252 = arith.addi %add3A_1250, %add3A_1251 : i32
    %mul3A_1253 = arith.constant 8 : i32
    %mul3A_1254 = arith.muli %add3A_1252, %mul3A_1253 : i32
    %dma_start3A_1255 = arith.constant 1 : i32
    %dma_start3A_1256 = arith.constant 0 : i32
    %dma_start3A_1257 = arith.constant 0 : i32
    %dma_start3A_1258 = tpu.memref_slice %arg7[%dma_start3A_1255, %dma_start3A_1256, %dma_start3A_1257] : memref<8x8x128xf32, #tpu.memory_space<vmem>> -> memref<1x8x128xf32, #tpu.memory_space<vmem>>
    %dma_start3A_1259 = tpu.memref_squeeze %dma_start3A_1258 : memref<1x8x128xf32, #tpu.memory_space<vmem>> -> memref<8x128xf32, #tpu.memory_space<vmem>>
    %dma_start3A_1260 = arith.constant 0 : i32
    %dma_start3A_1261 = tpu.memref_slice %arg4[%mul3A_1254, %dma_start3A_1260] : memref<2048x128xf32, #tpu.memory_space<hbm>> -> memref<8x128xf32, #tpu.memory_space<hbm>>
    %dma_start3A_1262 = arith.constant 0 : i32
    %dma_start3A_1263 = tpu.memref_slice %arg4[%mul3A_1254, %dma_start3A_1262] : memref<2048x128xf32, #tpu.memory_space<hbm>> -> memref<8x128xf32, #tpu.memory_space<hbm>>
    %dma_start3A_1264 = arith.constant 0 : i32
    %dma_start3A_1265 = arith.constant 0 : i32
    %dma_start3A_1266 = tpu.memref_slice %arg7[%dma_start3A_1255, %dma_start3A_1264, %dma_start3A_1265] : memref<8x8x128xf32, #tpu.memory_space<vmem>> -> memref<1x8x128xf32, #tpu.memory_space<vmem>>
    %dma_start3A_1267 = tpu.memref_squeeze %dma_start3A_1266 : memref<1x8x128xf32, #tpu.memory_space<vmem>> -> memref<8x128xf32, #tpu.memory_space<vmem>>
    tpu.enqueue_dma source(%dma_start3A_1267 : memref<8x128xf32, #tpu.memory_space<vmem>>) target(%dma_start3A_1263 : memref<8x128xf32, #tpu.memory_space<hbm>>) target_semaphore(%arg9 : memref<!tpu.dma_semaphore, #tpu.memory_space<semaphore_mem>>)
    %mul3A_1268 = arith.constant 128 : i32
    %mul3A_1269 = arith.muli %arg0, %mul3A_1268 : i32
    %mul3A_1270 = arith.constant 8 : i32
    %mul3A_1271 = arith.muli %arg1, %mul3A_1270 : i32
    %add3A_1272 = arith.addi %mul3A_1269, %mul3A_1271 : i32
    %add3A_1273 = arith.constant 2 : i32
    %add3A_1274 = arith.addi %add3A_1272, %add3A_1273 : i32
    %mul3A_1275 = arith.constant 8 : i32
    %mul3A_1276 = arith.muli %add3A_1274, %mul3A_1275 : i32
    %dma_start3A_1277 = arith.constant 2 : i32
    %dma_start3A_1278 = arith.constant 0 : i32
    %dma_start3A_1279 = arith.constant 0 : i32
    %dma_start3A_1280 = tpu.memref_slice %arg7[%dma_start3A_1277, %dma_start3A_1278, %dma_start3A_1279] : memref<8x8x128xf32, #tpu.memory_space<vmem>> -> memref<1x8x128xf32, #tpu.memory_space<vmem>>
    %dma_start3A_1281 = tpu.memref_squeeze %dma_start3A_1280 : memref<1x8x128xf32, #tpu.memory_space<vmem>> -> memref<8x128xf32, #tpu.memory_space<vmem>>
    %dma_start3A_1282 = arith.constant 0 : i32
    %dma_start3A_1283 = tpu.memref_slice %arg4[%mul3A_1276, %dma_start3A_1282] : memref<2048x128xf32, #tpu.memory_space<hbm>> -> memref<8x128xf32, #tpu.memory_space<hbm>>
    %dma_start3A_1284 = arith.constant 0 : i32
    %dma_start3A_1285 = tpu.memref_slice %arg4[%mul3A_1276, %dma_start3A_1284] : memref<2048x128xf32, #tpu.memory_space<hbm>> -> memref<8x128xf32, #tpu.memory_space<hbm>>
    %dma_start3A_1286 = arith.constant 0 : i32
    %dma_start3A_1287 = arith.constant 0 : i32
    %dma_start3A_1288 = tpu.memref_slice %arg7[%dma_start3A_1277, %dma_start3A_1286, %dma_start3A_1287] : memref<8x8x128xf32, #tpu.memory_space<vmem>> -> memref<1x8x128xf32, #tpu.memory_space<vmem>>
    %dma_start3A_1289 = tpu.memref_squeeze %dma_start3A_1288 : memref<1x8x128xf32, #tpu.memory_space<vmem>> -> memref<8x128xf32, #tpu.memory_space<vmem>>
    tpu.enqueue_dma source(%dma_start3A_1289 : memref<8x128xf32, #tpu.memory_space<vmem>>) target(%dma_start3A_1285 : memref<8x128xf32, #tpu.memory_space<hbm>>) target_semaphore(%arg9 : memref<!tpu.dma_semaphore, #tpu.memory_space<semaphore_mem>>)
    %mul3A_1290 = arith.constant 128 : i32
    %mul3A_1291 = arith.muli %arg0, %mul3A_1290 : i32
    %mul3A_1292 = arith.constant 8 : i32
    %mul3A_1293 = arith.muli %arg1, %mul3A_1292 : i32
    %add3A_1294 = arith.addi %mul3A_1291, %mul3A_1293 : i32
    %add3A_1295 = arith.constant 3 : i32
    %add3A_1296 = arith.addi %add3A_1294, %add3A_1295 : i32
    %mul3A_1297 = arith.constant 8 : i32
    %mul3A_1298 = arith.muli %add3A_1296, %mul3A_1297 : i32
    %dma_start3A_1299 = arith.constant 3 : i32
    %dma_start3A_1300 = arith.constant 0 : i32
    %dma_start3A_1301 = arith.constant 0 : i32
    %dma_start3A_1302 = tpu.memref_slice %arg7[%dma_start3A_1299, %dma_start3A_1300, %dma_start3A_1301] : memref<8x8x128xf32, #tpu.memory_space<vmem>> -> memref<1x8x128xf32, #tpu.memory_space<vmem>>
    %dma_start3A_1303 = tpu.memref_squeeze %dma_start3A_1302 : memref<1x8x128xf32, #tpu.memory_space<vmem>> -> memref<8x128xf32, #tpu.memory_space<vmem>>
    %dma_start3A_1304 = arith.constant 0 : i32
    %dma_start3A_1305 = tpu.memref_slice %arg4[%mul3A_1298, %dma_start3A_1304] : memref<2048x128xf32, #tpu.memory_space<hbm>> -> memref<8x128xf32, #tpu.memory_space<hbm>>
    %dma_start3A_1306 = arith.constant 0 : i32
    %dma_start3A_1307 = tpu.memref_slice %arg4[%mul3A_1298, %dma_start3A_1306] : memref<2048x128xf32, #tpu.memory_space<hbm>> -> memref<8x128xf32, #tpu.memory_space<hbm>>
    %dma_start3A_1308 = arith.constant 0 : i32
    %dma_start3A_1309 = arith.constant 0 : i32
    %dma_start3A_1310 = tpu.memref_slice %arg7[%dma_start3A_1299, %dma_start3A_1308, %dma_start3A_1309] : memref<8x8x128xf32, #tpu.memory_space<vmem>> -> memref<1x8x128xf32, #tpu.memory_space<vmem>>
    %dma_start3A_1311 = tpu.memref_squeeze %dma_start3A_1310 : memref<1x8x128xf32, #tpu.memory_space<vmem>> -> memref<8x128xf32, #tpu.memory_space<vmem>>
    tpu.enqueue_dma source(%dma_start3A_1311 : memref<8x128xf32, #tpu.memory_space<vmem>>) target(%dma_start3A_1307 : memref<8x128xf32, #tpu.memory_space<hbm>>) target_semaphore(%arg9 : memref<!tpu.dma_semaphore, #tpu.memory_space<semaphore_mem>>)
    %mul3A_1312 = arith.constant 128 : i32
    %mul3A_1313 = arith.muli %arg0, %mul3A_1312 : i32
    %mul3A_1314 = arith.constant 8 : i32
    %mul3A_1315 = arith.muli %arg1, %mul3A_1314 : i32
    %add3A_1316 = arith.addi %mul3A_1313, %mul3A_1315 : i32
    %add3A_1317 = arith.constant 4 : i32
    %add3A_1318 = arith.addi %add3A_1316, %add3A_1317 : i32
    %mul3A_1319 = arith.constant 8 : i32
    %mul3A_1320 = arith.muli %add3A_1318, %mul3A_1319 : i32
    %dma_start3A_1321 = arith.constant 4 : i32
    %dma_start3A_1322 = arith.constant 0 : i32
    %dma_start3A_1323 = arith.constant 0 : i32
    %dma_start3A_1324 = tpu.memref_slice %arg7[%dma_start3A_1321, %dma_start3A_1322, %dma_start3A_1323] : memref<8x8x128xf32, #tpu.memory_space<vmem>> -> memref<1x8x128xf32, #tpu.memory_space<vmem>>
    %dma_start3A_1325 = tpu.memref_squeeze %dma_start3A_1324 : memref<1x8x128xf32, #tpu.memory_space<vmem>> -> memref<8x128xf32, #tpu.memory_space<vmem>>
    %dma_start3A_1326 = arith.constant 0 : i32
    %dma_start3A_1327 = tpu.memref_slice %arg4[%mul3A_1320, %dma_start3A_1326] : memref<2048x128xf32, #tpu.memory_space<hbm>> -> memref<8x128xf32, #tpu.memory_space<hbm>>
    %dma_start3A_1328 = arith.constant 0 : i32
    %dma_start3A_1329 = tpu.memref_slice %arg4[%mul3A_1320, %dma_start3A_1328] : memref<2048x128xf32, #tpu.memory_space<hbm>> -> memref<8x128xf32, #tpu.memory_space<hbm>>
    %dma_start3A_1330 = arith.constant 0 : i32
    %dma_start3A_1331 = arith.constant 0 : i32
    %dma_start3A_1332 = tpu.memref_slice %arg7[%dma_start3A_1321, %dma_start3A_1330, %dma_start3A_1331] : memref<8x8x128xf32, #tpu.memory_space<vmem>> -> memref<1x8x128xf32, #tpu.memory_space<vmem>>
    %dma_start3A_1333 = tpu.memref_squeeze %dma_start3A_1332 : memref<1x8x128xf32, #tpu.memory_space<vmem>> -> memref<8x128xf32, #tpu.memory_space<vmem>>
    tpu.enqueue_dma source(%dma_start3A_1333 : memref<8x128xf32, #tpu.memory_space<vmem>>) target(%dma_start3A_1329 : memref<8x128xf32, #tpu.memory_space<hbm>>) target_semaphore(%arg9 : memref<!tpu.dma_semaphore, #tpu.memory_space<semaphore_mem>>)
    %mul3A_1334 = arith.constant 128 : i32
    %mul3A_1335 = arith.muli %arg0, %mul3A_1334 : i32
    %mul3A_1336 = arith.constant 8 : i32
    %mul3A_1337 = arith.muli %arg1, %mul3A_1336 : i32
    %add3A_1338 = arith.addi %mul3A_1335, %mul3A_1337 : i32
    %add3A_1339 = arith.constant 5 : i32
    %add3A_1340 = arith.addi %add3A_1338, %add3A_1339 : i32
    %mul3A_1341 = arith.constant 8 : i32
    %mul3A_1342 = arith.muli %add3A_1340, %mul3A_1341 : i32
    %dma_start3A_1343 = arith.constant 5 : i32
    %dma_start3A_1344 = arith.constant 0 : i32
    %dma_start3A_1345 = arith.constant 0 : i32
    %dma_start3A_1346 = tpu.memref_slice %arg7[%dma_start3A_1343, %dma_start3A_1344, %dma_start3A_1345] : memref<8x8x128xf32, #tpu.memory_space<vmem>> -> memref<1x8x128xf32, #tpu.memory_space<vmem>>
    %dma_start3A_1347 = tpu.memref_squeeze %dma_start3A_1346 : memref<1x8x128xf32, #tpu.memory_space<vmem>> -> memref<8x128xf32, #tpu.memory_space<vmem>>
    %dma_start3A_1348 = arith.constant 0 : i32
    %dma_start3A_1349 = tpu.memref_slice %arg4[%mul3A_1342, %dma_start3A_1348] : memref<2048x128xf32, #tpu.memory_space<hbm>> -> memref<8x128xf32, #tpu.memory_space<hbm>>
    %dma_start3A_1350 = arith.constant 0 : i32
    %dma_start3A_1351 = tpu.memref_slice %arg4[%mul3A_1342, %dma_start3A_1350] : memref<2048x128xf32, #tpu.memory_space<hbm>> -> memref<8x128xf32, #tpu.memory_space<hbm>>
    %dma_start3A_1352 = arith.constant 0 : i32
    %dma_start3A_1353 = arith.constant 0 : i32
    %dma_start3A_1354 = tpu.memref_slice %arg7[%dma_start3A_1343, %dma_start3A_1352, %dma_start3A_1353] : memref<8x8x128xf32, #tpu.memory_space<vmem>> -> memref<1x8x128xf32, #tpu.memory_space<vmem>>
    %dma_start3A_1355 = tpu.memref_squeeze %dma_start3A_1354 : memref<1x8x128xf32, #tpu.memory_space<vmem>> -> memref<8x128xf32, #tpu.memory_space<vmem>>
    tpu.enqueue_dma source(%dma_start3A_1355 : memref<8x128xf32, #tpu.memory_space<vmem>>) target(%dma_start3A_1351 : memref<8x128xf32, #tpu.memory_space<hbm>>) target_semaphore(%arg9 : memref<!tpu.dma_semaphore, #tpu.memory_space<semaphore_mem>>)
    %mul3A_1356 = arith.constant 128 : i32
    %mul3A_1357 = arith.muli %arg0, %mul3A_1356 : i32
    %mul3A_1358 = arith.constant 8 : i32
    %mul3A_1359 = arith.muli %arg1, %mul3A_1358 : i32
    %add3A_1360 = arith.addi %mul3A_1357, %mul3A_1359 : i32
    %add3A_1361 = arith.constant 6 : i32
    %add3A_1362 = arith.addi %add3A_1360, %add3A_1361 : i32
    %mul3A_1363 = arith.constant 8 : i32
    %mul3A_1364 = arith.muli %add3A_1362, %mul3A_1363 : i32
    %dma_start3A_1365 = arith.constant 6 : i32
    %dma_start3A_1366 = arith.constant 0 : i32
    %dma_start3A_1367 = arith.constant 0 : i32
    %dma_start3A_1368 = tpu.memref_slice %arg7[%dma_start3A_1365, %dma_start3A_1366, %dma_start3A_1367] : memref<8x8x128xf32, #tpu.memory_space<vmem>> -> memref<1x8x128xf32, #tpu.memory_space<vmem>>
    %dma_start3A_1369 = tpu.memref_squeeze %dma_start3A_1368 : memref<1x8x128xf32, #tpu.memory_space<vmem>> -> memref<8x128xf32, #tpu.memory_space<vmem>>
    %dma_start3A_1370 = arith.constant 0 : i32
    %dma_start3A_1371 = tpu.memref_slice %arg4[%mul3A_1364, %dma_start3A_1370] : memref<2048x128xf32, #tpu.memory_space<hbm>> -> memref<8x128xf32, #tpu.memory_space<hbm>>
    %dma_start3A_1372 = arith.constant 0 : i32
    %dma_start3A_1373 = tpu.memref_slice %arg4[%mul3A_1364, %dma_start3A_1372] : memref<2048x128xf32, #tpu.memory_space<hbm>> -> memref<8x128xf32, #tpu.memory_space<hbm>>
    %dma_start3A_1374 = arith.constant 0 : i32
    %dma_start3A_1375 = arith.constant 0 : i32
    %dma_start3A_1376 = tpu.memref_slice %arg7[%dma_start3A_1365, %dma_start3A_1374, %dma_start3A_1375] : memref<8x8x128xf32, #tpu.memory_space<vmem>> -> memref<1x8x128xf32, #tpu.memory_space<vmem>>
    %dma_start3A_1377 = tpu.memref_squeeze %dma_start3A_1376 : memref<1x8x128xf32, #tpu.memory_space<vmem>> -> memref<8x128xf32, #tpu.memory_space<vmem>>
    tpu.enqueue_dma source(%dma_start3A_1377 : memref<8x128xf32, #tpu.memory_space<vmem>>) target(%dma_start3A_1373 : memref<8x128xf32, #tpu.memory_space<hbm>>) target_semaphore(%arg9 : memref<!tpu.dma_semaphore, #tpu.memory_space<semaphore_mem>>)
    %mul3A_1378 = arith.constant 128 : i32
    %mul3A_1379 = arith.muli %arg0, %mul3A_1378 : i32
    %mul3A_1380 = arith.constant 8 : i32
    %mul3A_1381 = arith.muli %arg1, %mul3A_1380 : i32
    %add3A_1382 = arith.addi %mul3A_1379, %mul3A_1381 : i32
    %add3A_1383 = arith.constant 7 : i32
    %add3A_1384 = arith.addi %add3A_1382, %add3A_1383 : i32
    %mul3A_1385 = arith.constant 8 : i32
    %mul3A_1386 = arith.muli %add3A_1384, %mul3A_1385 : i32
    %dma_start3A_1387 = arith.constant 7 : i32
    %dma_start3A_1388 = arith.constant 0 : i32
    %dma_start3A_1389 = arith.constant 0 : i32
    %dma_start3A_1390 = tpu.memref_slice %arg7[%dma_start3A_1387, %dma_start3A_1388, %dma_start3A_1389] : memref<8x8x128xf32, #tpu.memory_space<vmem>> -> memref<1x8x128xf32, #tpu.memory_space<vmem>>
    %dma_start3A_1391 = tpu.memref_squeeze %dma_start3A_1390 : memref<1x8x128xf32, #tpu.memory_space<vmem>> -> memref<8x128xf32, #tpu.memory_space<vmem>>
    %dma_start3A_1392 = arith.constant 0 : i32
    %dma_start3A_1393 = tpu.memref_slice %arg4[%mul3A_1386, %dma_start3A_1392] : memref<2048x128xf32, #tpu.memory_space<hbm>> -> memref<8x128xf32, #tpu.memory_space<hbm>>
    %dma_start3A_1394 = arith.constant 0 : i32
    %dma_start3A_1395 = tpu.memref_slice %arg4[%mul3A_1386, %dma_start3A_1394] : memref<2048x128xf32, #tpu.memory_space<hbm>> -> memref<8x128xf32, #tpu.memory_space<hbm>>
    %dma_start3A_1396 = arith.constant 0 : i32
    %dma_start3A_1397 = arith.constant 0 : i32
    %dma_start3A_1398 = tpu.memref_slice %arg7[%dma_start3A_1387, %dma_start3A_1396, %dma_start3A_1397] : memref<8x8x128xf32, #tpu.memory_space<vmem>> -> memref<1x8x128xf32, #tpu.memory_space<vmem>>
    %dma_start3A_1399 = tpu.memref_squeeze %dma_start3A_1398 : memref<1x8x128xf32, #tpu.memory_space<vmem>> -> memref<8x128xf32, #tpu.memory_space<vmem>>
    tpu.enqueue_dma source(%dma_start3A_1399 : memref<8x128xf32, #tpu.memory_space<vmem>>) target(%dma_start3A_1395 : memref<8x128xf32, #tpu.memory_space<hbm>>) target_semaphore(%arg9 : memref<!tpu.dma_semaphore, #tpu.memory_space<semaphore_mem>>)
    %dma_wait3A_1400 = arith.constant 0 : i32
    %dma_wait3A_1401 = arith.constant 0 : i32
    %dma_wait3A_1402 = arith.constant 0 : i32
    %dma_wait3A_1403 = tpu.memref_slice %arg7[%dma_wait3A_1400, %dma_wait3A_1401, %dma_wait3A_1402] : memref<8x8x128xf32, #tpu.memory_space<vmem>> -> memref<1x8x128xf32, #tpu.memory_space<vmem>>
    %dma_wait3A_1404 = tpu.memref_squeeze %dma_wait3A_1403 : memref<1x8x128xf32, #tpu.memory_space<vmem>> -> memref<8x128xf32, #tpu.memory_space<vmem>>
    %dma_wait3A_1405 = arith.constant 0 : i32
    %dma_wait3A_1406 = tpu.memref_slice %arg4[%mul3A_1232, %dma_wait3A_1405] : memref<2048x128xf32, #tpu.memory_space<hbm>> -> memref<8x128xf32, #tpu.memory_space<hbm>>
    %dma_wait3A_1407 = arith.constant 0 : i32
    %dma_wait3A_1408 = tpu.memref_slice %arg4[%mul3A_1232, %dma_wait3A_1407] : memref<2048x128xf32, #tpu.memory_space<hbm>> -> memref<8x128xf32, #tpu.memory_space<hbm>>
    %dma_wait3A_1409 = arith.constant 0 : i32
    %dma_wait3A_1410 = arith.constant 0 : i32
    %dma_wait3A_1411 = tpu.memref_slice %arg7[%dma_wait3A_1400, %dma_wait3A_1409, %dma_wait3A_1410] : memref<8x8x128xf32, #tpu.memory_space<vmem>> -> memref<1x8x128xf32, #tpu.memory_space<vmem>>
    %dma_wait3A_1412 = tpu.memref_squeeze %dma_wait3A_1411 : memref<1x8x128xf32, #tpu.memory_space<vmem>> -> memref<8x128xf32, #tpu.memory_space<vmem>>
    tpu.wait_dma2 semaphore(%arg9 : memref<!tpu.dma_semaphore, #tpu.memory_space<semaphore_mem>>) src(%dma_wait3A_1412 : memref<8x128xf32, #tpu.memory_space<vmem>>) dst(%dma_wait3A_1408 : memref<8x128xf32, #tpu.memory_space<hbm>>)
    %dma_wait3A_1413 = arith.constant 1 : i32
    %dma_wait3A_1414 = arith.constant 0 : i32
    %dma_wait3A_1415 = arith.constant 0 : i32
    %dma_wait3A_1416 = tpu.memref_slice %arg7[%dma_wait3A_1413, %dma_wait3A_1414, %dma_wait3A_1415] : memref<8x8x128xf32, #tpu.memory_space<vmem>> -> memref<1x8x128xf32, #tpu.memory_space<vmem>>
    %dma_wait3A_1417 = tpu.memref_squeeze %dma_wait3A_1416 : memref<1x8x128xf32, #tpu.memory_space<vmem>> -> memref<8x128xf32, #tpu.memory_space<vmem>>
    %dma_wait3A_1418 = arith.constant 0 : i32
    %dma_wait3A_1419 = tpu.memref_slice %arg4[%mul3A_1254, %dma_wait3A_1418] : memref<2048x128xf32, #tpu.memory_space<hbm>> -> memref<8x128xf32, #tpu.memory_space<hbm>>
    %dma_wait3A_1420 = arith.constant 0 : i32
    %dma_wait3A_1421 = tpu.memref_slice %arg4[%mul3A_1254, %dma_wait3A_1420] : memref<2048x128xf32, #tpu.memory_space<hbm>> -> memref<8x128xf32, #tpu.memory_space<hbm>>
    %dma_wait3A_1422 = arith.constant 0 : i32
    %dma_wait3A_1423 = arith.constant 0 : i32
    %dma_wait3A_1424 = tpu.memref_slice %arg7[%dma_wait3A_1413, %dma_wait3A_1422, %dma_wait3A_1423] : memref<8x8x128xf32, #tpu.memory_space<vmem>> -> memref<1x8x128xf32, #tpu.memory_space<vmem>>
    %dma_wait3A_1425 = tpu.memref_squeeze %dma_wait3A_1424 : memref<1x8x128xf32, #tpu.memory_space<vmem>> -> memref<8x128xf32, #tpu.memory_space<vmem>>
    tpu.wait_dma2 semaphore(%arg9 : memref<!tpu.dma_semaphore, #tpu.memory_space<semaphore_mem>>) src(%dma_wait3A_1425 : memref<8x128xf32, #tpu.memory_space<vmem>>) dst(%dma_wait3A_1421 : memref<8x128xf32, #tpu.memory_space<hbm>>)
    %dma_wait3A_1426 = arith.constant 2 : i32
    %dma_wait3A_1427 = arith.constant 0 : i32
    %dma_wait3A_1428 = arith.constant 0 : i32
    %dma_wait3A_1429 = tpu.memref_slice %arg7[%dma_wait3A_1426, %dma_wait3A_1427, %dma_wait3A_1428] : memref<8x8x128xf32, #tpu.memory_space<vmem>> -> memref<1x8x128xf32, #tpu.memory_space<vmem>>
    %dma_wait3A_1430 = tpu.memref_squeeze %dma_wait3A_1429 : memref<1x8x128xf32, #tpu.memory_space<vmem>> -> memref<8x128xf32, #tpu.memory_space<vmem>>
    %dma_wait3A_1431 = arith.constant 0 : i32
    %dma_wait3A_1432 = tpu.memref_slice %arg4[%mul3A_1276, %dma_wait3A_1431] : memref<2048x128xf32, #tpu.memory_space<hbm>> -> memref<8x128xf32, #tpu.memory_space<hbm>>
    %dma_wait3A_1433 = arith.constant 0 : i32
    %dma_wait3A_1434 = tpu.memref_slice %arg4[%mul3A_1276, %dma_wait3A_1433] : memref<2048x128xf32, #tpu.memory_space<hbm>> -> memref<8x128xf32, #tpu.memory_space<hbm>>
    %dma_wait3A_1435 = arith.constant 0 : i32
    %dma_wait3A_1436 = arith.constant 0 : i32
    %dma_wait3A_1437 = tpu.memref_slice %arg7[%dma_wait3A_1426, %dma_wait3A_1435, %dma_wait3A_1436] : memref<8x8x128xf32, #tpu.memory_space<vmem>> -> memref<1x8x128xf32, #tpu.memory_space<vmem>>
    %dma_wait3A_1438 = tpu.memref_squeeze %dma_wait3A_1437 : memref<1x8x128xf32, #tpu.memory_space<vmem>> -> memref<8x128xf32, #tpu.memory_space<vmem>>
    tpu.wait_dma2 semaphore(%arg9 : memref<!tpu.dma_semaphore, #tpu.memory_space<semaphore_mem>>) src(%dma_wait3A_1438 : memref<8x128xf32, #tpu.memory_space<vmem>>) dst(%dma_wait3A_1434 : memref<8x128xf32, #tpu.memory_space<hbm>>)
    %dma_wait3A_1439 = arith.constant 3 : i32
    %dma_wait3A_1440 = arith.constant 0 : i32
    %dma_wait3A_1441 = arith.constant 0 : i32
    %dma_wait3A_1442 = tpu.memref_slice %arg7[%dma_wait3A_1439, %dma_wait3A_1440, %dma_wait3A_1441] : memref<8x8x128xf32, #tpu.memory_space<vmem>> -> memref<1x8x128xf32, #tpu.memory_space<vmem>>
    %dma_wait3A_1443 = tpu.memref_squeeze %dma_wait3A_1442 : memref<1x8x128xf32, #tpu.memory_space<vmem>> -> memref<8x128xf32, #tpu.memory_space<vmem>>
    %dma_wait3A_1444 = arith.constant 0 : i32
    %dma_wait3A_1445 = tpu.memref_slice %arg4[%mul3A_1298, %dma_wait3A_1444] : memref<2048x128xf32, #tpu.memory_space<hbm>> -> memref<8x128xf32, #tpu.memory_space<hbm>>
    %dma_wait3A_1446 = arith.constant 0 : i32
    %dma_wait3A_1447 = tpu.memref_slice %arg4[%mul3A_1298, %dma_wait3A_1446] : memref<2048x128xf32, #tpu.memory_space<hbm>> -> memref<8x128xf32, #tpu.memory_space<hbm>>
    %dma_wait3A_1448 = arith.constant 0 : i32
    %dma_wait3A_1449 = arith.constant 0 : i32
    %dma_wait3A_1450 = tpu.memref_slice %arg7[%dma_wait3A_1439, %dma_wait3A_1448, %dma_wait3A_1449] : memref<8x8x128xf32, #tpu.memory_space<vmem>> -> memref<1x8x128xf32, #tpu.memory_space<vmem>>
    %dma_wait3A_1451 = tpu.memref_squeeze %dma_wait3A_1450 : memref<1x8x128xf32, #tpu.memory_space<vmem>> -> memref<8x128xf32, #tpu.memory_space<vmem>>
    tpu.wait_dma2 semaphore(%arg9 : memref<!tpu.dma_semaphore, #tpu.memory_space<semaphore_mem>>) src(%dma_wait3A_1451 : memref<8x128xf32, #tpu.memory_space<vmem>>) dst(%dma_wait3A_1447 : memref<8x128xf32, #tpu.memory_space<hbm>>)
    %dma_wait3A_1452 = arith.constant 4 : i32
    %dma_wait3A_1453 = arith.constant 0 : i32
    %dma_wait3A_1454 = arith.constant 0 : i32
    %dma_wait3A_1455 = tpu.memref_slice %arg7[%dma_wait3A_1452, %dma_wait3A_1453, %dma_wait3A_1454] : memref<8x8x128xf32, #tpu.memory_space<vmem>> -> memref<1x8x128xf32, #tpu.memory_space<vmem>>
    %dma_wait3A_1456 = tpu.memref_squeeze %dma_wait3A_1455 : memref<1x8x128xf32, #tpu.memory_space<vmem>> -> memref<8x128xf32, #tpu.memory_space<vmem>>
    %dma_wait3A_1457 = arith.constant 0 : i32
    %dma_wait3A_1458 = tpu.memref_slice %arg4[%mul3A_1320, %dma_wait3A_1457] : memref<2048x128xf32, #tpu.memory_space<hbm>> -> memref<8x128xf32, #tpu.memory_space<hbm>>
    %dma_wait3A_1459 = arith.constant 0 : i32
    %dma_wait3A_1460 = tpu.memref_slice %arg4[%mul3A_1320, %dma_wait3A_1459] : memref<2048x128xf32, #tpu.memory_space<hbm>> -> memref<8x128xf32, #tpu.memory_space<hbm>>
    %dma_wait3A_1461 = arith.constant 0 : i32
    %dma_wait3A_1462 = arith.constant 0 : i32
    %dma_wait3A_1463 = tpu.memref_slice %arg7[%dma_wait3A_1452, %dma_wait3A_1461, %dma_wait3A_1462] : memref<8x8x128xf32, #tpu.memory_space<vmem>> -> memref<1x8x128xf32, #tpu.memory_space<vmem>>
    %dma_wait3A_1464 = tpu.memref_squeeze %dma_wait3A_1463 : memref<1x8x128xf32, #tpu.memory_space<vmem>> -> memref<8x128xf32, #tpu.memory_space<vmem>>
    tpu.wait_dma2 semaphore(%arg9 : memref<!tpu.dma_semaphore, #tpu.memory_space<semaphore_mem>>) src(%dma_wait3A_1464 : memref<8x128xf32, #tpu.memory_space<vmem>>) dst(%dma_wait3A_1460 : memref<8x128xf32, #tpu.memory_space<hbm>>)
    %dma_wait3A_1465 = arith.constant 5 : i32
    %dma_wait3A_1466 = arith.constant 0 : i32
    %dma_wait3A_1467 = arith.constant 0 : i32
    %dma_wait3A_1468 = tpu.memref_slice %arg7[%dma_wait3A_1465, %dma_wait3A_1466, %dma_wait3A_1467] : memref<8x8x128xf32, #tpu.memory_space<vmem>> -> memref<1x8x128xf32, #tpu.memory_space<vmem>>
    %dma_wait3A_1469 = tpu.memref_squeeze %dma_wait3A_1468 : memref<1x8x128xf32, #tpu.memory_space<vmem>> -> memref<8x128xf32, #tpu.memory_space<vmem>>
    %dma_wait3A_1470 = arith.constant 0 : i32
    %dma_wait3A_1471 = tpu.memref_slice %arg4[%mul3A_1342, %dma_wait3A_1470] : memref<2048x128xf32, #tpu.memory_space<hbm>> -> memref<8x128xf32, #tpu.memory_space<hbm>>
    %dma_wait3A_1472 = arith.constant 0 : i32
    %dma_wait3A_1473 = tpu.memref_slice %arg4[%mul3A_1342, %dma_wait3A_1472] : memref<2048x128xf32, #tpu.memory_space<hbm>> -> memref<8x128xf32, #tpu.memory_space<hbm>>
    %dma_wait3A_1474 = arith.constant 0 : i32
    %dma_wait3A_1475 = arith.constant 0 : i32
    %dma_wait3A_1476 = tpu.memref_slice %arg7[%dma_wait3A_1465, %dma_wait3A_1474, %dma_wait3A_1475] : memref<8x8x128xf32, #tpu.memory_space<vmem>> -> memref<1x8x128xf32, #tpu.memory_space<vmem>>
    %dma_wait3A_1477 = tpu.memref_squeeze %dma_wait3A_1476 : memref<1x8x128xf32, #tpu.memory_space<vmem>> -> memref<8x128xf32, #tpu.memory_space<vmem>>
    tpu.wait_dma2 semaphore(%arg9 : memref<!tpu.dma_semaphore, #tpu.memory_space<semaphore_mem>>) src(%dma_wait3A_1477 : memref<8x128xf32, #tpu.memory_space<vmem>>) dst(%dma_wait3A_1473 : memref<8x128xf32, #tpu.memory_space<hbm>>)
    %dma_wait3A_1478 = arith.constant 6 : i32
    %dma_wait3A_1479 = arith.constant 0 : i32
    %dma_wait3A_1480 = arith.constant 0 : i32
    %dma_wait3A_1481 = tpu.memref_slice %arg7[%dma_wait3A_1478, %dma_wait3A_1479, %dma_wait3A_1480] : memref<8x8x128xf32, #tpu.memory_space<vmem>> -> memref<1x8x128xf32, #tpu.memory_space<vmem>>
    %dma_wait3A_1482 = tpu.memref_squeeze %dma_wait3A_1481 : memref<1x8x128xf32, #tpu.memory_space<vmem>> -> memref<8x128xf32, #tpu.memory_space<vmem>>
    %dma_wait3A_1483 = arith.constant 0 : i32
    %dma_wait3A_1484 = tpu.memref_slice %arg4[%mul3A_1364, %dma_wait3A_1483] : memref<2048x128xf32, #tpu.memory_space<hbm>> -> memref<8x128xf32, #tpu.memory_space<hbm>>
    %dma_wait3A_1485 = arith.constant 0 : i32
    %dma_wait3A_1486 = tpu.memref_slice %arg4[%mul3A_1364, %dma_wait3A_1485] : memref<2048x128xf32, #tpu.memory_space<hbm>> -> memref<8x128xf32, #tpu.memory_space<hbm>>
    %dma_wait3A_1487 = arith.constant 0 : i32
    %dma_wait3A_1488 = arith.constant 0 : i32
    %dma_wait3A_1489 = tpu.memref_slice %arg7[%dma_wait3A_1478, %dma_wait3A_1487, %dma_wait3A_1488] : memref<8x8x128xf32, #tpu.memory_space<vmem>> -> memref<1x8x128xf32, #tpu.memory_space<vmem>>
    %dma_wait3A_1490 = tpu.memref_squeeze %dma_wait3A_1489 : memref<1x8x128xf32, #tpu.memory_space<vmem>> -> memref<8x128xf32, #tpu.memory_space<vmem>>
    tpu.wait_dma2 semaphore(%arg9 : memref<!tpu.dma_semaphore, #tpu.memory_space<semaphore_mem>>) src(%dma_wait3A_1490 : memref<8x128xf32, #tpu.memory_space<vmem>>) dst(%dma_wait3A_1486 : memref<8x128xf32, #tpu.memory_space<hbm>>)
    %dma_wait3A_1491 = arith.constant 7 : i32
    %dma_wait3A_1492 = arith.constant 0 : i32
    %dma_wait3A_1493 = arith.constant 0 : i32
    %dma_wait3A_1494 = tpu.memref_slice %arg7[%dma_wait3A_1491, %dma_wait3A_1492, %dma_wait3A_1493] : memref<8x8x128xf32, #tpu.memory_space<vmem>> -> memref<1x8x128xf32, #tpu.memory_space<vmem>>
    %dma_wait3A_1495 = tpu.memref_squeeze %dma_wait3A_1494 : memref<1x8x128xf32, #tpu.memory_space<vmem>> -> memref<8x128xf32, #tpu.memory_space<vmem>>
    %dma_wait3A_1496 = arith.constant 0 : i32
    %dma_wait3A_1497 = tpu.memref_slice %arg4[%mul3A_1386, %dma_wait3A_1496] : memref<2048x128xf32, #tpu.memory_space<hbm>> -> memref<8x128xf32, #tpu.memory_space<hbm>>
    %dma_wait3A_1498 = arith.constant 0 : i32
    %dma_wait3A_1499 = tpu.memref_slice %arg4[%mul3A_1386, %dma_wait3A_1498] : memref<2048x128xf32, #tpu.memory_space<hbm>> -> memref<8x128xf32, #tpu.memory_space<hbm>>
    %dma_wait3A_1500 = arith.constant 0 : i32
    %dma_wait3A_1501 = arith.constant 0 : i32
    %dma_wait3A_1502 = tpu.memref_slice %arg7[%dma_wait3A_1491, %dma_wait3A_1500, %dma_wait3A_1501] : memref<8x8x128xf32, #tpu.memory_space<vmem>> -> memref<1x8x128xf32, #tpu.memory_space<vmem>>
    %dma_wait3A_1503 = tpu.memref_squeeze %dma_wait3A_1502 : memref<1x8x128xf32, #tpu.memory_space<vmem>> -> memref<8x128xf32, #tpu.memory_space<vmem>>
    tpu.wait_dma2 semaphore(%arg9 : memref<!tpu.dma_semaphore, #tpu.memory_space<semaphore_mem>>) src(%dma_wait3A_1503 : memref<8x128xf32, #tpu.memory_space<vmem>>) dst(%dma_wait3A_1499 : memref<8x128xf32, #tpu.memory_space<hbm>>)
    return
  }
}

</mosaic_0001>

<sc_bundles>
// kernel: kernel.3.cloned.1.call-start
scs
__scs_entry_jumppad:
0x0: {  	(pc) =	sbr.rel $0x88, $3  }
0x1: {  	(tag) =	ssettag $0x0;
	lr =	simm.s32 $0x1  }
0x2: {  	[smem:$0x3F9F] =	sst lr;
	_ =	strace $0xD0000000  }
0x3: {  	_ = 	snop  }
0x4: {  	_ = 	snop  }
0x5: {  	_ = 	snop  }
0x6: {  	_ = 	snop  }
0x7: {  	_ = 	snop  }
__scs_overlays_trampoline_lowered:
0x8: {  	[smem:$0x3FAE] =	sst s0  }
0x9: {  	[smem:$0x3FAF] =	sst s1  }
0xa: {  	[smem:$0x3FB0] =	sst s2  }
0xb: {  	[smem:$0x3FB1] =	sst s3  }
0xc: {  	[smem:$0x3FB2] =	sst s4  }
0xd: {  	[smem:$0x3FB3] =	sst s5  }
0xe: {  	[smem:$0x3FB4] =	sst s6  }
0xf: {  	[smem:$0x3FB5] =	sst s7  }
0x10: {  	[smem:$0x3FB6] =	sst s8  }
0x11: {  	[smem:$0x3FB7] =	sst s9;
	s0 =	simm.s32 @!p0 $0x0  }
0x12: {  	s1 =	sld [smem:$0x3F9D];
	s0 =	simm.s32 @p0 $0x1  }
0x13: {  	[smem:$0x3FB8] =	sst s0;
	s0 =	simm.s32 @!p1 $0x0  }
0x14: {  	s2 =	sld [smem:$0x3F9C];
	s0 =	simm.s32 @p1 $0x1  }
0x15: {  	[smem:$0x3FB9] =	sst s0;
	s0 =	simm.s32 @!p2 $0x0  }
0x16: {  	s3 =	sld [smem:$0x3FDB];
	s0 =	simm.s32 @p2 $0x1  }
0x17: {  	s4 =	simm.s32 $0x1BF5;
	[smem:$0x3FBB] =	sst s0  }
0x18: {  	s0 =	sld [smem:$0x3F9E];
	_ =	swait.ge [sflag:s4], $0x0  }
0x19: {  	s7 =	sld [smem:$0x3F9F]  }
0x1a: {  	s8 =	sadd.s32 $0xFFFFE003, lr  }
0x1b: {  	s9 =	sadd.s32 $0xFFFFFEF7, lr;
	s5 =	simm.s32 $0xFFFFFFFF;
	p2 =	slt.u32 s8, $0xFFFFF086  }
0x1c: {  	p1 =	slt.u32 s9, $0xF7A;
	s5 =	simm.s32 @!p2 $0x0  }
0x1d: {  	s5 =	simm.s32 @p1 $0x1;
	p0 =	seq.s32 s7, s2  }
0x1e: {  	s7 =	smul.u32 @!p0 $0xF7A, s2;
	p2 =	seq.s32 @!p0 s5, $0x0  }
0x1f: {  	s9 =	smul.u32 $0xF7A, s1;
	s8 =	simm.s32 @!p0 $0x1BF5;
	p2 =	por !p2, p0  }
0x20: {  	[sflag:s8] =	ssyncset.s32 @!p0 $0xFFFFF086;
	s6 =	sadd.s32 @!p0 s3, s7;
	s7 =	simm.s32 @!p0 $0x108  }
0x21: {  	s3 =	sadd.s32 s3, s9;
	s6 =	sadd.s32 @!p0 $0x88, s6;
	s7 =	simm.s32 @p2 $0x1082  }
0x22: {  	[simem:s7], [sflag:s8] =	dma.local @!p0 [hbm:s6], $0xF7A  }
0x23: {  	s9 =	sor.u32 $0xD0000000, s2;
	s6 =	simm.s32 $0x108;
	_ =	swait.ge @!p0 [sflag:s8], $0x0  }
0x24: {  	s3 =	sadd.s32 $0x88, s3;
	s6 =	simm.s32 @!p1 $0x1082;
	[sflag:s4] =	ssyncset.s32 $0xFFFFF086  }
0x25: {  	[simem:s6], [sflag:s4] =	dma.local [hbm:s3], $0xF7A  }
0x26: {  	[smem:$0x3F9F] =	sst s1;
	(tag) =	ssettag s2;
	_ =	strace s9  }
0x27: {  	s1 =	sld [smem:$0x3FAF]  }
0x28: {  	s2 =	sld [smem:$0x3FB0]  }
0x29: {  	s4 =	sld [smem:$0x3FB2]  }
0x2a: {  	p0 =	seq.s32 s5, $0x0;
	s5 =	sld [smem:$0x3FB3]  }
0x2b: {  	s6 =	sld [smem:$0x3FB4]  }
0x2c: {  	s7 =	sld [smem:$0x3FB5]  }
0x2d: {  	s3 =	simm.s32 $0x108;
	s8 =	sld [smem:$0x3FB6]  }
0x2e: {  	s3 =	simm.s32 @!p0 $0x1082;
	s9 =	sld [smem:$0x3FB7]  }
0x2f: {  	lr =	sadd.s32 s0, s3;
	s0 =	sld [smem:$0x3FAE]  }
0x30: {  	s3 =	sld [smem:$0x3FB1]  }
0x31: {  	[smem:$0x3FBA] =	sst s10  }
0x32: {  	s10 =	sld [smem:$0x3FB8];
	_ =	sdelay $0x3  }
0x33: {  	p0 =	seq.s32 s10, $0x1;
	s10 =	sld [smem:$0x3FBA];
	_ =	sdelay $0x3  }
0x34: {  	[smem:$0x3FBA] =	sst s10  }
0x35: {  	s10 =	sld [smem:$0x3FB9];
	_ =	sdelay $0x3  }
0x36: {  	p1 =	seq.s32 s10, $0x1;
	s10 =	sld [smem:$0x3FBA];
	_ =	sdelay $0x3  }
0x37: {  	[smem:$0x3FBA] =	sst s10  }
0x38: {  	s10 =	sld [smem:$0x3FBB]  }
0x39: {  	_ = 	snop;
	(pc) =	sbr.ind lr, $3  }
0x3a: {  	_ = 	snop  }
0x3b: {  	_ = 	snop  }
0x3c: {  	p2 =	seq.s32 s10, $0x1;
	s10 =	sld [smem:$0x3FBA]  }
0x3d: {  	_ =	shalt  }
0x3e: {  	_ =	shalt  }
0x3f: {  	_ =	shalt  }
0x40: {  	_ =	shalt  }
0x41: {  	_ =	shalt  }
0x42: {  	_ =	shalt  }
0x43: {  	_ =	shalt  }
0x44: {  	_ =	shalt  }
0x45: {  	_ =	shalt  }
0x46: {  	_ =	shalt  }
0x47: {  	_ =	shalt  }
0x48: {  	_ =	shalt  }
0x49: {  	_ =	shalt  }
0x4a: {  	_ =	shalt  }
0x4b: {  	_ =	shalt  }
0x4c: {  	_ =	shalt  }
0x4d: {  	_ =	shalt  }
0x4e: {  	_ =	shalt  }
0x4f: {  	_ =	shalt  }
0x50: {  	_ =	shalt  }
0x51: {  	_ =	shalt  }
0x52: {  	_ =	shalt  }
0x53: {  	_ =	shalt  }
0x54: {  	_ =	shalt  }
0x55: {  	_ =	shalt  }
0x56: {  	_ =	shalt  }
0x57: {  	_ =	shalt  }
0x58: {  	_ =	shalt  }
0x59: {  	_ =	shalt  }
0x5a: {  	_ =	shalt  }
0x5b: {  	_ =	shalt  }
0x5c: {  	_ =	shalt  }
0x5d: {  	_ =	shalt  }
0x5e: {  	_ =	shalt  }
0x5f: {  	_ =	shalt  }
0x60: {  	_ =	shalt  }
0x61: {  	_ =	shalt  }
0x62: {  	_ =	shalt  }
0x63: {  	_ =	shalt  }
0x64: {  	_ =	shalt  }
0x65: {  	_ =	shalt  }
0x66: {  	_ =	shalt  }
0x67: {  	_ =	shalt  }
0x68: {  	_ =	shalt  }
0x69: {  	_ =	shalt  }
0x6a: {  	_ =	shalt  }
0x6b: {  	_ =	shalt  }
0x6c: {  	_ =	shalt  }
0x6d: {  	_ =	shalt  }
0x6e: {  	_ =	shalt  }
0x6f: {  	_ =	shalt  }
0x70: {  	_ =	shalt  }
0x71: {  	_ =	shalt  }
0x72: {  	_ =	shalt  }
0x73: {  	_ =	shalt  }
0x74: {  	_ =	shalt  }
0x75: {  	_ =	shalt  }
0x76: {  	_ =	shalt  }
0x77: {  	_ =	shalt  }
0x78: {  	_ =	shalt  }
0x79: {  	_ =	shalt  }
0x7a: {  	_ =	shalt  }
0x7b: {  	_ =	shalt  }
0x7c: {  	_ =	shalt  }
0x7d: {  	_ =	shalt  }
0x7e: {  	_ =	shalt  }
0x7f: {  	_ =	shalt  }
0x80: {  	_ =	shalt  }
0x81: {  	_ =	shalt  }
0x82: {  	_ =	shalt  }
0x83: {  	_ =	shalt  }
0x84: {  	_ =	shalt  }
0x85: {  	_ =	shalt  }
0x86: {  	_ =	shalt  }
0x87: {  	_ =	shalt  }
.Lfunc_end0:
.L_simem_size_0:
called_computation_lowered:
.L_overlay_start_0:
0x88: {  	s2 =	sld [smem:$0x3FD9]  }
0x89: {  	s3 =	sld [smem:$0x3FFE];
	_ =	sdelay $0x1  }
0x8a: {  	s1 =	srdreg.scid  }
0x8b: {  	s0 =	sand.u32 $0x1, s1  }
0x8c: {  	s17 =	sshll.u32 s0, $0xA;
	s2 =	sadd.s32 s3, s2  }
0x8d: {  	s2 =	sadd.s32 s2, s17  }
0x8e: {  	[smem:$0x3FC6] =	sst s2  }
0x8f: {  	_ = 	snop  }
0x90: {  	s2 =	sld [smem:$0x3FC9]  }
0x91: {  	s18 =	sld [smem:$0x3FD0];
	(tm) =	ssettm $0x1  }
0x92: {  	s4 =	sld [smem:$0x3FFB];
	_ =	sdelay $0x3  }
0x93: {  	_ =	strace s4  }
0x94: {  	s4 =	sld [smem:$0x3FFC];
	_ =	sdelay $0x3  }
0x95: {  	_ =	strace s4  }
0x96: {  	s4 =	sld [smem:$0x3FFD];
	_ =	sdelay $0x3  }
0x97: {  	_ =	strace s4  }
0x98: {  	_ =	strace $0x8FFFFFFF  }
0x99: {  	s19 =	sld [smem:$0x3FDB];
	_ =	sdelay $0x1  }
0x9a: {  	s5 =	simm.s32 $_scs_section_size  }
0x9b: {  	s6 =	simm.s32 $_size__tile_overlayer_lowered;
	s7 =	simm.s32 $_tile_overlayer_lowered  }
0x9c: {  	s22 =	simm.s32 $0x1BFF;
	s21 =	sshll.u32 s7, $0x1;
	s4 =	sadd.s32 s5, s19  }
0x9d: {  	s8 =	simm.s32 $0x0;
	s20 =	sshll.u32 s6, $0x1;
	s6 =	sadd.s32 s21, s4  }
0x9e: {  	[timem:s8], [sflag:s22] =	dma.local [hbm:s6], s20  }
0x9f: {  	_ =	swait.ge [sflag:s22], s20  }
0xa0: {  	s5 =	ssub.s32 $0x0, s20;
	[sflag:s22] =	ssyncset.done $0x0  }
0xa1: {  	[sflag:s22] =	ssyncadd.s32 s5;
	_ =	sdelay $0x1  }
0xa2: {  	s23 =	simm.s32 $0x1B8B  }
0xa3: {  	_ =	swait.ge [sflag:s23], $0x1  }
0xa4: {  	[sflag:s23] =	ssyncset.done $0x0  }
0xa5: {  	s25 =	simm.s32 $0x1B8E;
	s24 =	sld [smem:$0x3FFE];
	[sflag:s23] =	ssyncadd.s32 $0xFFFFFFFF  }
0xa6: {  	s26 =	simm.s32 $execute0_lowered;
	[smem:$0x3FD2] =	sst s25  }
0xa7: {  	s6 =	sshll.u32 s26, $0x1;
	_ =	strace $0x80000046;
	[dreg:$0x1] =	wrdreg $0xFFFFFFFF  }
0xa8: {  	s28 =	simm.s32 $_size_execute0_lowered;
	s4 =	sadd.s32 s4, s6;
	[dreg:$0x0] =	wrdreg $0x0  }
0xa9: {  	s6 =	sshll.u32 s28, $0x1;
	[dreg:$0x2] =	wrdreg s4  }
0xaa: {  	[dreg:$0x3] =	wrdreg s6  }
0xab: {  	[dreg:$0x4] =	wrdreg $0xC0  }
0xac: {  	_ =	task [dreg:s8], $0x5FFFF  }
0xad: {  	[dreg:$0x1] =	wrdreg $0xFFFFFFFF  }
0xae: {  	[dreg:$0x0] =	wrdreg $0x60  }
0xaf: {  	[dreg:$0x2] =	wrdreg s2  }
0xb0: {  	[dreg:$0x3] =	wrdreg s24  }
0xb1: {  	[dreg:$0x4] =	wrdreg s18  }
0xb2: {  	[dreg:$0x5] =	wrdreg $0x44000  }
0xb3: {  	[dreg:$0x6] =	wrdreg $0x9  }
0xb4: {  	_ =	task.clear_ibuf [dreg:s8], $0x7FFFF;
	_ =	strace $0x90000046  }
0xb5: {  	s29 =	simm.s32 $0x9;
	_ =	strace $0x80000048  }
0xb6: {  	_ =	swait.ge [sflag:s29], $0x1  }
0xb7: {  	[sflag:s29] =	ssyncadd.s32 $0xFFFFFFFF  }
0xb8: {  	_ =	strace $0x90000048  }
0xb9: {  	_ =	sfence  }
0xba: {  	s30 =	sld [smem:$0x0];
	_ =	sdelay $0x2  }
0xbb: {  	s31 =	sshll.u32 s1, $0xD;
	s1 =	sshrl.u32 s1, $0x2  }
0xbc: {  	s3 =	sand.u32 $0x4000, s31;
	s1 =	sadd.s32 s1, s30  }
0xbd: {  	s0 =	sor.u32 s3, s0;
	s1 =	sshll.u32 s1, $0x11  }
0xbe: {  	s0 =	sor.u32 s1, s0  }
0xbf: {  	s0 =	sadd.s32 $0x8F2B, s0  }
0xc0: {  	[sflag:s0] =	ssyncadd.remote.s32 $0x1  }
0xc1: {  	_ =	sfence.sel $0xFFFF  }
0xc2: {  	[dreg:$0x0] =	wrdreg $0xFFFFFFFF;
	(pc) =	sbr.abs _section_cstart, $3  }
0xc3: {  	[dreg:$0x1] =	wrdreg $0xFFFFFFFF  }
0xc4: {  	_ =	task.clear_ibuf [dreg:s8], $0x2FFFF;
	_ =	strace $0x9FFFFFFF  }
0xc5: {  	(tm) =	ssettm $0x7FFFFFFF  }
tec
execute0_lowered:
.L_overlay_start_1:
0x0: {  	(tag) =	ssettag $0x1  }
0x1: {  	s0 =	rddreg [dreg:$0x0]  }
0x2: {  	s1 =	rddreg [dreg:$0x1]  }
0x3: {  	s5 =	rddreg [dreg:$0x2]  }
0x4: {  	s3 =	srdreg.scid;
	s2 =	rddreg [dreg:$0x3]  }
0x5: {  	s11 =	stileid.u32;
	s17 =	simm.s32 $0x3;
	s18 =	simm.s32 $0x1  }
0x6: {  	s19 =	simm.s32 $0x80;
	s21 =	simm.s32 $0x2400;
	s28 =	simm.s32 $0x3000  }
0x7: {  	s30 =	simm.s32 $0x3400;
	s20 =	simm.s32 $0x3C00;
	s31 =	simm.s32 $0x2  }
0x8: {  	s4 =	sand.u32 $0x1, s3;
	s7 =	sshrl.u32 s11, $0x1;
	s3 =	simm.s32 $0x0  }
0x9: {  	s8 =	sand.u32 $0x1, s11;
	s24 =	sshll.u32 s11, $0xA;
	s26 =	sshll.u32 s11, $0x6  }
0xa: {  	s29 =	sshll.u32 s11, $0x7;
	s6 =	sshll.u32 s4, $0x3;
	p0 =	seq.s32 s8, $0x1  }
0xb: {  	s8 =	simm.s32 $0xC350;
	[smem:$0x7FF] =	sst s3;
	s9 =	ssub.s32 $0x2, s4  }
0xc: {  	s23 =	sshll.u32 s4, $0xE;
	s6 =	sor.u32 s7, s6;
	s8 =	simm.s32 @!p0 $0x0  }
0xd: {  	s7 =	smul.u32 $0x61A80, s7;
	_ =	strace $0x80000047;
	s10 =	sshrl.u32 s9, $0x1  }
0xe: {  	s25 =	sor.u32 s24, s23;
	s23 =	simm.s32 $0x2800;
	s24 =	simm.s32 $0x4000  }
0xf: {  	s6 =	smul.u32 $0x186A0, s6;
	s15 =	ssub.s32 s9, s10;
	s5 =	sadd.s32 s5, s25  }
0x10: {  	s25 =	simm.s32 $0x2C00;
	s22 =	sshrl.u32 s7, $0x2;
	s7 =	sadd.s32 s0, s29  }
0x11: {  	s9 =	sadd.s32 $0x100, s5;
	s10 =	sadd.s32 $0x180, s5;
	s11 =	sadd.s32 $0x200, s5  }
0x12: {  	s12 =	sadd.s32 $0x280, s5;
	s13 =	sadd.s32 $0x300, s5;
	s6 =	sadd.s32 s8, s6  }
0x13: {  	s14 =	sadd.s32 $0x380, s5;
	s15 =	smax.u32 s15, $0x1;
	s6 =	sshrl.u32 s6, $0x3  }
0x14: {  	s0 =	simm.s32 $0x3800;
	s1 =	sadd.s32 s6, s1;
	s6 =	sadd.s32 s22, s2  }
0x15: {  	s16 =	sadd.s32 s8, s6;
	s4 =	sadd.s32 $0x400, s1;
	s6 =	sor.u32 $0x1C01, s26  }
0x16: {  	s8 =	sadd.s32 $0x80, s5;
	s1 =	simm.s32 $0x0;
	s16 =	sshrl.u32 s16, $0x3  }
.LBB2_1:
0x17: {  	[spmem:s16], [sflag:s6] =	dma.local [hbm:s4], $0x186A  }
0x18: {  	[tilespmem:s3], [sflag:$0x3] =	stream.linear.gather [hbm4b:s7+s3], $0x400, $0x38;
	[tilespmem:$0x10750] =	vst v63  }
0x19: {  	_ =	swait.ge [sflag:s17], $0x400  }
0x1a: {  	[sflag:s17] =	ssyncset.done $0x0  }
0x1b: {  	s22 =	simm.s32 $0x0;
	[sflag:s17] =	ssyncadd.s32 $0xFFFFFC00  }
0x1c: {  	v4 =	vld [tilespmem:s22+$0x0];
	_ =	sdelay $0x4  }
0x1d: {  	[tilespmem:s22+$0x400] =	vst v4;
	v1 =	vadd.s32 $0xAAE60, v4  }
0x1e: {  	v5 =	vadd.s32 $0x186A0, v4;
	v0 =	vadd.s32 $0x30D40, v4;
	v2 =	vadd.s32 $0x493E0, v4;
	[tilespmem:s22+$0x2000] =	vst v1  }
0x1f: {  	s26 =	simm.s32 $0x10;
	s29 =	simm.s32 $0x80;
	v3 =	vadd.s32 $0x61A80, v4;
	v1 =	vadd.s32 $0x7A120, v4;
	[tilespmem:s22+$0x800] =	vst v5;
	v4 =	vadd.s32 $0x927C0, v4  }
.LBB2_2:
0x20: {  	p0 =	sne.s32 s29, $0xFC0;
	v5 =	vld [tilespmem:s26+$0x0];
	[tilespmem:s22+$0xC00] =	vst v0  }
0x21: {  	[tilespmem:s22+$0x1000] =	vst v2  }
0x22: {  	[tilespmem:s22+$0x1400] =	vst v3  }
.Ltmp0:
0x23: {  	[tilespmem:s22+$0x1800] =	vst v1;
	(pc) =	sbr.rel @p0 .LBB2_2-.Ltmp0, $4  }
0x24: {  	[tilespmem:s22+$0x1C00] =	vst v4;
	s22 =	smov.u32 s26  }
0x25: {  	[tilespmem:s22+$0x400] =	vst v5;
	v4 =	vadd.s32 $0x186A0, v5;
	v0 =	vadd.s32 $0x30D40, v5;
	v6 =	vadd.s32 $0xAAE60, v5  }
0x26: {  	v2 =	vadd.s32 $0x493E0, v5;
	v3 =	vadd.s32 $0x61A80, v5;
	v1 =	vadd.s32 $0x7A120, v5;
	[tilespmem:s22+$0x2000] =	vst v6  }
0x27: {  	s26 =	sshra.s32 s29, $0x2;
	s29 =	sadd.s32 $0x40, s29;
	[tilespmem:s22+$0x800] =	vst v4;
	v4 =	vadd.s32 $0x927C0, v5  }
0x28: {  	v5 =	vld [tilespmem:s26+$0x0];
	[tilespmem:s22+$0xC00] =	vst v0  }
0x29: {  	[tilespmem:s22+$0x1000] =	vst v2  }
0x2a: {  	[tilespmem:s22+$0x1400] =	vst v3  }
0x2b: {  	[tilespmem:s22+$0x1800] =	vst v1  }
0x2c: {  	[tilespmem:s22+$0x1C00] =	vst v4  }
0x2d: {  	[tilespmem:s26+$0x400] =	vst v5;
	v57 =	vadd.s32 $0xAAE60, v5  }
0x2e: {  	v58 =	vadd.s32 $0x186A0, v5;
	[tilespmem:s26+$0x2000] =	vst v57  }
0x2f: {  	v59 =	vadd.s32 $0x30D40, v5;
	[tilespmem:s26+$0x800] =	vst v58  }
0x30: {  	v60 =	vadd.s32 $0x493E0, v5;
	[tilespmem:s26+$0xC00] =	vst v59  }
0x31: {  	v61 =	vadd.s32 $0x61A80, v5;
	[tilespmem:s26+$0x1000] =	vst v60  }
0x32: {  	v62 =	vadd.s32 $0x7A120, v5;
	[tilespmem:s26+$0x1400] =	vst v61  }
0x33: {  	v63 =	vadd.s32 $0x927C0, v5;
	[tilespmem:s26+$0x1800] =	vst v62  }
0x34: {  	[tilespmem:s26+$0x1C00] =	vst v63  }
0x35: {  	_ =	swait.ge [sflag:s18], $0x186A  }
0x36: {  	[sflag:s18] =	ssyncset.done $0x0  }
0x37: {  	[sflag:s18] =	ssyncadd.s32 $0xFFFFE796  }
0x38: {  	s26 =	simm.s32 $0x400;
	[bflag:$0x0] =	sbarrier.arrive $0xFFFF  }
0x39: {  	[tilespmem:s21], [sflag:$0x2] =	stream.indirect.gather [spmem:s2], $0x1, s26, s19, $0xb8;
	[tilespmem:$0x10750] =	vst v63  }
0x3a: {  	s29 =	simm.s32 $0x480  }
0x3b: {  	[tilespmem:s23], [sflag:$0x2] =	stream.indirect.gather [spmem:s2], $0x1, s29, s19, $0xb8;
	[tilespmem:$0x10750] =	vst v63  }
0x3c: {  	s26 =	simm.s32 $0x500  }
0x3d: {  	[tilespmem:s25], [sflag:$0x2] =	stream.indirect.gather [spmem:s2], $0x1, s26, s19, $0xb8;
	[tilespmem:$0x10750] =	vst v63  }
0x3e: {  	s29 =	simm.s32 $0x580  }
0x3f: {  	[tilespmem:s28], [sflag:$0x2] =	stream.indirect.gather [spmem:s2], $0x1, s29, s19, $0xb8;
	[tilespmem:$0x10750] =	vst v63  }
0x40: {  	s26 =	simm.s32 $0x600  }
0x41: {  	[tilespmem:s30], [sflag:$0x2] =	stream.indirect.gather [spmem:s2], $0x1, s26, s19, $0xb8;
	[tilespmem:$0x10750] =	vst v63  }
0x42: {  	s29 =	simm.s32 $0x680  }
0x43: {  	[tilespmem:s0], [sflag:$0x2] =	stream.indirect.gather [spmem:s2], $0x1, s29, s19, $0xb8;
	[tilespmem:$0x10750] =	vst v63  }
0x44: {  	s26 =	simm.s32 $0x700  }
0x45: {  	[tilespmem:s20], [sflag:$0x2] =	stream.indirect.gather [spmem:s2], $0x1, s26, s19, $0xb8;
	[tilespmem:$0x10750] =	vst v63  }
0x46: {  	s29 =	simm.s32 $0x780  }
0x47: {  	[tilespmem:s24], [sflag:$0x2] =	stream.indirect.gather [spmem:s2], $0x1, s29, s19, $0xb8;
	[tilespmem:$0x10750] =	vst v63  }
0x48: {  	s26 =	simm.s32 $0x800;
	s29 =	simm.s32 $0x2480  }
0x49: {  	[tilespmem:s29], [sflag:$0x2] =	stream.indirect.gather [spmem:s2], $0x1, s26, s19, $0xb8;
	[tilespmem:$0x10750] =	vst v63  }
0x4a: {  	s26 =	simm.s32 $0x880;
	s29 =	simm.s32 $0x2880  }
0x4b: {  	[tilespmem:s29], [sflag:$0x2] =	stream.indirect.gather [spmem:s2], $0x1, s26, s19, $0xb8;
	[tilespmem:$0x10750] =	vst v63  }
0x4c: {  	s26 =	simm.s32 $0x900;
	s29 =	simm.s32 $0x2C80  }
0x4d: {  	[tilespmem:s29], [sflag:$0x2] =	stream.indirect.gather [spmem:s2], $0x1, s26, s19, $0xb8;
	[tilespmem:$0x10750] =	vst v63  }
0x4e: {  	s26 =	simm.s32 $0x980;
	s29 =	simm.s32 $0x3080  }
0x4f: {  	[tilespmem:s29], [sflag:$0x2] =	stream.indirect.gather [spmem:s2], $0x1, s26, s19, $0xb8;
	[tilespmem:$0x10750] =	vst v63  }
0x50: {  	s26 =	simm.s32 $0xA00;
	s29 =	simm.s32 $0x3480  }
0x51: {  	[tilespmem:s29], [sflag:$0x2] =	stream.indirect.gather [spmem:s2], $0x1, s26, s19, $0xb8;
	[tilespmem:$0x10750] =	vst v63  }
0x52: {  	s26 =	simm.s32 $0xA80;
	s29 =	simm.s32 $0x3880  }
0x53: {  	[tilespmem:s29], [sflag:$0x2] =	stream.indirect.gather [spmem:s2], $0x1, s26, s19, $0xb8;
	[tilespmem:$0x10750] =	vst v63  }
0x54: {  	s26 =	simm.s32 $0xB00;
	s29 =	simm.s32 $0x3C80  }
0x55: {  	[tilespmem:s29], [sflag:$0x2] =	stream.indirect.gather [spmem:s2], $0x1, s26, s19, $0xb8;
	[tilespmem:$0x10750] =	vst v63  }
0x56: {  	s26 =	simm.s32 $0xB80;
	s29 =	simm.s32 $0x4080  }
0x57: {  	[tilespmem:s29], [sflag:$0x2] =	stream.indirect.gather [spmem:s2], $0x1, s26, s19, $0xb8;
	[tilespmem:$0x10750] =	vst v63  }
0x58: {  	s26 =	simm.s32 $0xC00;
	s29 =	simm.s32 $0x2500  }
0x59: {  	[tilespmem:s29], [sflag:$0x2] =	stream.indirect.gather [spmem:s2], $0x1, s26, s19, $0xb8;
	[tilespmem:$0x10750] =	vst v63  }
0x5a: {  	s26 =	simm.s32 $0xC80;
	s29 =	simm.s32 $0x2900  }
0x5b: {  	[tilespmem:s29], [sflag:$0x2] =	stream.indirect.gather [spmem:s2], $0x1, s26, s19, $0xb8;
	[tilespmem:$0x10750] =	vst v63  }
0x5c: {  	s26 =	simm.s32 $0xD00;
	s29 =	simm.s32 $0x2D00  }
0x5d: {  	[tilespmem:s29], [sflag:$0x2] =	stream.indirect.gather [spmem:s2], $0x1, s26, s19, $0xb8;
	[tilespmem:$0x10750] =	vst v63  }
0x5e: {  	s26 =	simm.s32 $0xD80;
	s29 =	simm.s32 $0x3100  }
0x5f: {  	[tilespmem:s29], [sflag:$0x2] =	stream.indirect.gather [spmem:s2], $0x1, s26, s19, $0xb8;
	[tilespmem:$0x10750] =	vst v63  }
0x60: {  	s26 =	simm.s32 $0xE00;
	s29 =	simm.s32 $0x3500  }
0x61: {  	[tilespmem:s29], [sflag:$0x2] =	stream.indirect.gather [spmem:s2], $0x1, s26, s19, $0xb8;
	[tilespmem:$0x10750] =	vst v63  }
0x62: {  	s26 =	simm.s32 $0xE80;
	s29 =	simm.s32 $0x3900  }
0x63: {  	[tilespmem:s29], [sflag:$0x2] =	stream.indirect.gather [spmem:s2], $0x1, s26, s19, $0xb8;
	[tilespmem:$0x10750] =	vst v63  }
0x64: {  	s26 =	simm.s32 $0xF00;
	s29 =	simm.s32 $0x3D00  }
0x65: {  	[tilespmem:s29], [sflag:$0x2] =	stream.indirect.gather [spmem:s2], $0x1, s26, s19, $0xb8;
	[tilespmem:$0x10750] =	vst v63  }
0x66: {  	s26 =	simm.s32 $0xF80;
	s29 =	simm.s32 $0x4100  }
0x67: {  	[tilespmem:s29], [sflag:$0x2] =	stream.indirect.gather [spmem:s2], $0x1, s26, s19, $0xb8;
	[tilespmem:$0x10750] =	vst v63  }
0x68: {  	s26 =	simm.s32 $0x1000;
	s29 =	simm.s32 $0x2580  }
0x69: {  	[tilespmem:s29], [sflag:$0x2] =	stream.indirect.gather [spmem:s2], $0x1, s26, s19, $0xb8;
	[tilespmem:$0x10750] =	vst v63  }
0x6a: {  	s26 =	simm.s32 $0x1080;
	s29 =	simm.s32 $0x2980  }
0x6b: {  	[tilespmem:s29], [sflag:$0x2] =	stream.indirect.gather [spmem:s2], $0x1, s26, s19, $0xb8;
	[tilespmem:$0x10750] =	vst v63  }
0x6c: {  	s26 =	simm.s32 $0x1100;
	s29 =	simm.s32 $0x2D80  }
0x6d: {  	[tilespmem:s29], [sflag:$0x2] =	stream.indirect.gather [spmem:s2], $0x1, s26, s19, $0xb8;
	[tilespmem:$0x10750] =	vst v63  }
0x6e: {  	s26 =	simm.s32 $0x1180;
	s29 =	simm.s32 $0x3180  }
0x6f: {  	[tilespmem:s29], [sflag:$0x2] =	stream.indirect.gather [spmem:s2], $0x1, s26, s19, $0xb8;
	[tilespmem:$0x10750] =	vst v63  }
0x70: {  	s26 =	simm.s32 $0x1200;
	s29 =	simm.s32 $0x3580  }
0x71: {  	[tilespmem:s29], [sflag:$0x2] =	stream.indirect.gather [spmem:s2], $0x1, s26, s19, $0xb8;
	[tilespmem:$0x10750] =	vst v63  }
0x72: {  	s26 =	simm.s32 $0x1280;
	s29 =	simm.s32 $0x3980  }
0x73: {  	[tilespmem:s29], [sflag:$0x2] =	stream.indirect.gather [spmem:s2], $0x1, s26, s19, $0xb8;
	[tilespmem:$0x10750] =	vst v63  }
0x74: {  	s26 =	simm.s32 $0x1300;
	s29 =	simm.s32 $0x3D80  }
0x75: {  	[tilespmem:s29], [sflag:$0x2] =	stream.indirect.gather [spmem:s2], $0x1, s26, s19, $0xb8;
	[tilespmem:$0x10750] =	vst v63  }
0x76: {  	s26 =	simm.s32 $0x1380;
	s29 =	simm.s32 $0x4180  }
0x77: {  	[tilespmem:s29], [sflag:$0x2] =	stream.indirect.gather [spmem:s2], $0x1, s26, s19, $0xb8;
	[tilespmem:$0x10750] =	vst v63  }
0x78: {  	s26 =	simm.s32 $0x1400;
	s29 =	simm.s32 $0x2600  }
0x79: {  	[tilespmem:s29], [sflag:$0x2] =	stream.indirect.gather [spmem:s2], $0x1, s26, s19, $0xb8;
	[tilespmem:$0x10750] =	vst v63  }
0x7a: {  	s26 =	simm.s32 $0x1480;
	s29 =	simm.s32 $0x2A00  }
0x7b: {  	[tilespmem:s29], [sflag:$0x2] =	stream.indirect.gather [spmem:s2], $0x1, s26, s19, $0xb8;
	[tilespmem:$0x10750] =	vst v63  }
0x7c: {  	s26 =	simm.s32 $0x1500;
	s29 =	simm.s32 $0x2E00  }
0x7d: {  	[tilespmem:s29], [sflag:$0x2] =	stream.indirect.gather [spmem:s2], $0x1, s26, s19, $0xb8;
	[tilespmem:$0x10750] =	vst v63  }
0x7e: {  	s26 =	simm.s32 $0x1580;
	s29 =	simm.s32 $0x3200  }
0x7f: {  	[tilespmem:s29], [sflag:$0x2] =	stream.indirect.gather [spmem:s2], $0x1, s26, s19, $0xb8;
	[tilespmem:$0x10750] =	vst v63  }
0x80: {  	s26 =	simm.s32 $0x1600;
	s29 =	simm.s32 $0x3600  }
0x81: {  	[tilespmem:s29], [sflag:$0x2] =	stream.indirect.gather [spmem:s2], $0x1, s26, s19, $0xb8;
	[tilespmem:$0x10750] =	vst v63  }
0x82: {  	s26 =	simm.s32 $0x1680;
	s29 =	simm.s32 $0x3A00  }
0x83: {  	[tilespmem:s29], [sflag:$0x2] =	stream.indirect.gather [spmem:s2], $0x1, s26, s19, $0xb8;
	[tilespmem:$0x10750] =	vst v63  }
0x84: {  	s26 =	simm.s32 $0x1700;
	s29 =	simm.s32 $0x3E00  }
0x85: {  	[tilespmem:s29], [sflag:$0x2] =	stream.indirect.gather [spmem:s2], $0x1, s26, s19, $0xb8;
	[tilespmem:$0x10750] =	vst v63  }
0x86: {  	s26 =	simm.s32 $0x1780;
	s29 =	simm.s32 $0x4200  }
0x87: {  	[tilespmem:s29], [sflag:$0x2] =	stream.indirect.gather [spmem:s2], $0x1, s26, s19, $0xb8;
	[tilespmem:$0x10750] =	vst v63  }
0x88: {  	s26 =	simm.s32 $0x1800;
	s29 =	simm.s32 $0x2680  }
0x89: {  	[tilespmem:s29], [sflag:$0x2] =	stream.indirect.gather [spmem:s2], $0x1, s26, s19, $0xb8;
	[tilespmem:$0x10750] =	vst v63  }
0x8a: {  	s26 =	simm.s32 $0x1880;
	s29 =	simm.s32 $0x2A80  }
0x8b: {  	[tilespmem:s29], [sflag:$0x2] =	stream.indirect.gather [spmem:s2], $0x1, s26, s19, $0xb8;
	[tilespmem:$0x10750] =	vst v63  }
0x8c: {  	s26 =	simm.s32 $0x1900;
	s29 =	simm.s32 $0x2E80  }
0x8d: {  	[tilespmem:s29], [sflag:$0x2] =	stream.indirect.gather [spmem:s2], $0x1, s26, s19, $0xb8;
	[tilespmem:$0x10750] =	vst v63  }
0x8e: {  	s26 =	simm.s32 $0x1980;
	s29 =	simm.s32 $0x3280  }
0x8f: {  	[tilespmem:s29], [sflag:$0x2] =	stream.indirect.gather [spmem:s2], $0x1, s26, s19, $0xb8;
	[tilespmem:$0x10750] =	vst v63  }
0x90: {  	s26 =	simm.s32 $0x1A00;
	s29 =	simm.s32 $0x3680  }
0x91: {  	[tilespmem:s29], [sflag:$0x2] =	stream.indirect.gather [spmem:s2], $0x1, s26, s19, $0xb8;
	[tilespmem:$0x10750] =	vst v63  }
0x92: {  	s26 =	simm.s32 $0x1A80;
	s29 =	simm.s32 $0x3A80  }
0x93: {  	[tilespmem:s29], [sflag:$0x2] =	stream.indirect.gather [spmem:s2], $0x1, s26, s19, $0xb8;
	[tilespmem:$0x10750] =	vst v63  }
0x94: {  	s26 =	simm.s32 $0x1B00;
	s29 =	simm.s32 $0x3E80  }
0x95: {  	[tilespmem:s29], [sflag:$0x2] =	stream.indirect.gather [spmem:s2], $0x1, s26, s19, $0xb8;
	[tilespmem:$0x10750] =	vst v63  }
0x96: {  	s26 =	simm.s32 $0x1B80;
	s29 =	simm.s32 $0x4280  }
0x97: {  	[tilespmem:s29], [sflag:$0x2] =	stream.indirect.gather [spmem:s2], $0x1, s26, s19, $0xb8;
	[tilespmem:$0x10750] =	vst v63  }
0x98: {  	s26 =	simm.s32 $0x1C00;
	s29 =	simm.s32 $0x2700  }
0x99: {  	[tilespmem:s29], [sflag:$0x2] =	stream.indirect.gather [spmem:s2], $0x1, s26, s19, $0xb8;
	[tilespmem:$0x10750] =	vst v63  }
0x9a: {  	s26 =	simm.s32 $0x1C80;
	s29 =	simm.s32 $0x2B00  }
0x9b: {  	[tilespmem:s29], [sflag:$0x2] =	stream.indirect.gather [spmem:s2], $0x1, s26, s19, $0xb8;
	[tilespmem:$0x10750] =	vst v63  }
0x9c: {  	s26 =	simm.s32 $0x1D00;
	s29 =	simm.s32 $0x2F00  }
0x9d: {  	[tilespmem:s29], [sflag:$0x2] =	stream.indirect.gather [spmem:s2], $0x1, s26, s19, $0xb8;
	[tilespmem:$0x10750] =	vst v63  }
0x9e: {  	s26 =	simm.s32 $0x1D80;
	s29 =	simm.s32 $0x3300  }
0x9f: {  	[tilespmem:s29], [sflag:$0x2] =	stream.indirect.gather [spmem:s2], $0x1, s26, s19, $0xb8;
	[tilespmem:$0x10750] =	vst v63  }
0xa0: {  	s26 =	simm.s32 $0x1E00;
	s29 =	simm.s32 $0x3700  }
0xa1: {  	[tilespmem:s29], [sflag:$0x2] =	stream.indirect.gather [spmem:s2], $0x1, s26, s19, $0xb8;
	[tilespmem:$0x10750] =	vst v63  }
0xa2: {  	s26 =	simm.s32 $0x1E80;
	s29 =	simm.s32 $0x3B00  }
0xa3: {  	[tilespmem:s29], [sflag:$0x2] =	stream.indirect.gather [spmem:s2], $0x1, s26, s19, $0xb8;
	[tilespmem:$0x10750] =	vst v63  }
0xa4: {  	s26 =	simm.s32 $0x1F00;
	s29 =	simm.s32 $0x3F00  }
0xa5: {  	[tilespmem:s29], [sflag:$0x2] =	stream.indirect.gather [spmem:s2], $0x1, s26, s19, $0xb8;
	[tilespmem:$0x10750] =	vst v63  }
0xa6: {  	s26 =	simm.s32 $0x1F80;
	s29 =	simm.s32 $0x4300  }
0xa7: {  	[tilespmem:s29], [sflag:$0x2] =	stream.indirect.gather [spmem:s2], $0x1, s26, s19, $0xb8;
	[tilespmem:$0x10750] =	vst v63  }
0xa8: {  	s26 =	simm.s32 $0x2000;
	s29 =	simm.s32 $0x2780  }
0xa9: {  	[tilespmem:s29], [sflag:$0x2] =	stream.indirect.gather [spmem:s2], $0x1, s26, s19, $0xb8;
	[tilespmem:$0x10750] =	vst v63  }
0xaa: {  	s26 =	simm.s32 $0x2080;
	s29 =	simm.s32 $0x2B80  }
0xab: {  	[tilespmem:s29], [sflag:$0x2] =	stream.indirect.gather [spmem:s2], $0x1, s26, s19, $0xb8;
	[tilespmem:$0x10750] =	vst v63  }
0xac: {  	s26 =	simm.s32 $0x2100;
	s29 =	simm.s32 $0x2F80  }
0xad: {  	[tilespmem:s29], [sflag:$0x2] =	stream.indirect.gather [spmem:s2], $0x1, s26, s19, $0xb8;
	[tilespmem:$0x10750] =	vst v63  }
0xae: {  	s26 =	simm.s32 $0x2180;
	s29 =	simm.s32 $0x3380  }
0xaf: {  	[tilespmem:s29], [sflag:$0x2] =	stream.indirect.gather [spmem:s2], $0x1, s26, s19, $0xb8;
	[tilespmem:$0x10750] =	vst v63  }
0xb0: {  	s26 =	simm.s32 $0x2200;
	s29 =	simm.s32 $0x3780  }
0xb1: {  	[tilespmem:s29], [sflag:$0x2] =	stream.indirect.gather [spmem:s2], $0x1, s26, s19, $0xb8;
	[tilespmem:$0x10750] =	vst v63  }
0xb2: {  	s26 =	simm.s32 $0x2280;
	s29 =	simm.s32 $0x3B80  }
0xb3: {  	[tilespmem:s29], [sflag:$0x2] =	stream.indirect.gather [spmem:s2], $0x1, s26, s19, $0xb8;
	[tilespmem:$0x10750] =	vst v63  }
0xb4: {  	s26 =	simm.s32 $0x2300;
	s29 =	simm.s32 $0x3F80  }
0xb5: {  	[tilespmem:s29], [sflag:$0x2] =	stream.indirect.gather [spmem:s2], $0x1, s26, s19, $0xb8;
	[tilespmem:$0x10750] =	vst v63  }
0xb6: {  	s26 =	simm.s32 $0x2380;
	s29 =	simm.s32 $0x4380  }
0xb7: {  	[tilespmem:s29], [sflag:$0x2] =	stream.indirect.gather [spmem:s2], $0x1, s26, s19, $0xb8;
	[tilespmem:$0x10750] =	vst v63  }
0xb8: {  	_ =	swait.ge [sflag:s31], $0x80  }
0xb9: {  	[sflag:s31] =	ssyncset.done $0x0  }
0xba: {  	[sflag:s31] =	ssyncadd.s32 $0xFFFFFF80  }
0xbb: {  	_ =	swait.ge [sflag:s31], $0x80  }
0xbc: {  	[sflag:s31] =	ssyncset.done $0x0  }
0xbd: {  	[sflag:s31] =	ssyncadd.s32 $0xFFFFFF80  }
0xbe: {  	_ =	swait.ge [sflag:s31], $0x80  }
0xbf: {  	[sflag:s31] =	ssyncset.done $0x0  }
0xc0: {  	[sflag:s31] =	ssyncadd.s32 $0xFFFFFF80  }
0xc1: {  	_ =	swait.ge [sflag:s31], $0x80  }
0xc2: {  	[sflag:s31] =	ssyncset.done $0x0  }
0xc3: {  	[sflag:s31] =	ssyncadd.s32 $0xFFFFFF80  }
0xc4: {  	_ =	swait.ge [sflag:s31], $0x80  }
0xc5: {  	[sflag:s31] =	ssyncset.done $0x0  }
0xc6: {  	[sflag:s31] =	ssyncadd.s32 $0xFFFFFF80  }
0xc7: {  	_ =	swait.ge [sflag:s31], $0x80  }
0xc8: {  	[sflag:s31] =	ssyncset.done $0x0  }
0xc9: {  	[sflag:s31] =	ssyncadd.s32 $0xFFFFFF80  }
0xca: {  	_ =	swait.ge [sflag:s31], $0x80  }
0xcb: {  	[sflag:s31] =	ssyncset.done $0x0  }
0xcc: {  	[sflag:s31] =	ssyncadd.s32 $0xFFFFFF80  }
0xcd: {  	_ =	swait.ge [sflag:s31], $0x80  }
0xce: {  	[sflag:s31] =	ssyncset.done $0x0  }
0xcf: {  	[sflag:s31] =	ssyncadd.s32 $0xFFFFFF80  }
0xd0: {  	_ =	swait.ge [sflag:s31], $0x80  }
0xd1: {  	[sflag:s31] =	ssyncset.done $0x0  }
0xd2: {  	[sflag:s31] =	ssyncadd.s32 $0xFFFFFF80  }
0xd3: {  	_ =	swait.ge [sflag:s31], $0x80  }
0xd4: {  	[sflag:s31] =	ssyncset.done $0x0  }
0xd5: {  	[sflag:s31] =	ssyncadd.s32 $0xFFFFFF80  }
0xd6: {  	_ =	swait.ge [sflag:s31], $0x80  }
0xd7: {  	[sflag:s31] =	ssyncset.done $0x0  }
0xd8: {  	[sflag:s31] =	ssyncadd.s32 $0xFFFFFF80  }
0xd9: {  	_ =	swait.ge [sflag:s31], $0x80  }
0xda: {  	[sflag:s31] =	ssyncset.done $0x0  }
0xdb: {  	[sflag:s31] =	ssyncadd.s32 $0xFFFFFF80  }
0xdc: {  	_ =	swait.ge [sflag:s31], $0x80  }
0xdd: {  	[sflag:s31] =	ssyncset.done $0x0  }
0xde: {  	[sflag:s31] =	ssyncadd.s32 $0xFFFFFF80  }
0xdf: {  	_ =	swait.ge [sflag:s31], $0x80  }
0xe0: {  	[sflag:s31] =	ssyncset.done $0x0  }
0xe1: {  	[sflag:s31] =	ssyncadd.s32 $0xFFFFFF80  }
0xe2: {  	_ =	swait.ge [sflag:s31], $0x80  }
0xe3: {  	[sflag:s31] =	ssyncset.done $0x0  }
0xe4: {  	[sflag:s31] =	ssyncadd.s32 $0xFFFFFF80  }
0xe5: {  	_ =	swait.ge [sflag:s31], $0x80  }
0xe6: {  	[sflag:s31] =	ssyncset.done $0x0  }
0xe7: {  	[sflag:s31] =	ssyncadd.s32 $0xFFFFFF80  }
0xe8: {  	_ =	swait.ge [sflag:s31], $0x80  }
0xe9: {  	[sflag:s31] =	ssyncset.done $0x0  }
0xea: {  	[sflag:s31] =	ssyncadd.s32 $0xFFFFFF80  }
0xeb: {  	_ =	swait.ge [sflag:s31], $0x80  }
0xec: {  	[sflag:s31] =	ssyncset.done $0x0  }
0xed: {  	[sflag:s31] =	ssyncadd.s32 $0xFFFFFF80  }
0xee: {  	_ =	swait.ge [sflag:s31], $0x80  }
0xef: {  	[sflag:s31] =	ssyncset.done $0x0  }
0xf0: {  	[sflag:s31] =	ssyncadd.s32 $0xFFFFFF80  }
0xf1: {  	_ =	swait.ge [sflag:s31], $0x80  }
0xf2: {  	[sflag:s31] =	ssyncset.done $0x0  }
0xf3: {  	[sflag:s31] =	ssyncadd.s32 $0xFFFFFF80  }
0xf4: {  	_ =	swait.ge [sflag:s31], $0x80  }
0xf5: {  	[sflag:s31] =	ssyncset.done $0x0  }
0xf6: {  	[sflag:s31] =	ssyncadd.s32 $0xFFFFFF80  }
0xf7: {  	_ =	swait.ge [sflag:s31], $0x80  }
0xf8: {  	[sflag:s31] =	ssyncset.done $0x0  }
0xf9: {  	[sflag:s31] =	ssyncadd.s32 $0xFFFFFF80  }
0xfa: {  	_ =	swait.ge [sflag:s31], $0x80  }
0xfb: {  	[sflag:s31] =	ssyncset.done $0x0  }
0xfc: {  	[sflag:s31] =	ssyncadd.s32 $0xFFFFFF80  }
0xfd: {  	_ =	swait.ge [sflag:s31], $0x80  }
0xfe: {  	[sflag:s31] =	ssyncset.done $0x0  }
0xff: {  	[sflag:s31] =	ssyncadd.s32 $0xFFFFFF80  }
0x100: {  	_ =	swait.ge [sflag:s31], $0x80  }
0x101: {  	[sflag:s31] =	ssyncset.done $0x0  }
0x102: {  	[sflag:s31] =	ssyncadd.s32 $0xFFFFFF80  }
0x103: {  	_ =	swait.ge [sflag:s31], $0x80  }
0x104: {  	[sflag:s31] =	ssyncset.done $0x0  }
0x105: {  	[sflag:s31] =	ssyncadd.s32 $0xFFFFFF80  }
0x106: {  	_ =	swait.ge [sflag:s31], $0x80  }
0x107: {  	[sflag:s31] =	ssyncset.done $0x0  }
0x108: {  	[sflag:s31] =	ssyncadd.s32 $0xFFFFFF80  }
0x109: {  	_ =	swait.ge [sflag:s31], $0x80  }
0x10a: {  	[sflag:s31] =	ssyncset.done $0x0  }
0x10b: {  	[sflag:s31] =	ssyncadd.s32 $0xFFFFFF80  }
0x10c: {  	_ =	swait.ge [sflag:s31], $0x80  }
0x10d: {  	[sflag:s31] =	ssyncset.done $0x0  }
0x10e: {  	[sflag:s31] =	ssyncadd.s32 $0xFFFFFF80  }
0x10f: {  	_ =	swait.ge [sflag:s31], $0x80  }
0x110: {  	[sflag:s31] =	ssyncset.done $0x0  }
0x111: {  	[sflag:s31] =	ssyncadd.s32 $0xFFFFFF80  }
0x112: {  	_ =	swait.ge [sflag:s31], $0x80  }
0x113: {  	[sflag:s31] =	ssyncset.done $0x0  }
0x114: {  	[sflag:s31] =	ssyncadd.s32 $0xFFFFFF80  }
0x115: {  	_ =	swait.ge [sflag:s31], $0x80  }
0x116: {  	[sflag:s31] =	ssyncset.done $0x0  }
0x117: {  	[sflag:s31] =	ssyncadd.s32 $0xFFFFFF80  }
0x118: {  	_ =	swait.ge [sflag:s31], $0x80  }
0x119: {  	[sflag:s31] =	ssyncset.done $0x0  }
0x11a: {  	[sflag:s31] =	ssyncadd.s32 $0xFFFFFF80  }
0x11b: {  	_ =	swait.ge [sflag:s31], $0x80  }
0x11c: {  	[sflag:s31] =	ssyncset.done $0x0  }
0x11d: {  	[sflag:s31] =	ssyncadd.s32 $0xFFFFFF80  }
0x11e: {  	_ =	swait.ge [sflag:s31], $0x80  }
0x11f: {  	[sflag:s31] =	ssyncset.done $0x0  }
0x120: {  	[sflag:s31] =	ssyncadd.s32 $0xFFFFFF80  }
0x121: {  	_ =	swait.ge [sflag:s31], $0x80  }
0x122: {  	[sflag:s31] =	ssyncset.done $0x0  }
0x123: {  	[sflag:s31] =	ssyncadd.s32 $0xFFFFFF80  }
0x124: {  	_ =	swait.ge [sflag:s31], $0x80  }
0x125: {  	[sflag:s31] =	ssyncset.done $0x0  }
0x126: {  	[sflag:s31] =	ssyncadd.s32 $0xFFFFFF80  }
0x127: {  	_ =	swait.ge [sflag:s31], $0x80  }
0x128: {  	[sflag:s31] =	ssyncset.done $0x0  }
0x129: {  	[sflag:s31] =	ssyncadd.s32 $0xFFFFFF80  }
0x12a: {  	_ =	swait.ge [sflag:s31], $0x80  }
0x12b: {  	[sflag:s31] =	ssyncset.done $0x0  }
0x12c: {  	[sflag:s31] =	ssyncadd.s32 $0xFFFFFF80  }
0x12d: {  	_ =	swait.ge [sflag:s31], $0x80  }
0x12e: {  	[sflag:s31] =	ssyncset.done $0x0  }
0x12f: {  	[sflag:s31] =	ssyncadd.s32 $0xFFFFFF80  }
0x130: {  	_ =	swait.ge [sflag:s31], $0x80  }
0x131: {  	[sflag:s31] =	ssyncset.done $0x0  }
0x132: {  	[sflag:s31] =	ssyncadd.s32 $0xFFFFFF80  }
0x133: {  	_ =	swait.ge [sflag:s31], $0x80  }
0x134: {  	[sflag:s31] =	ssyncset.done $0x0  }
0x135: {  	[sflag:s31] =	ssyncadd.s32 $0xFFFFFF80  }
0x136: {  	_ =	swait.ge [sflag:s31], $0x80  }
0x137: {  	[sflag:s31] =	ssyncset.done $0x0  }
0x138: {  	[sflag:s31] =	ssyncadd.s32 $0xFFFFFF80  }
0x139: {  	_ =	swait.ge [sflag:s31], $0x80  }
0x13a: {  	[sflag:s31] =	ssyncset.done $0x0  }
0x13b: {  	[sflag:s31] =	ssyncadd.s32 $0xFFFFFF80  }
0x13c: {  	_ =	swait.ge [sflag:s31], $0x80  }
0x13d: {  	[sflag:s31] =	ssyncset.done $0x0  }
0x13e: {  	[sflag:s31] =	ssyncadd.s32 $0xFFFFFF80  }
0x13f: {  	_ =	swait.ge [sflag:s31], $0x80  }
0x140: {  	[sflag:s31] =	ssyncset.done $0x0  }
0x141: {  	[sflag:s31] =	ssyncadd.s32 $0xFFFFFF80  }
0x142: {  	_ =	swait.ge [sflag:s31], $0x80  }
0x143: {  	[sflag:s31] =	ssyncset.done $0x0  }
0x144: {  	[sflag:s31] =	ssyncadd.s32 $0xFFFFFF80  }
0x145: {  	_ =	swait.ge [sflag:s31], $0x80  }
0x146: {  	[sflag:s31] =	ssyncset.done $0x0  }
0x147: {  	[sflag:s31] =	ssyncadd.s32 $0xFFFFFF80  }
0x148: {  	_ =	swait.ge [sflag:s31], $0x80  }
0x149: {  	[sflag:s31] =	ssyncset.done $0x0  }
0x14a: {  	[sflag:s31] =	ssyncadd.s32 $0xFFFFFF80  }
0x14b: {  	_ =	swait.ge [sflag:s31], $0x80  }
0x14c: {  	[sflag:s31] =	ssyncset.done $0x0  }
0x14d: {  	[sflag:s31] =	ssyncadd.s32 $0xFFFFFF80  }
0x14e: {  	_ =	swait.ge [sflag:s31], $0x80  }
0x14f: {  	[sflag:s31] =	ssyncset.done $0x0  }
0x150: {  	[sflag:s31] =	ssyncadd.s32 $0xFFFFFF80  }
0x151: {  	_ =	swait.ge [sflag:s31], $0x80  }
0x152: {  	[sflag:s31] =	ssyncset.done $0x0  }
0x153: {  	[sflag:s31] =	ssyncadd.s32 $0xFFFFFF80  }
0x154: {  	_ =	swait.ge [sflag:s31], $0x80  }
0x155: {  	[sflag:s31] =	ssyncset.done $0x0  }
0x156: {  	[sflag:s31] =	ssyncadd.s32 $0xFFFFFF80  }
0x157: {  	_ =	swait.ge [sflag:s31], $0x80  }
0x158: {  	[sflag:s31] =	ssyncset.done $0x0  }
0x159: {  	[sflag:s31] =	ssyncadd.s32 $0xFFFFFF80  }
0x15a: {  	_ =	swait.ge [sflag:s31], $0x80  }
0x15b: {  	[sflag:s31] =	ssyncset.done $0x0  }
0x15c: {  	[sflag:s31] =	ssyncadd.s32 $0xFFFFFF80  }
0x15d: {  	_ =	swait.ge [sflag:s31], $0x80  }
0x15e: {  	[sflag:s31] =	ssyncset.done $0x0  }
0x15f: {  	[sflag:s31] =	ssyncadd.s32 $0xFFFFFF80  }
0x160: {  	_ =	swait.ge [sflag:s31], $0x80  }
0x161: {  	[sflag:s31] =	ssyncset.done $0x0  }
0x162: {  	[sflag:s31] =	ssyncadd.s32 $0xFFFFFF80  }
0x163: {  	_ =	swait.ge [sflag:s31], $0x80  }
0x164: {  	[sflag:s31] =	ssyncset.done $0x0  }
0x165: {  	[sflag:s31] =	ssyncadd.s32 $0xFFFFFF80  }
0x166: {  	_ =	swait.ge [sflag:s31], $0x80  }
0x167: {  	[sflag:s31] =	ssyncset.done $0x0  }
0x168: {  	[sflag:s31] =	ssyncadd.s32 $0xFFFFFF80  }
0x169: {  	_ =	swait.ge [sflag:s31], $0x80  }
0x16a: {  	[sflag:s31] =	ssyncset.done $0x0  }
0x16b: {  	[sflag:s31] =	ssyncadd.s32 $0xFFFFFF80  }
0x16c: {  	_ =	swait.ge [sflag:s31], $0x80  }
0x16d: {  	[sflag:s31] =	ssyncset.done $0x0  }
0x16e: {  	[sflag:s31] =	ssyncadd.s32 $0xFFFFFF80  }
0x16f: {  	_ =	swait.ge [sflag:s31], $0x80  }
0x170: {  	[sflag:s31] =	ssyncset.done $0x0  }
0x171: {  	[sflag:s31] =	ssyncadd.s32 $0xFFFFFF80  }
0x172: {  	_ =	swait.ge [sflag:s31], $0x80  }
0x173: {  	[sflag:s31] =	ssyncset.done $0x0  }
0x174: {  	[sflag:s31] =	ssyncadd.s32 $0xFFFFFF80  }
0x175: {  	_ =	swait.ge [sflag:s31], $0x80  }
0x176: {  	[sflag:s31] =	ssyncset.done $0x0  }
0x177: {  	[sflag:s31] =	ssyncadd.s32 $0xFFFFFF80  }
0x178: {  	[hbm4b:s5+s3] =	stream.linear.scatter [tilespmem:s21], [sflag:$0x1], $0x400, $0x38;
	[tilespmem:$0x10750] =	vst v63  }
0x179: {  	_ = 	snop  }
0x17a: {  	[hbm4b:s8+s3] =	stream.linear.scatter [tilespmem:s23], [sflag:$0x1], $0x400, $0x38;
	[tilespmem:$0x10750] =	vst v63  }
0x17b: {  	_ = 	snop  }
0x17c: {  	[hbm4b:s9+s3] =	stream.linear.scatter [tilespmem:s25], [sflag:$0x1], $0x400, $0x38;
	[tilespmem:$0x10750] =	vst v63  }
0x17d: {  	_ = 	snop  }
0x17e: {  	[hbm4b:s10+s3] =	stream.linear.scatter [tilespmem:s28], [sflag:$0x1], $0x400, $0x38;
	[tilespmem:$0x10750] =	vst v63  }
0x17f: {  	_ = 	snop  }
0x180: {  	[hbm4b:s11+s3] =	stream.linear.scatter [tilespmem:s30], [sflag:$0x1], $0x400, $0x38;
	[tilespmem:$0x10750] =	vst v63  }
0x181: {  	_ = 	snop  }
0x182: {  	[hbm4b:s12+s3] =	stream.linear.scatter [tilespmem:s0], [sflag:$0x1], $0x400, $0x38;
	[tilespmem:$0x10750] =	vst v63  }
0x183: {  	_ = 	snop  }
0x184: {  	[hbm4b:s13+s3] =	stream.linear.scatter [tilespmem:s20], [sflag:$0x1], $0x400, $0x38;
	[tilespmem:$0x10750] =	vst v63  }
0x185: {  	_ = 	snop  }
0x186: {  	[hbm4b:s14+s3] =	stream.linear.scatter [tilespmem:s24], [sflag:$0x1], $0x400, $0x38;
	[tilespmem:$0x10750] =	vst v63  }
0x187: {  	_ =	swait.ge [sflag:s18], $0x400  }
0x188: {  	[sflag:s18] =	ssyncset.done $0x0  }
0x189: {  	[sflag:s18] =	ssyncadd.s32 $0xFFFFFC00  }
0x18a: {  	_ =	swait.ge [sflag:s18], $0x400  }
0x18b: {  	[sflag:s18] =	ssyncset.done $0x0  }
0x18c: {  	[sflag:s18] =	ssyncadd.s32 $0xFFFFFC00  }
0x18d: {  	_ =	swait.ge [sflag:s18], $0x400  }
0x18e: {  	[sflag:s18] =	ssyncset.done $0x0  }
0x18f: {  	[sflag:s18] =	ssyncadd.s32 $0xFFFFFC00  }
0x190: {  	_ =	swait.ge [sflag:s18], $0x400  }
0x191: {  	[sflag:s18] =	ssyncset.done $0x0  }
0x192: {  	[sflag:s18] =	ssyncadd.s32 $0xFFFFFC00  }
0x193: {  	_ =	swait.ge [sflag:s18], $0x400  }
0x194: {  	[sflag:s18] =	ssyncset.done $0x0  }
0x195: {  	[sflag:s18] =	ssyncadd.s32 $0xFFFFFC00  }
0x196: {  	_ =	swait.ge [sflag:s18], $0x400  }
0x197: {  	[sflag:s18] =	ssyncset.done $0x0  }
0x198: {  	s1 =	sadd.s32 $0x1, s1;
	[sflag:s18] =	ssyncadd.s32 $0xFFFFFC00  }
0x199: {  	p0 =	sne.s32 s1, s15;
	_ =	swait.ge [sflag:s18], $0x400  }
.Ltmp1:
0x19a: {  	[sflag:s18] =	ssyncset.done $0x0;
	(pc) =	sbr.rel @p0 .LBB2_1-.Ltmp1, $4  }
0x19b: {  	[sflag:s18] =	ssyncadd.s32 $0xFFFFFC00  }
0x19c: {  	_ =	swait.ge [sflag:s18], $0x400  }
0x19d: {  	[sflag:s18] =	ssyncset.done $0x0  }
0x19e: {  	[sflag:s18] =	ssyncadd.s32 $0xFFFFFC00  }
0x19f: {  	_ =	sfence.sel $0x180000  }
0x1a0: {  	[bflag:$0x0] =	sbarrier.arrive $0xFFFF  }
0x1a1: {  	_ =	strace $0x90000047  }
0x1a2: {  	s0 =	stileid.u32;
	[bflag:$0x2] =	sbarrier.arrive $0xFFFF  }
0x1a3: {  	p0 =	sne.s32 s0, $0x0;
	s0 =	rddreg [dreg:$0x4]  }
0x1a4: {  	s0 =	sadd.s32 @!p0 $0x100000, s0  }
0x1a5: {  	[sflag:s0] =	ssyncadd.tile.s32 @!p0 $0x1;
	_ =	shalt  }
.Lfunc_end2:
_tile_overlayer_lowered:
.L_overlay_start_2:
0x1a6: {  	(tag) =	ssettag $0x2  }
0x1a7: {  	s0 =	rddreg [dreg:$0x0];
	s2 =	stileid.u32  }
0x1a8: {  	s1 =	rddreg [dreg:$0x1];
	p0 =	sne.s32 s2, $0x0  }
0x1a9: {  	s3 =	rddreg [dreg:$0x2];
	[bflag:$0x3] =	sbarrier.arrive $0xFFFF;
	s2 =	simm.s32 @!p0 $0x1C03  }
0x1aa: {  	[timem:s3], [sflag:s2] =	dma.local @!p0 [hbm:s0], s1  }
0x1ab: {  	s0 =	simm.s32 @!p0 $0x3  }
0x1ac: {  	_ =	swait.ge @!p0 [sflag:s0], s1  }
0x1ad: {  	s1 =	ssub.s32 @!p0 $0x0, s1;
	[sflag:s0] =	ssyncset.done @!p0 $0x0  }
0x1ae: {  	[sflag:s0] =	ssyncadd.s32 @!p0 s1  }
0x1af: {  	[bflag:$0x3] =	sbarrier.arrive $0xFFFF  }
0x1b0: {  	_ =	shalt  }

</sc_bundles>
